<compile_context>
chip_gen: v7x
topology: tpu7x:2x2x1
jax: 0.10.2.dev20260603
libtpu: 0.0.44.dev20260713+nightly
codegen_flags: <defaults>
</compile_context>

<pallas_src>
import functools

import jax
import jax.numpy as jnp
from jax import lax
from jax.experimental import pallas as pl
from jax.experimental.pallas import tpu as pltpu
from jax.experimental.pallas import tpu_sc as plsc

N = 10000
E = 320000
IN_DIM = 128
HID_DIM = 256
OUT_DIM = 128

NC = 2
NS = 16
K = 128
NB = 2
IDXG = 8
EPAD = 327680
ROWS_PAD = 10112
RPT_Z = 632
RPT_O = 624
D = 128
DEG_W = 16

_mesh = plsc.VectorSubcoreMesh(core_axis_name="c", subcore_axis_name="s")


def _zero_fill(buf, nrows, width):
    def z(i, _):
        for j in range(width // 16):
            buf[i, pl.ds(j * 16, 16)] = jnp.zeros((16,), jnp.float32)
        return 0
    lax.fori_loop(0, nrows, z, 0)


def _zero_accum(zbuf, accum, s):
    r0 = pl.multiple_of(s * RPT_Z, 8)
    for off, n in ((0, 128), (128, 128), (256, 128), (384, 128), (512, 120)):
        pltpu.sync_copy(zbuf.at[pl.ds(0, n)], accum.at[pl.ds(r0 + off, n)])


def _copy_out(accum, out, s):
    q0 = pl.multiple_of(s * RPT_O, 8)
    pltpu.sync_copy(accum.at[pl.ds(q0, RPT_O)], out.at[pl.ds(q0, RPT_O)])

    @pl.when(s == NS - 1)
    def _():
        tail = N - NS * RPT_O
        pltpu.sync_copy(accum.at[pl.ds(NS * RPT_O, tail)],
                        out.at[pl.ds(NS * RPT_O, tail)])


def _deg_body(dst_hbm, z_hbm, ones_hbm, out0, out1, buf, idxb, accum):
    c = lax.axis_index("c")
    s = lax.axis_index("s")
    r0 = pl.multiple_of(s * RPT_Z, 8)
    pltpu.sync_copy(z_hbm, accum.at[pl.ds(r0, RPT_Z)])
    pltpu.sync_copy(ones_hbm, buf)
    plsc.subcore_barrier()

    nch = EPAD // K // (NC * NS)
    base_ch = (s * NC + c) * nch

    def it(g, _):
        ch0 = pl.multiple_of(base_ch + g * IDXG, IDXG)
        pltpu.sync_copy(dst_hbm.at[pl.ds(ch0, IDXG)], idxb)
        for k in range(IDXG):
            pltpu.sync_copy(buf, accum.at[idxb.at[k]], add=True)
        return 0
    lax.fori_loop(0, nch // IDXG, it, 0)
    plsc.subcore_barrier()

    @pl.when(c == 0)
    def _():
        _copy_out(accum, out0, s)

    @pl.when(c == 1)
    def _():
        _copy_out(accum, out1, s)


_deg_kernel = functools.partial(
    pl.kernel,
    mesh=_mesh,
    out_type=[jax.ShapeDtypeStruct((N, DEG_W), jnp.float32)] * 2,
    scratch_types=[
        pltpu.VMEM((K, DEG_W), jnp.float32),
        pltpu.VMEM((IDXG, K), jnp.int32),
        pltpu.VMEM_SHARED((ROWS_PAD, DEG_W), jnp.float32),
    ],
)(_deg_body)


def _edge_body(split_edges, src_hbm, dst_hbm, z_hbm, t0, t1, o0, o1,
               srcb, dstb, rows, zbuf, accum, gs0):
    gsems = (gs0,)
    c = lax.axis_index("c")
    s = lax.axis_index("s")
    pltpu.sync_copy(z_hbm, zbuf)
    _zero_accum(zbuf, accum, s)
    plsc.subcore_barrier()

    nch = EPAD // K // (NC * NS if split_edges else NS)
    base_ch = ((s * NC + c) if split_edges else s) * nch

    def run(tbl, out):
        def it(i, _):
            e0 = pl.multiple_of(base_ch * K + i * K, K)
            pltpu.sync_copy(src_hbm.at[pl.ds(e0, K)], srcb.at[0])
            pltpu.sync_copy(dst_hbm.at[pl.ds(e0, K)], dstb.at[0])
            pltpu.async_copy(tbl.at[srcb.at[0]], rows.at[0],
                             gsems[0]).wait()
            pltpu.sync_copy(rows.at[0], accum.at[dstb.at[0]], add=True)
            return 0
        lax.fori_loop(0, nch, it, 0)
        plsc.subcore_barrier()
        _copy_out(accum, out, s)

    @pl.when(c == 0)
    def _():
        run(t0, o0)

    @pl.when(c == 1)
    def _():
        run(t1, o1)


def _make_edge_kernel(split_edges):
    return functools.partial(
        pl.kernel,
        mesh=_mesh,
        out_type=[jax.ShapeDtypeStruct((N, D), jnp.float32)] * 2,
        scratch_types=[
            pltpu.VMEM((2, K), jnp.int32),
            pltpu.VMEM((2, K), jnp.int32),
            pltpu.VMEM((NB, K, D), jnp.float32),
            pltpu.VMEM((K, D), jnp.float32),
            pltpu.VMEM_SHARED((ROWS_PAD, D), jnp.float32),
        ] + [pltpu.SemaphoreType.DMA],
    )(functools.partial(_edge_body, split_edges))


_edge_l1 = _make_edge_kernel(False)
_edge_l2 = _make_edge_kernel(True)


BM = 1000


def _mm1_body(x_ref, d_ref, w_ref, o1_ref, o2_ref):
    xa = x_ref[...] * d_ref[...]
    h = jnp.dot(xa, w_ref[...], preferred_element_type=jnp.float32)
    o1_ref[...] = h[:, :128]
    o2_ref[...] = h[:, 128:]


def _mm2_body(alo_ref, ahi_ref, glo_ref, ghi_ref, d_ref, b1_ref, w2_ref, o_ref):
    d = d_ref[...]
    b = b1_ref[...]
    ulo = d * jnp.maximum(d * (alo_ref[...] + glo_ref[...]) + b[:, :128], 0.0)
    uhi = d * jnp.maximum(d * (ahi_ref[...] + ghi_ref[...]) + b[:, 128:], 0.0)
    w = w2_ref[...]
    o_ref[...] = (jnp.dot(ulo, w[:128, :], preferred_element_type=jnp.float32)
                  + jnp.dot(uhi, w[128:, :], preferred_element_type=jnp.float32))


def _ew_body(a0_ref, a1_ref, g_ref, d_ref, b2_ref, o_ref):
    o_ref[...] = (d_ref[...] * (a0_ref[...] + a1_ref[...] + g_ref[...])
                  + b2_ref[...])


def _row_spec(w):
    return pl.BlockSpec((BM, w), lambda i: (i, 0))


def _full_spec(h, w):
    return pl.BlockSpec((h, w), lambda i: (0, 0))


def kernel(x, edge_index, W1, b1, W2, b2):
    src = edge_index[0].astype(jnp.int32)
    dst = edge_index[1].astype(jnp.int32)
    pad = EPAD - E
    srcp = jnp.concatenate([src, jnp.zeros((pad,), jnp.int32)])
    dstp = jnp.concatenate([dst, jnp.full((pad,), N, jnp.int32)])
    srcp2 = srcp.reshape(EPAD // K, K)
    dstp2 = dstp.reshape(EPAD // K, K)

    zd = jnp.zeros((RPT_Z, DEG_W), jnp.float32)
    ob = jnp.ones((K, DEG_W), jnp.float32)
    zb = jnp.zeros((K, D), jnp.float32)
    c0, c1 = _deg_kernel(dstp2, zd, ob)
    cnt = (c0 + c1)[:, 0]
    dinv = lax.rsqrt(cnt + 1.0)
    dcol = dinv[:, None]

    g1lo, g1hi = pl.pallas_call(
        _mm1_body,
        grid=(N // BM,),
        in_specs=[_row_spec(128), _row_spec(1), _full_spec(128, 256)],
        out_specs=[_row_spec(128)] * 2,
        out_shape=[jax.ShapeDtypeStruct((N, 128), jnp.float32)] * 2,
    )(x, dcol, W1)

    a1lo, a1hi = _edge_l1(srcp, dstp, zb, g1lo, g1hi)

    g2 = pl.pallas_call(
        _mm2_body,
        grid=(N // BM,),
        in_specs=[_row_spec(128)] * 4 + [_row_spec(1), _full_spec(1, 256),
                                         _full_spec(256, 128)],
        out_specs=_row_spec(128),
        out_shape=jax.ShapeDtypeStruct((N, 128), jnp.float32),
    )(a1lo, a1hi, g1lo, g1hi, dcol, b1.reshape(1, HID_DIM), W2)

    a20, a21 = _edge_l2(srcp, dstp, zb, g2, g2)

    out = pl.pallas_call(
        _ew_body,
        grid=(N // BM,),
        in_specs=[_row_spec(128)] * 3 + [_row_spec(1), _full_spec(1, 128)],
        out_specs=_row_spec(128),
        out_shape=jax.ShapeDtypeStruct((N, OUT_DIM), jnp.float32),
    )(a20, a21, g2, dcol, b2.reshape(1, OUT_DIM))
    return out

# --- scband reference (transcript-rebuilt; emitter-appended) ---
"""Pipeline reference for scband-gcnmodel-47631187313055 (READ-ONLY COPY).

The authoritative reference and input builder live on the scoring server;
editing this copy changes nothing except your own understanding.
"""

import jax, jax.numpy as jnp
import numpy as np

NUM_NODES = 10000
NUM_EDGES = 320000
IN_DIM = 128
HID_DIM = 256
OUT_DIM = 128


def setup_inputs(seed: int = 0) -> dict:
    key = jax.random.key(seed)
    k_x, k_ei, k_w1, k_b1, k_w2, k_b2 = jax.random.split(key, 6)
    x = jax.random.normal(k_x, (NUM_NODES, IN_DIM), dtype=jnp.float32)
    edge_index = jax.random.randint(k_ei, (2, NUM_EDGES), 0, NUM_NODES, dtype=jnp.int64)
    # Glorot-style init for GCNConv weights, zeros for biases (PyG defaults)
    s1 = (6.0 / (IN_DIM + HID_DIM)) ** 0.5
    W1 = jax.random.uniform(k_w1, (IN_DIM, HID_DIM), minval=-s1, maxval=s1, dtype=jnp.float32)
    b1 = jnp.zeros((HID_DIM,), dtype=jnp.float32)
    s2 = (6.0 / (HID_DIM + OUT_DIM)) ** 0.5
    W2 = jax.random.uniform(k_w2, (HID_DIM, OUT_DIM), minval=-s2, maxval=s2, dtype=jnp.float32)
    b2 = jnp.zeros((OUT_DIM,), dtype=jnp.float32)
    return {"x": x, "edge_index": edge_index, "W1": W1, "b1": b1, "W2": W2, "b2": b2}


def _gcn_conv(x, edge_index, W, b, num_nodes):
    # GCNConv: add self-loops, symmetric normalization, linear transform,
    # gather messages from src, scatter-add into dst, add bias.
    src = edge_index[0]
    dst = edge_index[1]
    loop = jnp.arange(num_nodes, dtype=src.dtype)
    src = jnp.concatenate([src, loop], axis=0)
    dst = jnp.concatenate([dst, loop], axis=0)
    deg = jnp.zeros((num_nodes,), dtype=x.dtype).at[dst].add(1.0)
    deg_inv_sqrt = jnp.where(deg > 0, deg ** -0.5, 0.0)
    norm = deg_inv_sqrt[src] * deg_inv_sqrt[dst]
    h = x @ W
    msg = h[src] * norm[:, None]
    out = jnp.zeros((num_nodes, W.shape[1]), dtype=h.dtype).at[dst].add(msg)
    return out + b


def reference(x, edge_index, W1, b1, W2, b2):
    num_nodes = x.shape[0]
    h = _gcn_conv(x, edge_index, W1, b1, num_nodes)
    h = jax.nn.relu(h)
    out = _gcn_conv(h, edge_index, W2, b2, num_nodes)
    return out

if __name__ == "__main__":
    import jax
    _d = setup_inputs()
    print(jax.jit(kernel)(*tuple(_d.values())))

</pallas_src>

<mosaic_0001>
#map = affine_map<(d0, d1) -> (0, 0)>
module attributes {stable_mosaic.version = 14 : i64} {
  func.func @_deg_body(%arg0: i32, %arg1: i32, %arg2: memref<2560x128xi32, #tpu.memory_space<hbm>>, %arg3: memref<632x16xf32, #tpu.memory_space<hbm>>, %arg4: memref<128x16xf32, #tpu.memory_space<hbm>>, %arg5: memref<10000x16xf32, #tpu.memory_space<hbm>>, %arg6: memref<10000x16xf32, #tpu.memory_space<hbm>>, %arg7: memref<128x16xf32, #tpu.memory_space<vmem>>, %arg8: memref<8x128xi32, #tpu.memory_space<vmem>>, %arg9: memref<10112x16xf32, #tpu.memory_space<vmem_shared>>) attributes {dimension_semantics = [#tpu.dimension_semantics<core_parallel>, #tpu.dimension_semantics<subcore_parallel>], iteration_bounds = array<i64: 2, 16>, scalar_prefetch = 0 : i64, scratch_operands = 3 : i64, tpu.core_type = #tpu.core_type<sc_vector_subcore>, window_params = [{transform_indices = #map}, {transform_indices = #map}, {transform_indices = #map}, {transform_indices = #map}, {transform_indices = #map}]} {
    %mul3A = arith.constant 632 : i32
    %mul3A_0 = arith.muli %arg1, %mul3A : i32
    %multiple_of3A = tpu.assume_multiple %mul3A_0, 8 : i32
    "tpu.region"() ({
      %run_scoped3A = tpu.sem_alloc : memref<!tpu.dma_semaphore, #tpu.memory_space<semaphore_mem>>
      %dma_start3A = arith.constant 0 : i32
      %dma_start3A_19 = tpu.memref_slice %arg9[%multiple_of3A, %dma_start3A] : memref<10112x16xf32, #tpu.memory_space<vmem_shared>> -> memref<632x16xf32, #tpu.memory_space<vmem_shared>>
      tpu.enqueue_dma source(%arg3 : memref<632x16xf32, #tpu.memory_space<hbm>>) target(%dma_start3A_19 : memref<632x16xf32, #tpu.memory_space<vmem_shared>>) target_semaphore(%run_scoped3A : memref<!tpu.dma_semaphore, #tpu.memory_space<semaphore_mem>>)
      %dma_wait3A = arith.constant 0 : i32
      %dma_wait3A_20 = tpu.memref_slice %arg9[%multiple_of3A, %dma_wait3A] : memref<10112x16xf32, #tpu.memory_space<vmem_shared>> -> memref<632x16xf32, #tpu.memory_space<vmem_shared>>
      tpu.wait_dma2 semaphore(%run_scoped3A : memref<!tpu.dma_semaphore, #tpu.memory_space<semaphore_mem>>) src(%arg3 : memref<632x16xf32, #tpu.memory_space<hbm>>) dst(%dma_wait3A_20 : memref<632x16xf32, #tpu.memory_space<vmem_shared>>)
      tpu.yield
    }) : () -> ()
    "tpu.region"() ({
      %run_scoped3A = tpu.sem_alloc : memref<!tpu.dma_semaphore, #tpu.memory_space<semaphore_mem>>
      tpu.enqueue_dma source(%arg4 : memref<128x16xf32, #tpu.memory_space<hbm>>) target(%arg7 : memref<128x16xf32, #tpu.memory_space<vmem>>) target_semaphore(%run_scoped3A : memref<!tpu.dma_semaphore, #tpu.memory_space<semaphore_mem>>)
      tpu.wait_dma2 semaphore(%run_scoped3A : memref<!tpu.dma_semaphore, #tpu.memory_space<semaphore_mem>>) src(%arg4 : memref<128x16xf32, #tpu.memory_space<hbm>>) dst(%arg7 : memref<128x16xf32, #tpu.memory_space<vmem>>)
      tpu.yield
    }) : () -> ()
    %barrier3A = arith.constant 0 : index
    tpu.barrier barrier_id(%barrier3A)
    %mul3A_1 = arith.constant 2 : i32
    %mul3A_2 = arith.muli %arg1, %mul3A_1 : i32
    %add3A = arith.addi %mul3A_2, %arg0 : i32
    %mul3A_3 = arith.constant 80 : i32
    %mul3A_4 = arith.muli %add3A, %mul3A_3 : i32
    %scan3A = arith.constant 0 : i32
    %scan3A_5 = arith.constant 0 : i32
    %scan3A_6 = arith.constant 10 : i32
    %scan3A_7 = arith.addi %scan3A_5, %scan3A_6 : i32
    %scan3A_8 = arith.constant 1 : i32
    %scan3A_9 = scf.for %scan3A_19 = %scan3A_5 to %scan3A_7 step %scan3A_8 iter_args(%scan3A_20 = %scan3A) -> (i32)  : i32 {
      %mul3A_21 = arith.constant 8 : i32
      %mul3A_22 = arith.muli %scan3A_19, %mul3A_21 : i32
      %add3A_23 = arith.addi %mul3A_4, %mul3A_22 : i32
      %multiple_of3A_24 = tpu.assume_multiple %add3A_23, 8 : i32
      "tpu.region"() ({
        %run_scoped3A_33 = tpu.sem_alloc : memref<!tpu.dma_semaphore, #tpu.memory_space<semaphore_mem>>
        %dma_start3A = arith.constant 0 : i32
        %dma_start3A_34 = tpu.memref_slice %arg2[%multiple_of3A_24, %dma_start3A] : memref<2560x128xi32, #tpu.memory_space<hbm>> -> memref<8x128xi32, #tpu.memory_space<hbm>>
        %dma_start3A_35 = arith.constant 0 : i32
        %dma_start3A_36 = tpu.memref_slice %arg2[%multiple_of3A_24, %dma_start3A_35] : memref<2560x128xi32, #tpu.memory_space<hbm>> -> memref<8x128xi32, #tpu.memory_space<hbm>>
        tpu.enqueue_dma source(%dma_start3A_36 : memref<8x128xi32, #tpu.memory_space<hbm>>) target(%arg8 : memref<8x128xi32, #tpu.memory_space<vmem>>) target_semaphore(%run_scoped3A_33 : memref<!tpu.dma_semaphore, #tpu.memory_space<semaphore_mem>>)
        %dma_wait3A = arith.constant 0 : i32
        %dma_wait3A_37 = tpu.memref_slice %arg2[%multiple_of3A_24, %dma_wait3A] : memref<2560x128xi32, #tpu.memory_space<hbm>> -> memref<8x128xi32, #tpu.memory_space<hbm>>
        %dma_wait3A_38 = arith.constant 0 : i32
        %dma_wait3A_39 = tpu.memref_slice %arg2[%multiple_of3A_24, %dma_wait3A_38] : memref<2560x128xi32, #tpu.memory_space<hbm>> -> memref<8x128xi32, #tpu.memory_space<hbm>>
        tpu.wait_dma2 semaphore(%run_scoped3A_33 : memref<!tpu.dma_semaphore, #tpu.memory_space<semaphore_mem>>) src(%dma_wait3A_39 : memref<8x128xi32, #tpu.memory_space<hbm>>) dst(%arg8 : memref<8x128xi32, #tpu.memory_space<vmem>>)
        tpu.yield
      }) : () -> ()
      %run_scoped3A = arith.constant 0 : i32
      "tpu.region"() ({
        %run_scoped3A_33 = tpu.sem_alloc : memref<!tpu.dma_semaphore, #tpu.memory_space<semaphore_mem>>
        %dma_start3A = arith.constant 0 : i32
        %dma_start3A_34 = tpu.memref_slice %arg8[%run_scoped3A, %dma_start3A] : memref<8x128xi32, #tpu.memory_space<vmem>> -> memref<1x128xi32, #tpu.memory_space<vmem>>
        %dma_start3A_35 = tpu.memref_squeeze %dma_start3A_34 : memref<1x128xi32, #tpu.memory_space<vmem>> -> memref<128xi32, #tpu.memory_space<vmem>>
        %dma_start3A_36 = arith.constant 0 : i32
        %dma_start3A_37 = arith.constant 0 : i32
        %dma_start3A_38 = tpu.memref_slice %arg9[%dma_start3A_36, %dma_start3A_37] : memref<10112x16xf32, #tpu.memory_space<vmem_shared>> -> memref<10112x16xf32, #tpu.memory_space<vmem_shared>>
        tpu.enqueue_indirect_dma source(%arg7 : memref<128x16xf32, #tpu.memory_space<vmem>>) target(%dma_start3A_38 : memref<10112x16xf32, #tpu.memory_space<vmem_shared>>) offsets(%dma_start3A_35 : memref<128xi32, #tpu.memory_space<vmem>>) semaphore(%run_scoped3A_33 : memref<!tpu.dma_semaphore, #tpu.memory_space<semaphore_mem>>) {add = true}
        %dma_wait3A = arith.constant 0 : i32
        %dma_wait3A_39 = tpu.memref_slice %arg8[%run_scoped3A, %dma_wait3A] : memref<8x128xi32, #tpu.memory_space<vmem>> -> memref<1x128xi32, #tpu.memory_space<vmem>>
        %dma_wait3A_40 = tpu.memref_squeeze %dma_wait3A_39 : memref<1x128xi32, #tpu.memory_space<vmem>> -> memref<128xi32, #tpu.memory_space<vmem>>
        %dma_wait3A_41 = arith.constant 0 : i32
        %dma_wait3A_42 = arith.constant 0 : i32
        %dma_wait3A_43 = tpu.memref_slice %arg9[%dma_wait3A_41, %dma_wait3A_42] : memref<10112x16xf32, #tpu.memory_space<vmem_shared>> -> memref<10112x16xf32, #tpu.memory_space<vmem_shared>>
        tpu.wait_indirect_dma semaphore(%run_scoped3A_33 : memref<!tpu.dma_semaphore, #tpu.memory_space<semaphore_mem>>) src(%arg7 : memref<128x16xf32, #tpu.memory_space<vmem>>) dst(%dma_wait3A_43 : memref<10112x16xf32, #tpu.memory_space<vmem_shared>>)
        tpu.yield
      }) : () -> ()
      %run_scoped3A_25 = arith.constant 1 : i32
      "tpu.region"() ({
        %run_scoped3A_33 = tpu.sem_alloc : memref<!tpu.dma_semaphore, #tpu.memory_space<semaphore_mem>>
        %dma_start3A = arith.constant 0 : i32
        %dma_start3A_34 = tpu.memref_slice %arg8[%run_scoped3A_25, %dma_start3A] : memref<8x128xi32, #tpu.memory_space<vmem>> -> memref<1x128xi32, #tpu.memory_space<vmem>>
        %dma_start3A_35 = tpu.memref_squeeze %dma_start3A_34 : memref<1x128xi32, #tpu.memory_space<vmem>> -> memref<128xi32, #tpu.memory_space<vmem>>
        %dma_start3A_36 = arith.constant 0 : i32
        %dma_start3A_37 = arith.constant 0 : i32
        %dma_start3A_38 = tpu.memref_slice %arg9[%dma_start3A_36, %dma_start3A_37] : memref<10112x16xf32, #tpu.memory_space<vmem_shared>> -> memref<10112x16xf32, #tpu.memory_space<vmem_shared>>
        tpu.enqueue_indirect_dma source(%arg7 : memref<128x16xf32, #tpu.memory_space<vmem>>) target(%dma_start3A_38 : memref<10112x16xf32, #tpu.memory_space<vmem_shared>>) offsets(%dma_start3A_35 : memref<128xi32, #tpu.memory_space<vmem>>) semaphore(%run_scoped3A_33 : memref<!tpu.dma_semaphore, #tpu.memory_space<semaphore_mem>>) {add = true}
        %dma_wait3A = arith.constant 0 : i32
        %dma_wait3A_39 = tpu.memref_slice %arg8[%run_scoped3A_25, %dma_wait3A] : memref<8x128xi32, #tpu.memory_space<vmem>> -> memref<1x128xi32, #tpu.memory_space<vmem>>
        %dma_wait3A_40 = tpu.memref_squeeze %dma_wait3A_39 : memref<1x128xi32, #tpu.memory_space<vmem>> -> memref<128xi32, #tpu.memory_space<vmem>>
        %dma_wait3A_41 = arith.constant 0 : i32
        %dma_wait3A_42 = arith.constant 0 : i32
        %dma_wait3A_43 = tpu.memref_slice %arg9[%dma_wait3A_41, %dma_wait3A_42] : memref<10112x16xf32, #tpu.memory_space<vmem_shared>> -> memref<10112x16xf32, #tpu.memory_space<vmem_shared>>
        tpu.wait_indirect_dma semaphore(%run_scoped3A_33 : memref<!tpu.dma_semaphore, #tpu.memory_space<semaphore_mem>>) src(%arg7 : memref<128x16xf32, #tpu.memory_space<vmem>>) dst(%dma_wait3A_43 : memref<10112x16xf32, #tpu.memory_space<vmem_shared>>)
        tpu.yield
      }) : () -> ()
      %run_scoped3A_26 = arith.constant 2 : i32
      "tpu.region"() ({
        %run_scoped3A_33 = tpu.sem_alloc : memref<!tpu.dma_semaphore, #tpu.memory_space<semaphore_mem>>
        %dma_start3A = arith.constant 0 : i32
        %dma_start3A_34 = tpu.memref_slice %arg8[%run_scoped3A_26, %dma_start3A] : memref<8x128xi32, #tpu.memory_space<vmem>> -> memref<1x128xi32, #tpu.memory_space<vmem>>
        %dma_start3A_35 = tpu.memref_squeeze %dma_start3A_34 : memref<1x128xi32, #tpu.memory_space<vmem>> -> memref<128xi32, #tpu.memory_space<vmem>>
        %dma_start3A_36 = arith.constant 0 : i32
        %dma_start3A_37 = arith.constant 0 : i32
        %dma_start3A_38 = tpu.memref_slice %arg9[%dma_start3A_36, %dma_start3A_37] : memref<10112x16xf32, #tpu.memory_space<vmem_shared>> -> memref<10112x16xf32, #tpu.memory_space<vmem_shared>>
        tpu.enqueue_indirect_dma source(%arg7 : memref<128x16xf32, #tpu.memory_space<vmem>>) target(%dma_start3A_38 : memref<10112x16xf32, #tpu.memory_space<vmem_shared>>) offsets(%dma_start3A_35 : memref<128xi32, #tpu.memory_space<vmem>>) semaphore(%run_scoped3A_33 : memref<!tpu.dma_semaphore, #tpu.memory_space<semaphore_mem>>) {add = true}
        %dma_wait3A = arith.constant 0 : i32
        %dma_wait3A_39 = tpu.memref_slice %arg8[%run_scoped3A_26, %dma_wait3A] : memref<8x128xi32, #tpu.memory_space<vmem>> -> memref<1x128xi32, #tpu.memory_space<vmem>>
        %dma_wait3A_40 = tpu.memref_squeeze %dma_wait3A_39 : memref<1x128xi32, #tpu.memory_space<vmem>> -> memref<128xi32, #tpu.memory_space<vmem>>
        %dma_wait3A_41 = arith.constant 0 : i32
        %dma_wait3A_42 = arith.constant 0 : i32
        %dma_wait3A_43 = tpu.memref_slice %arg9[%dma_wait3A_41, %dma_wait3A_42] : memref<10112x16xf32, #tpu.memory_space<vmem_shared>> -> memref<10112x16xf32, #tpu.memory_space<vmem_shared>>
        tpu.wait_indirect_dma semaphore(%run_scoped3A_33 : memref<!tpu.dma_semaphore, #tpu.memory_space<semaphore_mem>>) src(%arg7 : memref<128x16xf32, #tpu.memory_space<vmem>>) dst(%dma_wait3A_43 : memref<10112x16xf32, #tpu.memory_space<vmem_shared>>)
        tpu.yield
      }) : () -> ()
      %run_scoped3A_27 = arith.constant 3 : i32
      "tpu.region"() ({
        %run_scoped3A_33 = tpu.sem_alloc : memref<!tpu.dma_semaphore, #tpu.memory_space<semaphore_mem>>
        %dma_start3A = arith.constant 0 : i32
        %dma_start3A_34 = tpu.memref_slice %arg8[%run_scoped3A_27, %dma_start3A] : memref<8x128xi32, #tpu.memory_space<vmem>> -> memref<1x128xi32, #tpu.memory_space<vmem>>
        %dma_start3A_35 = tpu.memref_squeeze %dma_start3A_34 : memref<1x128xi32, #tpu.memory_space<vmem>> -> memref<128xi32, #tpu.memory_space<vmem>>
        %dma_start3A_36 = arith.constant 0 : i32
        %dma_start3A_37 = arith.constant 0 : i32
        %dma_start3A_38 = tpu.memref_slice %arg9[%dma_start3A_36, %dma_start3A_37] : memref<10112x16xf32, #tpu.memory_space<vmem_shared>> -> memref<10112x16xf32, #tpu.memory_space<vmem_shared>>
        tpu.enqueue_indirect_dma source(%arg7 : memref<128x16xf32, #tpu.memory_space<vmem>>) target(%dma_start3A_38 : memref<10112x16xf32, #tpu.memory_space<vmem_shared>>) offsets(%dma_start3A_35 : memref<128xi32, #tpu.memory_space<vmem>>) semaphore(%run_scoped3A_33 : memref<!tpu.dma_semaphore, #tpu.memory_space<semaphore_mem>>) {add = true}
        %dma_wait3A = arith.constant 0 : i32
        %dma_wait3A_39 = tpu.memref_slice %arg8[%run_scoped3A_27, %dma_wait3A] : memref<8x128xi32, #tpu.memory_space<vmem>> -> memref<1x128xi32, #tpu.memory_space<vmem>>
        %dma_wait3A_40 = tpu.memref_squeeze %dma_wait3A_39 : memref<1x128xi32, #tpu.memory_space<vmem>> -> memref<128xi32, #tpu.memory_space<vmem>>
        %dma_wait3A_41 = arith.constant 0 : i32
        %dma_wait3A_42 = arith.constant 0 : i32
        %dma_wait3A_43 = tpu.memref_slice %arg9[%dma_wait3A_41, %dma_wait3A_42] : memref<10112x16xf32, #tpu.memory_space<vmem_shared>> -> memref<10112x16xf32, #tpu.memory_space<vmem_shared>>
        tpu.wait_indirect_dma semaphore(%run_scoped3A_33 : memref<!tpu.dma_semaphore, #tpu.memory_space<semaphore_mem>>) src(%arg7 : memref<128x16xf32, #tpu.memory_space<vmem>>) dst(%dma_wait3A_43 : memref<10112x16xf32, #tpu.memory_space<vmem_shared>>)
        tpu.yield
      }) : () -> ()
      %run_scoped3A_28 = arith.constant 4 : i32
      "tpu.region"() ({
        %run_scoped3A_33 = tpu.sem_alloc : memref<!tpu.dma_semaphore, #tpu.memory_space<semaphore_mem>>
        %dma_start3A = arith.constant 0 : i32
        %dma_start3A_34 = tpu.memref_slice %arg8[%run_scoped3A_28, %dma_start3A] : memref<8x128xi32, #tpu.memory_space<vmem>> -> memref<1x128xi32, #tpu.memory_space<vmem>>
        %dma_start3A_35 = tpu.memref_squeeze %dma_start3A_34 : memref<1x128xi32, #tpu.memory_space<vmem>> -> memref<128xi32, #tpu.memory_space<vmem>>
        %dma_start3A_36 = arith.constant 0 : i32
        %dma_start3A_37 = arith.constant 0 : i32
        %dma_start3A_38 = tpu.memref_slice %arg9[%dma_start3A_36, %dma_start3A_37] : memref<10112x16xf32, #tpu.memory_space<vmem_shared>> -> memref<10112x16xf32, #tpu.memory_space<vmem_shared>>
        tpu.enqueue_indirect_dma source(%arg7 : memref<128x16xf32, #tpu.memory_space<vmem>>) target(%dma_start3A_38 : memref<10112x16xf32, #tpu.memory_space<vmem_shared>>) offsets(%dma_start3A_35 : memref<128xi32, #tpu.memory_space<vmem>>) semaphore(%run_scoped3A_33 : memref<!tpu.dma_semaphore, #tpu.memory_space<semaphore_mem>>) {add = true}
        %dma_wait3A = arith.constant 0 : i32
        %dma_wait3A_39 = tpu.memref_slice %arg8[%run_scoped3A_28, %dma_wait3A] : memref<8x128xi32, #tpu.memory_space<vmem>> -> memref<1x128xi32, #tpu.memory_space<vmem>>
        %dma_wait3A_40 = tpu.memref_squeeze %dma_wait3A_39 : memref<1x128xi32, #tpu.memory_space<vmem>> -> memref<128xi32, #tpu.memory_space<vmem>>
        %dma_wait3A_41 = arith.constant 0 : i32
        %dma_wait3A_42 = arith.constant 0 : i32
        %dma_wait3A_43 = tpu.memref_slice %arg9[%dma_wait3A_41, %dma_wait3A_42] : memref<10112x16xf32, #tpu.memory_space<vmem_shared>> -> memref<10112x16xf32, #tpu.memory_space<vmem_shared>>
        tpu.wait_indirect_dma semaphore(%run_scoped3A_33 : memref<!tpu.dma_semaphore, #tpu.memory_space<semaphore_mem>>) src(%arg7 : memref<128x16xf32, #tpu.memory_space<vmem>>) dst(%dma_wait3A_43 : memref<10112x16xf32, #tpu.memory_space<vmem_shared>>)
        tpu.yield
      }) : () -> ()
      %run_scoped3A_29 = arith.constant 5 : i32
      "tpu.region"() ({
        %run_scoped3A_33 = tpu.sem_alloc : memref<!tpu.dma_semaphore, #tpu.memory_space<semaphore_mem>>
        %dma_start3A = arith.constant 0 : i32
        %dma_start3A_34 = tpu.memref_slice %arg8[%run_scoped3A_29, %dma_start3A] : memref<8x128xi32, #tpu.memory_space<vmem>> -> memref<1x128xi32, #tpu.memory_space<vmem>>
        %dma_start3A_35 = tpu.memref_squeeze %dma_start3A_34 : memref<1x128xi32, #tpu.memory_space<vmem>> -> memref<128xi32, #tpu.memory_space<vmem>>
        %dma_start3A_36 = arith.constant 0 : i32
        %dma_start3A_37 = arith.constant 0 : i32
        %dma_start3A_38 = tpu.memref_slice %arg9[%dma_start3A_36, %dma_start3A_37] : memref<10112x16xf32, #tpu.memory_space<vmem_shared>> -> memref<10112x16xf32, #tpu.memory_space<vmem_shared>>
        tpu.enqueue_indirect_dma source(%arg7 : memref<128x16xf32, #tpu.memory_space<vmem>>) target(%dma_start3A_38 : memref<10112x16xf32, #tpu.memory_space<vmem_shared>>) offsets(%dma_start3A_35 : memref<128xi32, #tpu.memory_space<vmem>>) semaphore(%run_scoped3A_33 : memref<!tpu.dma_semaphore, #tpu.memory_space<semaphore_mem>>) {add = true}
        %dma_wait3A = arith.constant 0 : i32
        %dma_wait3A_39 = tpu.memref_slice %arg8[%run_scoped3A_29, %dma_wait3A] : memref<8x128xi32, #tpu.memory_space<vmem>> -> memref<1x128xi32, #tpu.memory_space<vmem>>
        %dma_wait3A_40 = tpu.memref_squeeze %dma_wait3A_39 : memref<1x128xi32, #tpu.memory_space<vmem>> -> memref<128xi32, #tpu.memory_space<vmem>>
        %dma_wait3A_41 = arith.constant 0 : i32
        %dma_wait3A_42 = arith.constant 0 : i32
        %dma_wait3A_43 = tpu.memref_slice %arg9[%dma_wait3A_41, %dma_wait3A_42] : memref<10112x16xf32, #tpu.memory_space<vmem_shared>> -> memref<10112x16xf32, #tpu.memory_space<vmem_shared>>
        tpu.wait_indirect_dma semaphore(%run_scoped3A_33 : memref<!tpu.dma_semaphore, #tpu.memory_space<semaphore_mem>>) src(%arg7 : memref<128x16xf32, #tpu.memory_space<vmem>>) dst(%dma_wait3A_43 : memref<10112x16xf32, #tpu.memory_space<vmem_shared>>)
        tpu.yield
      }) : () -> ()
      %run_scoped3A_30 = arith.constant 6 : i32
      "tpu.region"() ({
        %run_scoped3A_33 = tpu.sem_alloc : memref<!tpu.dma_semaphore, #tpu.memory_space<semaphore_mem>>
        %dma_start3A = arith.constant 0 : i32
        %dma_start3A_34 = tpu.memref_slice %arg8[%run_scoped3A_30, %dma_start3A] : memref<8x128xi32, #tpu.memory_space<vmem>> -> memref<1x128xi32, #tpu.memory_space<vmem>>
        %dma_start3A_35 = tpu.memref_squeeze %dma_start3A_34 : memref<1x128xi32, #tpu.memory_space<vmem>> -> memref<128xi32, #tpu.memory_space<vmem>>
        %dma_start3A_36 = arith.constant 0 : i32
        %dma_start3A_37 = arith.constant 0 : i32
        %dma_start3A_38 = tpu.memref_slice %arg9[%dma_start3A_36, %dma_start3A_37] : memref<10112x16xf32, #tpu.memory_space<vmem_shared>> -> memref<10112x16xf32, #tpu.memory_space<vmem_shared>>
        tpu.enqueue_indirect_dma source(%arg7 : memref<128x16xf32, #tpu.memory_space<vmem>>) target(%dma_start3A_38 : memref<10112x16xf32, #tpu.memory_space<vmem_shared>>) offsets(%dma_start3A_35 : memref<128xi32, #tpu.memory_space<vmem>>) semaphore(%run_scoped3A_33 : memref<!tpu.dma_semaphore, #tpu.memory_space<semaphore_mem>>) {add = true}
        %dma_wait3A = arith.constant 0 : i32
        %dma_wait3A_39 = tpu.memref_slice %arg8[%run_scoped3A_30, %dma_wait3A] : memref<8x128xi32, #tpu.memory_space<vmem>> -> memref<1x128xi32, #tpu.memory_space<vmem>>
        %dma_wait3A_40 = tpu.memref_squeeze %dma_wait3A_39 : memref<1x128xi32, #tpu.memory_space<vmem>> -> memref<128xi32, #tpu.memory_space<vmem>>
        %dma_wait3A_41 = arith.constant 0 : i32
        %dma_wait3A_42 = arith.constant 0 : i32
        %dma_wait3A_43 = tpu.memref_slice %arg9[%dma_wait3A_41, %dma_wait3A_42] : memref<10112x16xf32, #tpu.memory_space<vmem_shared>> -> memref<10112x16xf32, #tpu.memory_space<vmem_shared>>
        tpu.wait_indirect_dma semaphore(%run_scoped3A_33 : memref<!tpu.dma_semaphore, #tpu.memory_space<semaphore_mem>>) src(%arg7 : memref<128x16xf32, #tpu.memory_space<vmem>>) dst(%dma_wait3A_43 : memref<10112x16xf32, #tpu.memory_space<vmem_shared>>)
        tpu.yield
      }) : () -> ()
      %run_scoped3A_31 = arith.constant 7 : i32
      "tpu.region"() ({
        %run_scoped3A_33 = tpu.sem_alloc : memref<!tpu.dma_semaphore, #tpu.memory_space<semaphore_mem>>
        %dma_start3A = arith.constant 0 : i32
        %dma_start3A_34 = tpu.memref_slice %arg8[%run_scoped3A_31, %dma_start3A] : memref<8x128xi32, #tpu.memory_space<vmem>> -> memref<1x128xi32, #tpu.memory_space<vmem>>
        %dma_start3A_35 = tpu.memref_squeeze %dma_start3A_34 : memref<1x128xi32, #tpu.memory_space<vmem>> -> memref<128xi32, #tpu.memory_space<vmem>>
        %dma_start3A_36 = arith.constant 0 : i32
        %dma_start3A_37 = arith.constant 0 : i32
        %dma_start3A_38 = tpu.memref_slice %arg9[%dma_start3A_36, %dma_start3A_37] : memref<10112x16xf32, #tpu.memory_space<vmem_shared>> -> memref<10112x16xf32, #tpu.memory_space<vmem_shared>>
        tpu.enqueue_indirect_dma source(%arg7 : memref<128x16xf32, #tpu.memory_space<vmem>>) target(%dma_start3A_38 : memref<10112x16xf32, #tpu.memory_space<vmem_shared>>) offsets(%dma_start3A_35 : memref<128xi32, #tpu.memory_space<vmem>>) semaphore(%run_scoped3A_33 : memref<!tpu.dma_semaphore, #tpu.memory_space<semaphore_mem>>) {add = true}
        %dma_wait3A = arith.constant 0 : i32
        %dma_wait3A_39 = tpu.memref_slice %arg8[%run_scoped3A_31, %dma_wait3A] : memref<8x128xi32, #tpu.memory_space<vmem>> -> memref<1x128xi32, #tpu.memory_space<vmem>>
        %dma_wait3A_40 = tpu.memref_squeeze %dma_wait3A_39 : memref<1x128xi32, #tpu.memory_space<vmem>> -> memref<128xi32, #tpu.memory_space<vmem>>
        %dma_wait3A_41 = arith.constant 0 : i32
        %dma_wait3A_42 = arith.constant 0 : i32
        %dma_wait3A_43 = tpu.memref_slice %arg9[%dma_wait3A_41, %dma_wait3A_42] : memref<10112x16xf32, #tpu.memory_space<vmem_shared>> -> memref<10112x16xf32, #tpu.memory_space<vmem_shared>>
        tpu.wait_indirect_dma semaphore(%run_scoped3A_33 : memref<!tpu.dma_semaphore, #tpu.memory_space<semaphore_mem>>) src(%arg7 : memref<128x16xf32, #tpu.memory_space<vmem>>) dst(%dma_wait3A_43 : memref<10112x16xf32, #tpu.memory_space<vmem_shared>>)
        tpu.yield
      }) : () -> ()
      %scan3A_32 = arith.constant 0 : i32
      scf.yield %scan3A_32 : i32
    }
    %scan3A_10 = arith.constant 10 : i32
    %barrier3A_11 = arith.constant 0 : index
    tpu.barrier barrier_id(%barrier3A_11)
    %eq3A = arith.constant 0 : i32
    %eq3A_12 = arith.cmpi eq, %arg0, %eq3A : i32
    %convert_element_type3A = arith.extui %eq3A_12 : i1 to i32
    %cond3A = arith.constant 0 : i32
    %cond3A_13 = arith.cmpi ne, %convert_element_type3A, %cond3A : i32
    scf.if %cond3A_13 {
      %mul3A_19 = arith.constant 624 : i32
      %mul3A_20 = arith.muli %arg1, %mul3A_19 : i32
      %multiple_of3A_21 = tpu.assume_multiple %mul3A_20, 8 : i32
      "tpu.region"() ({
        %run_scoped3A = tpu.sem_alloc : memref<!tpu.dma_semaphore, #tpu.memory_space<semaphore_mem>>
        %dma_start3A = arith.constant 0 : i32
        %dma_start3A_27 = tpu.memref_slice %arg5[%multiple_of3A_21, %dma_start3A] : memref<10000x16xf32, #tpu.memory_space<hbm>> -> memref<624x16xf32, #tpu.memory_space<hbm>>
        %dma_start3A_28 = arith.constant 0 : i32
        %dma_start3A_29 = tpu.memref_slice %arg9[%multiple_of3A_21, %dma_start3A_28] : memref<10112x16xf32, #tpu.memory_space<vmem_shared>> -> memref<624x16xf32, #tpu.memory_space<vmem_shared>>
        tpu.enqueue_dma source(%dma_start3A_29 : memref<624x16xf32, #tpu.memory_space<vmem_shared>>) target(%dma_start3A_27 : memref<624x16xf32, #tpu.memory_space<hbm>>) target_semaphore(%run_scoped3A : memref<!tpu.dma_semaphore, #tpu.memory_space<semaphore_mem>>)
        %dma_wait3A = arith.constant 0 : i32
        %dma_wait3A_30 = tpu.memref_slice %arg5[%multiple_of3A_21, %dma_wait3A] : memref<10000x16xf32, #tpu.memory_space<hbm>> -> memref<624x16xf32, #tpu.memory_space<hbm>>
        %dma_wait3A_31 = arith.constant 0 : i32
        %dma_wait3A_32 = tpu.memref_slice %arg9[%multiple_of3A_21, %dma_wait3A_31] : memref<10112x16xf32, #tpu.memory_space<vmem_shared>> -> memref<624x16xf32, #tpu.memory_space<vmem_shared>>
        tpu.wait_dma2 semaphore(%run_scoped3A : memref<!tpu.dma_semaphore, #tpu.memory_space<semaphore_mem>>) src(%dma_wait3A_32 : memref<624x16xf32, #tpu.memory_space<vmem_shared>>) dst(%dma_wait3A_30 : memref<624x16xf32, #tpu.memory_space<hbm>>)
        tpu.yield
      }) : () -> ()
      %eq3A_22 = arith.constant 15 : i32
      %eq3A_23 = arith.cmpi eq, %arg1, %eq3A_22 : i32
      %convert_element_type3A_24 = arith.extui %eq3A_23 : i1 to i32
      %cond3A_25 = arith.constant 0 : i32
      %cond3A_26 = arith.cmpi ne, %convert_element_type3A_24, %cond3A_25 : i32
      scf.if %cond3A_26 {
        "tpu.region"() ({
          %run_scoped3A = tpu.sem_alloc : memref<!tpu.dma_semaphore, #tpu.memory_space<semaphore_mem>>
          %dma_start3A = arith.constant 9984 : i32
          %dma_start3A_27 = arith.constant 0 : i32
          %dma_start3A_28 = tpu.memref_slice %arg5[%dma_start3A, %dma_start3A_27] : memref<10000x16xf32, #tpu.memory_space<hbm>> -> memref<16x16xf32, #tpu.memory_space<hbm>>
          %dma_start3A_29 = arith.constant 9984 : i32
          %dma_start3A_30 = arith.constant 0 : i32
          %dma_start3A_31 = tpu.memref_slice %arg9[%dma_start3A_29, %dma_start3A_30] : memref<10112x16xf32, #tpu.memory_space<vmem_shared>> -> memref<16x16xf32, #tpu.memory_space<vmem_shared>>
          tpu.enqueue_dma source(%dma_start3A_31 : memref<16x16xf32, #tpu.memory_space<vmem_shared>>) target(%dma_start3A_28 : memref<16x16xf32, #tpu.memory_space<hbm>>) target_semaphore(%run_scoped3A : memref<!tpu.dma_semaphore, #tpu.memory_space<semaphore_mem>>)
          %dma_wait3A = arith.constant 9984 : i32
          %dma_wait3A_32 = arith.constant 0 : i32
          %dma_wait3A_33 = tpu.memref_slice %arg5[%dma_wait3A, %dma_wait3A_32] : memref<10000x16xf32, #tpu.memory_space<hbm>> -> memref<16x16xf32, #tpu.memory_space<hbm>>
          %dma_wait3A_34 = arith.constant 9984 : i32
          %dma_wait3A_35 = arith.constant 0 : i32
          %dma_wait3A_36 = tpu.memref_slice %arg9[%dma_wait3A_34, %dma_wait3A_35] : memref<10112x16xf32, #tpu.memory_space<vmem_shared>> -> memref<16x16xf32, #tpu.memory_space<vmem_shared>>
          tpu.wait_dma2 semaphore(%run_scoped3A : memref<!tpu.dma_semaphore, #tpu.memory_space<semaphore_mem>>) src(%dma_wait3A_36 : memref<16x16xf32, #tpu.memory_space<vmem_shared>>) dst(%dma_wait3A_33 : memref<16x16xf32, #tpu.memory_space<hbm>>)
          tpu.yield
        }) : () -> ()
      } else {
      }
    } else {
    }
    %eq3A_14 = arith.constant 1 : i32
    %eq3A_15 = arith.cmpi eq, %arg0, %eq3A_14 : i32
    %convert_element_type3A_16 = arith.extui %eq3A_15 : i1 to i32
    %cond3A_17 = arith.constant 0 : i32
    %cond3A_18 = arith.cmpi ne, %convert_element_type3A_16, %cond3A_17 : i32
    scf.if %cond3A_18 {
      %mul3A_19 = arith.constant 624 : i32
      %mul3A_20 = arith.muli %arg1, %mul3A_19 : i32
      %multiple_of3A_21 = tpu.assume_multiple %mul3A_20, 8 : i32
      "tpu.region"() ({
        %run_scoped3A = tpu.sem_alloc : memref<!tpu.dma_semaphore, #tpu.memory_space<semaphore_mem>>
        %dma_start3A = arith.constant 0 : i32
        %dma_start3A_27 = tpu.memref_slice %arg6[%multiple_of3A_21, %dma_start3A] : memref<10000x16xf32, #tpu.memory_space<hbm>> -> memref<624x16xf32, #tpu.memory_space<hbm>>
        %dma_start3A_28 = arith.constant 0 : i32
        %dma_start3A_29 = tpu.memref_slice %arg9[%multiple_of3A_21, %dma_start3A_28] : memref<10112x16xf32, #tpu.memory_space<vmem_shared>> -> memref<624x16xf32, #tpu.memory_space<vmem_shared>>
        tpu.enqueue_dma source(%dma_start3A_29 : memref<624x16xf32, #tpu.memory_space<vmem_shared>>) target(%dma_start3A_27 : memref<624x16xf32, #tpu.memory_space<hbm>>) target_semaphore(%run_scoped3A : memref<!tpu.dma_semaphore, #tpu.memory_space<semaphore_mem>>)
        %dma_wait3A = arith.constant 0 : i32
        %dma_wait3A_30 = tpu.memref_slice %arg6[%multiple_of3A_21, %dma_wait3A] : memref<10000x16xf32, #tpu.memory_space<hbm>> -> memref<624x16xf32, #tpu.memory_space<hbm>>
        %dma_wait3A_31 = arith.constant 0 : i32
        %dma_wait3A_32 = tpu.memref_slice %arg9[%multiple_of3A_21, %dma_wait3A_31] : memref<10112x16xf32, #tpu.memory_space<vmem_shared>> -> memref<624x16xf32, #tpu.memory_space<vmem_shared>>
        tpu.wait_dma2 semaphore(%run_scoped3A : memref<!tpu.dma_semaphore, #tpu.memory_space<semaphore_mem>>) src(%dma_wait3A_32 : memref<624x16xf32, #tpu.memory_space<vmem_shared>>) dst(%dma_wait3A_30 : memref<624x16xf32, #tpu.memory_space<hbm>>)
        tpu.yield
      }) : () -> ()
      %eq3A_22 = arith.constant 15 : i32
      %eq3A_23 = arith.cmpi eq, %arg1, %eq3A_22 : i32
      %convert_element_type3A_24 = arith.extui %eq3A_23 : i1 to i32
      %cond3A_25 = arith.constant 0 : i32
      %cond3A_26 = arith.cmpi ne, %convert_element_type3A_24, %cond3A_25 : i32
      scf.if %cond3A_26 {
        "tpu.region"() ({
          %run_scoped3A = tpu.sem_alloc : memref<!tpu.dma_semaphore, #tpu.memory_space<semaphore_mem>>
          %dma_start3A = arith.constant 9984 : i32
          %dma_start3A_27 = arith.constant 0 : i32
          %dma_start3A_28 = tpu.memref_slice %arg6[%dma_start3A, %dma_start3A_27] : memref<10000x16xf32, #tpu.memory_space<hbm>> -> memref<16x16xf32, #tpu.memory_space<hbm>>
          %dma_start3A_29 = arith.constant 9984 : i32
          %dma_start3A_30 = arith.constant 0 : i32
          %dma_start3A_31 = tpu.memref_slice %arg9[%dma_start3A_29, %dma_start3A_30] : memref<10112x16xf32, #tpu.memory_space<vmem_shared>> -> memref<16x16xf32, #tpu.memory_space<vmem_shared>>
          tpu.enqueue_dma source(%dma_start3A_31 : memref<16x16xf32, #tpu.memory_space<vmem_shared>>) target(%dma_start3A_28 : memref<16x16xf32, #tpu.memory_space<hbm>>) target_semaphore(%run_scoped3A : memref<!tpu.dma_semaphore, #tpu.memory_space<semaphore_mem>>)
          %dma_wait3A = arith.constant 9984 : i32
          %dma_wait3A_32 = arith.constant 0 : i32
          %dma_wait3A_33 = tpu.memref_slice %arg6[%dma_wait3A, %dma_wait3A_32] : memref<10000x16xf32, #tpu.memory_space<hbm>> -> memref<16x16xf32, #tpu.memory_space<hbm>>
          %dma_wait3A_34 = arith.constant 9984 : i32
          %dma_wait3A_35 = arith.constant 0 : i32
          %dma_wait3A_36 = tpu.memref_slice %arg9[%dma_wait3A_34, %dma_wait3A_35] : memref<10112x16xf32, #tpu.memory_space<vmem_shared>> -> memref<16x16xf32, #tpu.memory_space<vmem_shared>>
          tpu.wait_dma2 semaphore(%run_scoped3A : memref<!tpu.dma_semaphore, #tpu.memory_space<semaphore_mem>>) src(%dma_wait3A_36 : memref<16x16xf32, #tpu.memory_space<vmem_shared>>) dst(%dma_wait3A_33 : memref<16x16xf32, #tpu.memory_space<hbm>>)
          tpu.yield
        }) : () -> ()
      } else {
      }
    } else {
    }
    return
  }
}

#map = affine_map<(d0, d1) -> (0)>
#map1 = affine_map<(d0, d1) -> (0, 0)>
module attributes {stable_mosaic.version = 14 : i64} {
  func.func @_edge_body(%arg0: i32, %arg1: i32, %arg2: memref<327680xi32, #tpu.memory_space<hbm>>, %arg3: memref<327680xi32, #tpu.memory_space<hbm>>, %arg4: memref<128x128xf32, #tpu.memory_space<hbm>>, %arg5: memref<10000x128xf32, #tpu.memory_space<hbm>>, %arg6: memref<10000x128xf32, #tpu.memory_space<hbm>>, %arg7: memref<10000x128xf32, #tpu.memory_space<hbm>>, %arg8: memref<10000x128xf32, #tpu.memory_space<hbm>>, %arg9: memref<2x128xi32, #tpu.memory_space<vmem>>, %arg10: memref<2x128xi32, #tpu.memory_space<vmem>>, %arg11: memref<2x128x128xf32, #tpu.memory_space<vmem>>, %arg12: memref<128x128xf32, #tpu.memory_space<vmem>>, %arg13: memref<10112x128xf32, #tpu.memory_space<vmem_shared>>, %arg14: memref<!tpu.dma_semaphore, #tpu.memory_space<semaphore_mem>>) attributes {dimension_semantics = [#tpu.dimension_semantics<core_parallel>, #tpu.dimension_semantics<subcore_parallel>], iteration_bounds = array<i64: 2, 16>, scalar_prefetch = 0 : i64, scratch_operands = 6 : i64, tpu.core_type = #tpu.core_type<sc_vector_subcore>, window_params = [{transform_indices = #map}, {transform_indices = #map}, {transform_indices = #map1}, {transform_indices = #map1}, {transform_indices = #map1}, {transform_indices = #map1}, {transform_indices = #map1}]} {
    "tpu.region"() ({
      %run_scoped3A = tpu.sem_alloc : memref<!tpu.dma_semaphore, #tpu.memory_space<semaphore_mem>>
      tpu.enqueue_dma source(%arg4 : memref<128x128xf32, #tpu.memory_space<hbm>>) target(%arg12 : memref<128x128xf32, #tpu.memory_space<vmem>>) target_semaphore(%run_scoped3A : memref<!tpu.dma_semaphore, #tpu.memory_space<semaphore_mem>>)
      tpu.wait_dma2 semaphore(%run_scoped3A : memref<!tpu.dma_semaphore, #tpu.memory_space<semaphore_mem>>) src(%arg4 : memref<128x128xf32, #tpu.memory_space<hbm>>) dst(%arg12 : memref<128x128xf32, #tpu.memory_space<vmem>>)
      tpu.yield
    }) : () -> ()
    %mul3A = arith.constant 632 : i32
    %mul3A_0 = arith.muli %arg1, %mul3A : i32
    %multiple_of3A = tpu.assume_multiple %mul3A_0, 8 : i32
    %add3A = arith.constant 0 : i32
    %add3A_1 = arith.addi %multiple_of3A, %add3A : i32
    "tpu.region"() ({
      %run_scoped3A = tpu.sem_alloc : memref<!tpu.dma_semaphore, #tpu.memory_space<semaphore_mem>>
      %dma_start3A = arith.constant 0 : i32
      %dma_start3A_22 = arith.constant 0 : i32
      %dma_start3A_23 = tpu.memref_slice %arg12[%dma_start3A, %dma_start3A_22] : memref<128x128xf32, #tpu.memory_space<vmem>> -> memref<128x128xf32, #tpu.memory_space<vmem>>
      %dma_start3A_24 = arith.constant 0 : i32
      %dma_start3A_25 = tpu.memref_slice %arg13[%add3A_1, %dma_start3A_24] : memref<10112x128xf32, #tpu.memory_space<vmem_shared>> -> memref<128x128xf32, #tpu.memory_space<vmem_shared>>
      %dma_start3A_26 = arith.constant 0 : i32
      %dma_start3A_27 = tpu.memref_slice %arg13[%add3A_1, %dma_start3A_26] : memref<10112x128xf32, #tpu.memory_space<vmem_shared>> -> memref<128x128xf32, #tpu.memory_space<vmem_shared>>
      %dma_start3A_28 = arith.constant 0 : i32
      %dma_start3A_29 = arith.constant 0 : i32
      %dma_start3A_30 = tpu.memref_slice %arg12[%dma_start3A_28, %dma_start3A_29] : memref<128x128xf32, #tpu.memory_space<vmem>> -> memref<128x128xf32, #tpu.memory_space<vmem>>
      tpu.enqueue_dma source(%dma_start3A_30 : memref<128x128xf32, #tpu.memory_space<vmem>>) target(%dma_start3A_27 : memref<128x128xf32, #tpu.memory_space<vmem_shared>>) target_semaphore(%run_scoped3A : memref<!tpu.dma_semaphore, #tpu.memory_space<semaphore_mem>>)
      %dma_wait3A = arith.constant 0 : i32
      %dma_wait3A_31 = arith.constant 0 : i32
      %dma_wait3A_32 = tpu.memref_slice %arg12[%dma_wait3A, %dma_wait3A_31] : memref<128x128xf32, #tpu.memory_space<vmem>> -> memref<128x128xf32, #tpu.memory_space<vmem>>
      %dma_wait3A_33 = arith.constant 0 : i32
      %dma_wait3A_34 = tpu.memref_slice %arg13[%add3A_1, %dma_wait3A_33] : memref<10112x128xf32, #tpu.memory_space<vmem_shared>> -> memref<128x128xf32, #tpu.memory_space<vmem_shared>>
      %dma_wait3A_35 = arith.constant 0 : i32
      %dma_wait3A_36 = tpu.memref_slice %arg13[%add3A_1, %dma_wait3A_35] : memref<10112x128xf32, #tpu.memory_space<vmem_shared>> -> memref<128x128xf32, #tpu.memory_space<vmem_shared>>
      %dma_wait3A_37 = arith.constant 0 : i32
      %dma_wait3A_38 = arith.constant 0 : i32
      %dma_wait3A_39 = tpu.memref_slice %arg12[%dma_wait3A_37, %dma_wait3A_38] : memref<128x128xf32, #tpu.memory_space<vmem>> -> memref<128x128xf32, #tpu.memory_space<vmem>>
      tpu.wait_dma2 semaphore(%run_scoped3A : memref<!tpu.dma_semaphore, #tpu.memory_space<semaphore_mem>>) src(%dma_wait3A_39 : memref<128x128xf32, #tpu.memory_space<vmem>>) dst(%dma_wait3A_36 : memref<128x128xf32, #tpu.memory_space<vmem_shared>>)
      tpu.yield
    }) : () -> ()
    %add3A_2 = arith.constant 128 : i32
    %add3A_3 = arith.addi %multiple_of3A, %add3A_2 : i32
    "tpu.region"() ({
      %run_scoped3A = tpu.sem_alloc : memref<!tpu.dma_semaphore, #tpu.memory_space<semaphore_mem>>
      %dma_start3A = arith.constant 0 : i32
      %dma_start3A_22 = arith.constant 0 : i32
      %dma_start3A_23 = tpu.memref_slice %arg12[%dma_start3A, %dma_start3A_22] : memref<128x128xf32, #tpu.memory_space<vmem>> -> memref<128x128xf32, #tpu.memory_space<vmem>>
      %dma_start3A_24 = arith.constant 0 : i32
      %dma_start3A_25 = tpu.memref_slice %arg13[%add3A_3, %dma_start3A_24] : memref<10112x128xf32, #tpu.memory_space<vmem_shared>> -> memref<128x128xf32, #tpu.memory_space<vmem_shared>>
      %dma_start3A_26 = arith.constant 0 : i32
      %dma_start3A_27 = tpu.memref_slice %arg13[%add3A_3, %dma_start3A_26] : memref<10112x128xf32, #tpu.memory_space<vmem_shared>> -> memref<128x128xf32, #tpu.memory_space<vmem_shared>>
      %dma_start3A_28 = arith.constant 0 : i32
      %dma_start3A_29 = arith.constant 0 : i32
      %dma_start3A_30 = tpu.memref_slice %arg12[%dma_start3A_28, %dma_start3A_29] : memref<128x128xf32, #tpu.memory_space<vmem>> -> memref<128x128xf32, #tpu.memory_space<vmem>>
      tpu.enqueue_dma source(%dma_start3A_30 : memref<128x128xf32, #tpu.memory_space<vmem>>) target(%dma_start3A_27 : memref<128x128xf32, #tpu.memory_space<vmem_shared>>) target_semaphore(%run_scoped3A : memref<!tpu.dma_semaphore, #tpu.memory_space<semaphore_mem>>)
      %dma_wait3A = arith.constant 0 : i32
      %dma_wait3A_31 = arith.constant 0 : i32
      %dma_wait3A_32 = tpu.memref_slice %arg12[%dma_wait3A, %dma_wait3A_31] : memref<128x128xf32, #tpu.memory_space<vmem>> -> memref<128x128xf32, #tpu.memory_space<vmem>>
      %dma_wait3A_33 = arith.constant 0 : i32
      %dma_wait3A_34 = tpu.memref_slice %arg13[%add3A_3, %dma_wait3A_33] : memref<10112x128xf32, #tpu.memory_space<vmem_shared>> -> memref<128x128xf32, #tpu.memory_space<vmem_shared>>
      %dma_wait3A_35 = arith.constant 0 : i32
      %dma_wait3A_36 = tpu.memref_slice %arg13[%add3A_3, %dma_wait3A_35] : memref<10112x128xf32, #tpu.memory_space<vmem_shared>> -> memref<128x128xf32, #tpu.memory_space<vmem_shared>>
      %dma_wait3A_37 = arith.constant 0 : i32
      %dma_wait3A_38 = arith.constant 0 : i32
      %dma_wait3A_39 = tpu.memref_slice %arg12[%dma_wait3A_37, %dma_wait3A_38] : memref<128x128xf32, #tpu.memory_space<vmem>> -> memref<128x128xf32, #tpu.memory_space<vmem>>
      tpu.wait_dma2 semaphore(%run_scoped3A : memref<!tpu.dma_semaphore, #tpu.memory_space<semaphore_mem>>) src(%dma_wait3A_39 : memref<128x128xf32, #tpu.memory_space<vmem>>) dst(%dma_wait3A_36 : memref<128x128xf32, #tpu.memory_space<vmem_shared>>)
      tpu.yield
    }) : () -> ()
    %add3A_4 = arith.constant 256 : i32
    %add3A_5 = arith.addi %multiple_of3A, %add3A_4 : i32
    "tpu.region"() ({
      %run_scoped3A = tpu.sem_alloc : memref<!tpu.dma_semaphore, #tpu.memory_space<semaphore_mem>>
      %dma_start3A = arith.constant 0 : i32
      %dma_start3A_22 = arith.constant 0 : i32
      %dma_start3A_23 = tpu.memref_slice %arg12[%dma_start3A, %dma_start3A_22] : memref<128x128xf32, #tpu.memory_space<vmem>> -> memref<128x128xf32, #tpu.memory_space<vmem>>
      %dma_start3A_24 = arith.constant 0 : i32
      %dma_start3A_25 = tpu.memref_slice %arg13[%add3A_5, %dma_start3A_24] : memref<10112x128xf32, #tpu.memory_space<vmem_shared>> -> memref<128x128xf32, #tpu.memory_space<vmem_shared>>
      %dma_start3A_26 = arith.constant 0 : i32
      %dma_start3A_27 = tpu.memref_slice %arg13[%add3A_5, %dma_start3A_26] : memref<10112x128xf32, #tpu.memory_space<vmem_shared>> -> memref<128x128xf32, #tpu.memory_space<vmem_shared>>
      %dma_start3A_28 = arith.constant 0 : i32
      %dma_start3A_29 = arith.constant 0 : i32
      %dma_start3A_30 = tpu.memref_slice %arg12[%dma_start3A_28, %dma_start3A_29] : memref<128x128xf32, #tpu.memory_space<vmem>> -> memref<128x128xf32, #tpu.memory_space<vmem>>
      tpu.enqueue_dma source(%dma_start3A_30 : memref<128x128xf32, #tpu.memory_space<vmem>>) target(%dma_start3A_27 : memref<128x128xf32, #tpu.memory_space<vmem_shared>>) target_semaphore(%run_scoped3A : memref<!tpu.dma_semaphore, #tpu.memory_space<semaphore_mem>>)
      %dma_wait3A = arith.constant 0 : i32
      %dma_wait3A_31 = arith.constant 0 : i32
      %dma_wait3A_32 = tpu.memref_slice %arg12[%dma_wait3A, %dma_wait3A_31] : memref<128x128xf32, #tpu.memory_space<vmem>> -> memref<128x128xf32, #tpu.memory_space<vmem>>
      %dma_wait3A_33 = arith.constant 0 : i32
      %dma_wait3A_34 = tpu.memref_slice %arg13[%add3A_5, %dma_wait3A_33] : memref<10112x128xf32, #tpu.memory_space<vmem_shared>> -> memref<128x128xf32, #tpu.memory_space<vmem_shared>>
      %dma_wait3A_35 = arith.constant 0 : i32
      %dma_wait3A_36 = tpu.memref_slice %arg13[%add3A_5, %dma_wait3A_35] : memref<10112x128xf32, #tpu.memory_space<vmem_shared>> -> memref<128x128xf32, #tpu.memory_space<vmem_shared>>
      %dma_wait3A_37 = arith.constant 0 : i32
      %dma_wait3A_38 = arith.constant 0 : i32
      %dma_wait3A_39 = tpu.memref_slice %arg12[%dma_wait3A_37, %dma_wait3A_38] : memref<128x128xf32, #tpu.memory_space<vmem>> -> memref<128x128xf32, #tpu.memory_space<vmem>>
      tpu.wait_dma2 semaphore(%run_scoped3A : memref<!tpu.dma_semaphore, #tpu.memory_space<semaphore_mem>>) src(%dma_wait3A_39 : memref<128x128xf32, #tpu.memory_space<vmem>>) dst(%dma_wait3A_36 : memref<128x128xf32, #tpu.memory_space<vmem_shared>>)
      tpu.yield
    }) : () -> ()
    %add3A_6 = arith.constant 384 : i32
    %add3A_7 = arith.addi %multiple_of3A, %add3A_6 : i32
    "tpu.region"() ({
      %run_scoped3A = tpu.sem_alloc : memref<!tpu.dma_semaphore, #tpu.memory_space<semaphore_mem>>
      %dma_start3A = arith.constant 0 : i32
      %dma_start3A_22 = arith.constant 0 : i32
      %dma_start3A_23 = tpu.memref_slice %arg12[%dma_start3A, %dma_start3A_22] : memref<128x128xf32, #tpu.memory_space<vmem>> -> memref<128x128xf32, #tpu.memory_space<vmem>>
      %dma_start3A_24 = arith.constant 0 : i32
      %dma_start3A_25 = tpu.memref_slice %arg13[%add3A_7, %dma_start3A_24] : memref<10112x128xf32, #tpu.memory_space<vmem_shared>> -> memref<128x128xf32, #tpu.memory_space<vmem_shared>>
      %dma_start3A_26 = arith.constant 0 : i32
      %dma_start3A_27 = tpu.memref_slice %arg13[%add3A_7, %dma_start3A_26] : memref<10112x128xf32, #tpu.memory_space<vmem_shared>> -> memref<128x128xf32, #tpu.memory_space<vmem_shared>>
      %dma_start3A_28 = arith.constant 0 : i32
      %dma_start3A_29 = arith.constant 0 : i32
      %dma_start3A_30 = tpu.memref_slice %arg12[%dma_start3A_28, %dma_start3A_29] : memref<128x128xf32, #tpu.memory_space<vmem>> -> memref<128x128xf32, #tpu.memory_space<vmem>>
      tpu.enqueue_dma source(%dma_start3A_30 : memref<128x128xf32, #tpu.memory_space<vmem>>) target(%dma_start3A_27 : memref<128x128xf32, #tpu.memory_space<vmem_shared>>) target_semaphore(%run_scoped3A : memref<!tpu.dma_semaphore, #tpu.memory_space<semaphore_mem>>)
      %dma_wait3A = arith.constant 0 : i32
      %dma_wait3A_31 = arith.constant 0 : i32
      %dma_wait3A_32 = tpu.memref_slice %arg12[%dma_wait3A, %dma_wait3A_31] : memref<128x128xf32, #tpu.memory_space<vmem>> -> memref<128x128xf32, #tpu.memory_space<vmem>>
      %dma_wait3A_33 = arith.constant 0 : i32
      %dma_wait3A_34 = tpu.memref_slice %arg13[%add3A_7, %dma_wait3A_33] : memref<10112x128xf32, #tpu.memory_space<vmem_shared>> -> memref<128x128xf32, #tpu.memory_space<vmem_shared>>
      %dma_wait3A_35 = arith.constant 0 : i32
      %dma_wait3A_36 = tpu.memref_slice %arg13[%add3A_7, %dma_wait3A_35] : memref<10112x128xf32, #tpu.memory_space<vmem_shared>> -> memref<128x128xf32, #tpu.memory_space<vmem_shared>>
      %dma_wait3A_37 = arith.constant 0 : i32
      %dma_wait3A_38 = arith.constant 0 : i32
      %dma_wait3A_39 = tpu.memref_slice %arg12[%dma_wait3A_37, %dma_wait3A_38] : memref<128x128xf32, #tpu.memory_space<vmem>> -> memref<128x128xf32, #tpu.memory_space<vmem>>
      tpu.wait_dma2 semaphore(%run_scoped3A : memref<!tpu.dma_semaphore, #tpu.memory_space<semaphore_mem>>) src(%dma_wait3A_39 : memref<128x128xf32, #tpu.memory_space<vmem>>) dst(%dma_wait3A_36 : memref<128x128xf32, #tpu.memory_space<vmem_shared>>)
      tpu.yield
    }) : () -> ()
    %add3A_8 = arith.constant 512 : i32
    %add3A_9 = arith.addi %multiple_of3A, %add3A_8 : i32
    "tpu.region"() ({
      %run_scoped3A = tpu.sem_alloc : memref<!tpu.dma_semaphore, #tpu.memory_space<semaphore_mem>>
      %dma_start3A = arith.constant 0 : i32
      %dma_start3A_22 = arith.constant 0 : i32
      %dma_start3A_23 = tpu.memref_slice %arg12[%dma_start3A, %dma_start3A_22] : memref<128x128xf32, #tpu.memory_space<vmem>> -> memref<120x128xf32, #tpu.memory_space<vmem>>
      %dma_start3A_24 = arith.constant 0 : i32
      %dma_start3A_25 = tpu.memref_slice %arg13[%add3A_9, %dma_start3A_24] : memref<10112x128xf32, #tpu.memory_space<vmem_shared>> -> memref<120x128xf32, #tpu.memory_space<vmem_shared>>
      %dma_start3A_26 = arith.constant 0 : i32
      %dma_start3A_27 = tpu.memref_slice %arg13[%add3A_9, %dma_start3A_26] : memref<10112x128xf32, #tpu.memory_space<vmem_shared>> -> memref<120x128xf32, #tpu.memory_space<vmem_shared>>
      %dma_start3A_28 = arith.constant 0 : i32
      %dma_start3A_29 = arith.constant 0 : i32
      %dma_start3A_30 = tpu.memref_slice %arg12[%dma_start3A_28, %dma_start3A_29] : memref<128x128xf32, #tpu.memory_space<vmem>> -> memref<120x128xf32, #tpu.memory_space<vmem>>
      tpu.enqueue_dma source(%dma_start3A_30 : memref<120x128xf32, #tpu.memory_space<vmem>>) target(%dma_start3A_27 : memref<120x128xf32, #tpu.memory_space<vmem_shared>>) target_semaphore(%run_scoped3A : memref<!tpu.dma_semaphore, #tpu.memory_space<semaphore_mem>>)
      %dma_wait3A = arith.constant 0 : i32
      %dma_wait3A_31 = arith.constant 0 : i32
      %dma_wait3A_32 = tpu.memref_slice %arg12[%dma_wait3A, %dma_wait3A_31] : memref<128x128xf32, #tpu.memory_space<vmem>> -> memref<120x128xf32, #tpu.memory_space<vmem>>
      %dma_wait3A_33 = arith.constant 0 : i32
      %dma_wait3A_34 = tpu.memref_slice %arg13[%add3A_9, %dma_wait3A_33] : memref<10112x128xf32, #tpu.memory_space<vmem_shared>> -> memref<120x128xf32, #tpu.memory_space<vmem_shared>>
      %dma_wait3A_35 = arith.constant 0 : i32
      %dma_wait3A_36 = tpu.memref_slice %arg13[%add3A_9, %dma_wait3A_35] : memref<10112x128xf32, #tpu.memory_space<vmem_shared>> -> memref<120x128xf32, #tpu.memory_space<vmem_shared>>
      %dma_wait3A_37 = arith.constant 0 : i32
      %dma_wait3A_38 = arith.constant 0 : i32
      %dma_wait3A_39 = tpu.memref_slice %arg12[%dma_wait3A_37, %dma_wait3A_38] : memref<128x128xf32, #tpu.memory_space<vmem>> -> memref<120x128xf32, #tpu.memory_space<vmem>>
      tpu.wait_dma2 semaphore(%run_scoped3A : memref<!tpu.dma_semaphore, #tpu.memory_space<semaphore_mem>>) src(%dma_wait3A_39 : memref<120x128xf32, #tpu.memory_space<vmem>>) dst(%dma_wait3A_36 : memref<120x128xf32, #tpu.memory_space<vmem_shared>>)
      tpu.yield
    }) : () -> ()
    %barrier3A = arith.constant 0 : index
    tpu.barrier barrier_id(%barrier3A)
    %mul3A_10 = arith.constant 2 : i32
    %mul3A_11 = arith.muli %arg1, %mul3A_10 : i32
    %add3A_12 = arith.addi %mul3A_11, %arg0 : i32
    %mul3A_13 = arith.constant 80 : i32
    %mul3A_14 = arith.muli %add3A_12, %mul3A_13 : i32
    %eq3A = arith.constant 0 : i32
    %eq3A_15 = arith.cmpi eq, %arg0, %eq3A : i32
    %convert_element_type3A = arith.extui %eq3A_15 : i1 to i32
    %cond3A = arith.constant 0 : i32
    %cond3A_16 = arith.cmpi ne, %convert_element_type3A, %cond3A : i32
    scf.if %cond3A_16 {
      %scan3A = arith.constant 0 : i32
      %scan3A_22 = arith.constant 0 : i32
      %scan3A_23 = arith.constant 80 : i32
      %scan3A_24 = arith.addi %scan3A_22, %scan3A_23 : i32
      %scan3A_25 = arith.constant 1 : i32
      %scan3A_26 = scf.for %scan3A_37 = %scan3A_22 to %scan3A_24 step %scan3A_25 iter_args(%scan3A_38 = %scan3A) -> (i32)  : i32 {
        %mul3A_39 = arith.constant 128 : i32
        %mul3A_40 = arith.muli %mul3A_14, %mul3A_39 : i32
        %mul3A_41 = arith.constant 128 : i32
        %mul3A_42 = arith.muli %scan3A_37, %mul3A_41 : i32
        %add3A_43 = arith.addi %mul3A_40, %mul3A_42 : i32
        %multiple_of3A_44 = tpu.assume_multiple %add3A_43, 128 : i32
        %run_scoped3A = arith.constant 0 : i32
        "tpu.region"() ({
          %run_scoped3A_71 = tpu.sem_alloc : memref<!tpu.dma_semaphore, #tpu.memory_space<semaphore_mem>>
          %dma_start3A_72 = arith.constant 0 : i32
          %dma_start3A_73 = tpu.memref_slice %arg9[%run_scoped3A, %dma_start3A_72] : memref<2x128xi32, #tpu.memory_space<vmem>> -> memref<1x128xi32, #tpu.memory_space<vmem>>
          %dma_start3A_74 = tpu.memref_squeeze %dma_start3A_73 : memref<1x128xi32, #tpu.memory_space<vmem>> -> memref<128xi32, #tpu.memory_space<vmem>>
          %dma_start3A_75 = tpu.memref_slice %arg2[%multiple_of3A_44] : memref<327680xi32, #tpu.memory_space<hbm>> -> memref<128xi32, #tpu.memory_space<hbm>>
          %dma_start3A_76 = arith.constant 0 : i32
          %dma_start3A_77 = tpu.memref_slice %arg9[%run_scoped3A, %dma_start3A_76] : memref<2x128xi32, #tpu.memory_space<vmem>> -> memref<1x128xi32, #tpu.memory_space<vmem>>
          %dma_start3A_78 = tpu.memref_squeeze %dma_start3A_77 : memref<1x128xi32, #tpu.memory_space<vmem>> -> memref<128xi32, #tpu.memory_space<vmem>>
          %dma_start3A_79 = tpu.memref_slice %arg2[%multiple_of3A_44] : memref<327680xi32, #tpu.memory_space<hbm>> -> memref<128xi32, #tpu.memory_space<hbm>>
          tpu.enqueue_dma source(%dma_start3A_79 : memref<128xi32, #tpu.memory_space<hbm>>) target(%dma_start3A_78 : memref<128xi32, #tpu.memory_space<vmem>>) target_semaphore(%run_scoped3A_71 : memref<!tpu.dma_semaphore, #tpu.memory_space<semaphore_mem>>)
          %dma_wait3A_80 = arith.constant 0 : i32
          %dma_wait3A_81 = tpu.memref_slice %arg9[%run_scoped3A, %dma_wait3A_80] : memref<2x128xi32, #tpu.memory_space<vmem>> -> memref<1x128xi32, #tpu.memory_space<vmem>>
          %dma_wait3A_82 = tpu.memref_squeeze %dma_wait3A_81 : memref<1x128xi32, #tpu.memory_space<vmem>> -> memref<128xi32, #tpu.memory_space<vmem>>
          %dma_wait3A_83 = tpu.memref_slice %arg2[%multiple_of3A_44] : memref<327680xi32, #tpu.memory_space<hbm>> -> memref<128xi32, #tpu.memory_space<hbm>>
          %dma_wait3A_84 = arith.constant 0 : i32
          %dma_wait3A_85 = tpu.memref_slice %arg9[%run_scoped3A, %dma_wait3A_84] : memref<2x128xi32, #tpu.memory_space<vmem>> -> memref<1x128xi32, #tpu.memory_space<vmem>>
          %dma_wait3A_86 = tpu.memref_squeeze %dma_wait3A_85 : memref<1x128xi32, #tpu.memory_space<vmem>> -> memref<128xi32, #tpu.memory_space<vmem>>
          %dma_wait3A_87 = tpu.memref_slice %arg2[%multiple_of3A_44] : memref<327680xi32, #tpu.memory_space<hbm>> -> memref<128xi32, #tpu.memory_space<hbm>>
          tpu.wait_dma2 semaphore(%run_scoped3A_71 : memref<!tpu.dma_semaphore, #tpu.memory_space<semaphore_mem>>) src(%dma_wait3A_87 : memref<128xi32, #tpu.memory_space<hbm>>) dst(%dma_wait3A_86 : memref<128xi32, #tpu.memory_space<vmem>>)
          tpu.yield
        }) : () -> ()
        %run_scoped3A_45 = arith.constant 0 : i32
        "tpu.region"() ({
          %run_scoped3A_71 = tpu.sem_alloc : memref<!tpu.dma_semaphore, #tpu.memory_space<semaphore_mem>>
          %dma_start3A_72 = arith.constant 0 : i32
          %dma_start3A_73 = tpu.memref_slice %arg10[%run_scoped3A_45, %dma_start3A_72] : memref<2x128xi32, #tpu.memory_space<vmem>> -> memref<1x128xi32, #tpu.memory_space<vmem>>
          %dma_start3A_74 = tpu.memref_squeeze %dma_start3A_73 : memref<1x128xi32, #tpu.memory_space<vmem>> -> memref<128xi32, #tpu.memory_space<vmem>>
          %dma_start3A_75 = tpu.memref_slice %arg3[%multiple_of3A_44] : memref<327680xi32, #tpu.memory_space<hbm>> -> memref<128xi32, #tpu.memory_space<hbm>>
          %dma_start3A_76 = arith.constant 0 : i32
          %dma_start3A_77 = tpu.memref_slice %arg10[%run_scoped3A_45, %dma_start3A_76] : memref<2x128xi32, #tpu.memory_space<vmem>> -> memref<1x128xi32, #tpu.memory_space<vmem>>
          %dma_start3A_78 = tpu.memref_squeeze %dma_start3A_77 : memref<1x128xi32, #tpu.memory_space<vmem>> -> memref<128xi32, #tpu.memory_space<vmem>>
          %dma_start3A_79 = tpu.memref_slice %arg3[%multiple_of3A_44] : memref<327680xi32, #tpu.memory_space<hbm>> -> memref<128xi32, #tpu.memory_space<hbm>>
          tpu.enqueue_dma source(%dma_start3A_79 : memref<128xi32, #tpu.memory_space<hbm>>) target(%dma_start3A_78 : memref<128xi32, #tpu.memory_space<vmem>>) target_semaphore(%run_scoped3A_71 : memref<!tpu.dma_semaphore, #tpu.memory_space<semaphore_mem>>)
          %dma_wait3A_80 = arith.constant 0 : i32
          %dma_wait3A_81 = tpu.memref_slice %arg10[%run_scoped3A_45, %dma_wait3A_80] : memref<2x128xi32, #tpu.memory_space<vmem>> -> memref<1x128xi32, #tpu.memory_space<vmem>>
          %dma_wait3A_82 = tpu.memref_squeeze %dma_wait3A_81 : memref<1x128xi32, #tpu.memory_space<vmem>> -> memref<128xi32, #tpu.memory_space<vmem>>
          %dma_wait3A_83 = tpu.memref_slice %arg3[%multiple_of3A_44] : memref<327680xi32, #tpu.memory_space<hbm>> -> memref<128xi32, #tpu.memory_space<hbm>>
          %dma_wait3A_84 = arith.constant 0 : i32
          %dma_wait3A_85 = tpu.memref_slice %arg10[%run_scoped3A_45, %dma_wait3A_84] : memref<2x128xi32, #tpu.memory_space<vmem>> -> memref<1x128xi32, #tpu.memory_space<vmem>>
          %dma_wait3A_86 = tpu.memref_squeeze %dma_wait3A_85 : memref<1x128xi32, #tpu.memory_space<vmem>> -> memref<128xi32, #tpu.memory_space<vmem>>
          %dma_wait3A_87 = tpu.memref_slice %arg3[%multiple_of3A_44] : memref<327680xi32, #tpu.memory_space<hbm>> -> memref<128xi32, #tpu.memory_space<hbm>>
          tpu.wait_dma2 semaphore(%run_scoped3A_71 : memref<!tpu.dma_semaphore, #tpu.memory_space<semaphore_mem>>) src(%dma_wait3A_87 : memref<128xi32, #tpu.memory_space<hbm>>) dst(%dma_wait3A_86 : memref<128xi32, #tpu.memory_space<vmem>>)
          tpu.yield
        }) : () -> ()
        %dma_start3A = arith.constant 0 : i32
        %dma_start3A_46 = arith.constant 0 : i32
        %dma_start3A_47 = arith.constant 0 : i32
        %dma_start3A_48 = arith.constant 0 : i32
        %dma_start3A_49 = tpu.memref_slice %arg11[%dma_start3A_46, %dma_start3A_47, %dma_start3A_48] : memref<2x128x128xf32, #tpu.memory_space<vmem>> -> memref<1x128x128xf32, #tpu.memory_space<vmem>>
        %dma_start3A_50 = tpu.memref_squeeze %dma_start3A_49 : memref<1x128x128xf32, #tpu.memory_space<vmem>> -> memref<128x128xf32, #tpu.memory_space<vmem>>
        %dma_start3A_51 = arith.constant 0 : i32
        %dma_start3A_52 = tpu.memref_slice %arg9[%dma_start3A, %dma_start3A_51] : memref<2x128xi32, #tpu.memory_space<vmem>> -> memref<1x128xi32, #tpu.memory_space<vmem>>
        %dma_start3A_53 = tpu.memref_squeeze %dma_start3A_52 : memref<1x128xi32, #tpu.memory_space<vmem>> -> memref<128xi32, #tpu.memory_space<vmem>>
        %dma_start3A_54 = arith.constant 0 : i32
        %dma_start3A_55 = arith.constant 0 : i32
        %dma_start3A_56 = tpu.memref_slice %arg5[%dma_start3A_54, %dma_start3A_55] : memref<10000x128xf32, #tpu.memory_space<hbm>> -> memref<10000x128xf32, #tpu.memory_space<hbm>>
        tpu.enqueue_indirect_dma source(%dma_start3A_56 : memref<10000x128xf32, #tpu.memory_space<hbm>>) target(%dma_start3A_50 : memref<128x128xf32, #tpu.memory_space<vmem>>) offsets(%dma_start3A_53 : memref<128xi32, #tpu.memory_space<vmem>>) semaphore(%arg14 : memref<!tpu.dma_semaphore, #tpu.memory_space<semaphore_mem>>)
        %dma_wait3A = arith.constant 0 : i32
        %dma_wait3A_57 = arith.constant 0 : i32
        %dma_wait3A_58 = arith.constant 0 : i32
        %dma_wait3A_59 = arith.constant 0 : i32
        %dma_wait3A_60 = tpu.memref_slice %arg11[%dma_wait3A_57, %dma_wait3A_58, %dma_wait3A_59] : memref<2x128x128xf32, #tpu.memory_space<vmem>> -> memref<1x128x128xf32, #tpu.memory_space<vmem>>
        %dma_wait3A_61 = tpu.memref_squeeze %dma_wait3A_60 : memref<1x128x128xf32, #tpu.memory_space<vmem>> -> memref<128x128xf32, #tpu.memory_space<vmem>>
        %dma_wait3A_62 = arith.constant 0 : i32
        %dma_wait3A_63 = tpu.memref_slice %arg9[%dma_wait3A, %dma_wait3A_62] : memref<2x128xi32, #tpu.memory_space<vmem>> -> memref<1x128xi32, #tpu.memory_space<vmem>>
        %dma_wait3A_64 = tpu.memref_squeeze %dma_wait3A_63 : memref<1x128xi32, #tpu.memory_space<vmem>> -> memref<128xi32, #tpu.memory_space<vmem>>
        %dma_wait3A_65 = arith.constant 0 : i32
        %dma_wait3A_66 = arith.constant 0 : i32
        %dma_wait3A_67 = tpu.memref_slice %arg5[%dma_wait3A_65, %dma_wait3A_66] : memref<10000x128xf32, #tpu.memory_space<hbm>> -> memref<10000x128xf32, #tpu.memory_space<hbm>>
        tpu.wait_indirect_dma semaphore(%arg14 : memref<!tpu.dma_semaphore, #tpu.memory_space<semaphore_mem>>) src(%dma_wait3A_67 : memref<10000x128xf32, #tpu.memory_space<hbm>>) dst(%dma_wait3A_61 : memref<128x128xf32, #tpu.memory_space<vmem>>)
        %run_scoped3A_68 = arith.constant 0 : i32
        %run_scoped3A_69 = arith.constant 0 : i32
        "tpu.region"() ({
          %run_scoped3A_71 = tpu.sem_alloc : memref<!tpu.dma_semaphore, #tpu.memory_space<semaphore_mem>>
          %dma_start3A_72 = arith.constant 0 : i32
          %dma_start3A_73 = arith.constant 0 : i32
          %dma_start3A_74 = tpu.memref_slice %arg11[%run_scoped3A_68, %dma_start3A_72, %dma_start3A_73] : memref<2x128x128xf32, #tpu.memory_space<vmem>> -> memref<1x128x128xf32, #tpu.memory_space<vmem>>
          %dma_start3A_75 = tpu.memref_squeeze %dma_start3A_74 : memref<1x128x128xf32, #tpu.memory_space<vmem>> -> memref<128x128xf32, #tpu.memory_space<vmem>>
          %dma_start3A_76 = arith.constant 0 : i32
          %dma_start3A_77 = tpu.memref_slice %arg10[%run_scoped3A_69, %dma_start3A_76] : memref<2x128xi32, #tpu.memory_space<vmem>> -> memref<1x128xi32, #tpu.memory_space<vmem>>
          %dma_start3A_78 = tpu.memref_squeeze %dma_start3A_77 : memref<1x128xi32, #tpu.memory_space<vmem>> -> memref<128xi32, #tpu.memory_space<vmem>>
          %dma_start3A_79 = arith.constant 0 : i32
          %dma_start3A_80 = arith.constant 0 : i32
          %dma_start3A_81 = tpu.memref_slice %arg13[%dma_start3A_79, %dma_start3A_80] : memref<10112x128xf32, #tpu.memory_space<vmem_shared>> -> memref<10112x128xf32, #tpu.memory_space<vmem_shared>>
          tpu.enqueue_indirect_dma source(%dma_start3A_75 : memref<128x128xf32, #tpu.memory_space<vmem>>) target(%dma_start3A_81 : memref<10112x128xf32, #tpu.memory_space<vmem_shared>>) offsets(%dma_start3A_78 : memref<128xi32, #tpu.memory_space<vmem>>) semaphore(%run_scoped3A_71 : memref<!tpu.dma_semaphore, #tpu.memory_space<semaphore_mem>>) {add = true}
          %dma_wait3A_82 = arith.constant 0 : i32
          %dma_wait3A_83 = arith.constant 0 : i32
          %dma_wait3A_84 = tpu.memref_slice %arg11[%run_scoped3A_68, %dma_wait3A_82, %dma_wait3A_83] : memref<2x128x128xf32, #tpu.memory_space<vmem>> -> memref<1x128x128xf32, #tpu.memory_space<vmem>>
          %dma_wait3A_85 = tpu.memref_squeeze %dma_wait3A_84 : memref<1x128x128xf32, #tpu.memory_space<vmem>> -> memref<128x128xf32, #tpu.memory_space<vmem>>
          %dma_wait3A_86 = arith.constant 0 : i32
          %dma_wait3A_87 = tpu.memref_slice %arg10[%run_scoped3A_69, %dma_wait3A_86] : memref<2x128xi32, #tpu.memory_space<vmem>> -> memref<1x128xi32, #tpu.memory_space<vmem>>
          %dma_wait3A_88 = tpu.memref_squeeze %dma_wait3A_87 : memref<1x128xi32, #tpu.memory_space<vmem>> -> memref<128xi32, #tpu.memory_space<vmem>>
          %dma_wait3A_89 = arith.constant 0 : i32
          %dma_wait3A_90 = arith.constant 0 : i32
          %dma_wait3A_91 = tpu.memref_slice %arg13[%dma_wait3A_89, %dma_wait3A_90] : memref<10112x128xf32, #tpu.memory_space<vmem_shared>> -> memref<10112x128xf32, #tpu.memory_space<vmem_shared>>
          tpu.wait_indirect_dma semaphore(%run_scoped3A_71 : memref<!tpu.dma_semaphore, #tpu.memory_space<semaphore_mem>>) src(%dma_wait3A_85 : memref<128x128xf32, #tpu.memory_space<vmem>>) dst(%dma_wait3A_91 : memref<10112x128xf32, #tpu.memory_space<vmem_shared>>)
          tpu.yield
        }) : () -> ()
        %scan3A_70 = arith.constant 0 : i32
        scf.yield %scan3A_70 : i32
      }
      %scan3A_27 = arith.constant 80 : i32
      %barrier3A_28 = arith.constant 0 : index
      tpu.barrier barrier_id(%barrier3A_28)
      %mul3A_29 = arith.constant 624 : i32
      %mul3A_30 = arith.muli %arg1, %mul3A_29 : i32
      %multiple_of3A_31 = tpu.assume_multiple %mul3A_30, 8 : i32
      "tpu.region"() ({
        %run_scoped3A = tpu.sem_alloc : memref<!tpu.dma_semaphore, #tpu.memory_space<semaphore_mem>>
        %dma_start3A = arith.constant 0 : i32
        %dma_start3A_37 = tpu.memref_slice %arg7[%multiple_of3A_31, %dma_start3A] : memref<10000x128xf32, #tpu.memory_space<hbm>> -> memref<624x128xf32, #tpu.memory_space<hbm>>
        %dma_start3A_38 = arith.constant 0 : i32
        %dma_start3A_39 = tpu.memref_slice %arg13[%multiple_of3A_31, %dma_start3A_38] : memref<10112x128xf32, #tpu.memory_space<vmem_shared>> -> memref<624x128xf32, #tpu.memory_space<vmem_shared>>
        tpu.enqueue_dma source(%dma_start3A_39 : memref<624x128xf32, #tpu.memory_space<vmem_shared>>) target(%dma_start3A_37 : memref<624x128xf32, #tpu.memory_space<hbm>>) target_semaphore(%run_scoped3A : memref<!tpu.dma_semaphore, #tpu.memory_space<semaphore_mem>>)
        %dma_wait3A = arith.constant 0 : i32
        %dma_wait3A_40 = tpu.memref_slice %arg7[%multiple_of3A_31, %dma_wait3A] : memref<10000x128xf32, #tpu.memory_space<hbm>> -> memref<624x128xf32, #tpu.memory_space<hbm>>
        %dma_wait3A_41 = arith.constant 0 : i32
        %dma_wait3A_42 = tpu.memref_slice %arg13[%multiple_of3A_31, %dma_wait3A_41] : memref<10112x128xf32, #tpu.memory_space<vmem_shared>> -> memref<624x128xf32, #tpu.memory_space<vmem_shared>>
        tpu.wait_dma2 semaphore(%run_scoped3A : memref<!tpu.dma_semaphore, #tpu.memory_space<semaphore_mem>>) src(%dma_wait3A_42 : memref<624x128xf32, #tpu.memory_space<vmem_shared>>) dst(%dma_wait3A_40 : memref<624x128xf32, #tpu.memory_space<hbm>>)
        tpu.yield
      }) : () -> ()
      %eq3A_32 = arith.constant 15 : i32
      %eq3A_33 = arith.cmpi eq, %arg1, %eq3A_32 : i32
      %convert_element_type3A_34 = arith.extui %eq3A_33 : i1 to i32
      %cond3A_35 = arith.constant 0 : i32
      %cond3A_36 = arith.cmpi ne, %convert_element_type3A_34, %cond3A_35 : i32
      scf.if %cond3A_36 {
        "tpu.region"() ({
          %run_scoped3A = tpu.sem_alloc : memref<!tpu.dma_semaphore, #tpu.memory_space<semaphore_mem>>
          %dma_start3A = arith.constant 9984 : i32
          %dma_start3A_37 = arith.constant 0 : i32
          %dma_start3A_38 = tpu.memref_slice %arg7[%dma_start3A, %dma_start3A_37] : memref<10000x128xf32, #tpu.memory_space<hbm>> -> memref<16x128xf32, #tpu.memory_space<hbm>>
          %dma_start3A_39 = arith.constant 9984 : i32
          %dma_start3A_40 = arith.constant 0 : i32
          %dma_start3A_41 = tpu.memref_slice %arg13[%dma_start3A_39, %dma_start3A_40] : memref<10112x128xf32, #tpu.memory_space<vmem_shared>> -> memref<16x128xf32, #tpu.memory_space<vmem_shared>>
          tpu.enqueue_dma source(%dma_start3A_41 : memref<16x128xf32, #tpu.memory_space<vmem_shared>>) target(%dma_start3A_38 : memref<16x128xf32, #tpu.memory_space<hbm>>) target_semaphore(%run_scoped3A : memref<!tpu.dma_semaphore, #tpu.memory_space<semaphore_mem>>)
          %dma_wait3A = arith.constant 9984 : i32
          %dma_wait3A_42 = arith.constant 0 : i32
          %dma_wait3A_43 = tpu.memref_slice %arg7[%dma_wait3A, %dma_wait3A_42] : memref<10000x128xf32, #tpu.memory_space<hbm>> -> memref<16x128xf32, #tpu.memory_space<hbm>>
          %dma_wait3A_44 = arith.constant 9984 : i32
          %dma_wait3A_45 = arith.constant 0 : i32
          %dma_wait3A_46 = tpu.memref_slice %arg13[%dma_wait3A_44, %dma_wait3A_45] : memref<10112x128xf32, #tpu.memory_space<vmem_shared>> -> memref<16x128xf32, #tpu.memory_space<vmem_shared>>
          tpu.wait_dma2 semaphore(%run_scoped3A : memref<!tpu.dma_semaphore, #tpu.memory_space<semaphore_mem>>) src(%dma_wait3A_46 : memref<16x128xf32, #tpu.memory_space<vmem_shared>>) dst(%dma_wait3A_43 : memref<16x128xf32, #tpu.memory_space<hbm>>)
          tpu.yield
        }) : () -> ()
      } else {
      }
    } else {
    }
    %eq3A_17 = arith.constant 1 : i32
    %eq3A_18 = arith.cmpi eq, %arg0, %eq3A_17 : i32
    %convert_element_type3A_19 = arith.extui %eq3A_18 : i1 to i32
    %cond3A_20 = arith.constant 0 : i32
    %cond3A_21 = arith.cmpi ne, %convert_element_type3A_19, %cond3A_20 : i32
    scf.if %cond3A_21 {
      %scan3A = arith.constant 0 : i32
      %scan3A_22 = arith.constant 0 : i32
      %scan3A_23 = arith.constant 80 : i32
      %scan3A_24 = arith.addi %scan3A_22, %scan3A_23 : i32
      %scan3A_25 = arith.constant 1 : i32
      %scan3A_26 = scf.for %scan3A_37 = %scan3A_22 to %scan3A_24 step %scan3A_25 iter_args(%scan3A_38 = %scan3A) -> (i32)  : i32 {
        %mul3A_39 = arith.constant 128 : i32
        %mul3A_40 = arith.muli %mul3A_14, %mul3A_39 : i32
        %mul3A_41 = arith.constant 128 : i32
        %mul3A_42 = arith.muli %scan3A_37, %mul3A_41 : i32
        %add3A_43 = arith.addi %mul3A_40, %mul3A_42 : i32
        %multiple_of3A_44 = tpu.assume_multiple %add3A_43, 128 : i32
        %run_scoped3A = arith.constant 0 : i32
        "tpu.region"() ({
          %run_scoped3A_71 = tpu.sem_alloc : memref<!tpu.dma_semaphore, #tpu.memory_space<semaphore_mem>>
          %dma_start3A_72 = arith.constant 0 : i32
          %dma_start3A_73 = tpu.memref_slice %arg9[%run_scoped3A, %dma_start3A_72] : memref<2x128xi32, #tpu.memory_space<vmem>> -> memref<1x128xi32, #tpu.memory_space<vmem>>
          %dma_start3A_74 = tpu.memref_squeeze %dma_start3A_73 : memref<1x128xi32, #tpu.memory_space<vmem>> -> memref<128xi32, #tpu.memory_space<vmem>>
          %dma_start3A_75 = tpu.memref_slice %arg2[%multiple_of3A_44] : memref<327680xi32, #tpu.memory_space<hbm>> -> memref<128xi32, #tpu.memory_space<hbm>>
          %dma_start3A_76 = arith.constant 0 : i32
          %dma_start3A_77 = tpu.memref_slice %arg9[%run_scoped3A, %dma_start3A_76] : memref<2x128xi32, #tpu.memory_space<vmem>> -> memref<1x128xi32, #tpu.memory_space<vmem>>
          %dma_start3A_78 = tpu.memref_squeeze %dma_start3A_77 : memref<1x128xi32, #tpu.memory_space<vmem>> -> memref<128xi32, #tpu.memory_space<vmem>>
          %dma_start3A_79 = tpu.memref_slice %arg2[%multiple_of3A_44] : memref<327680xi32, #tpu.memory_space<hbm>> -> memref<128xi32, #tpu.memory_space<hbm>>
          tpu.enqueue_dma source(%dma_start3A_79 : memref<128xi32, #tpu.memory_space<hbm>>) target(%dma_start3A_78 : memref<128xi32, #tpu.memory_space<vmem>>) target_semaphore(%run_scoped3A_71 : memref<!tpu.dma_semaphore, #tpu.memory_space<semaphore_mem>>)
          %dma_wait3A_80 = arith.constant 0 : i32
          %dma_wait3A_81 = tpu.memref_slice %arg9[%run_scoped3A, %dma_wait3A_80] : memref<2x128xi32, #tpu.memory_space<vmem>> -> memref<1x128xi32, #tpu.memory_space<vmem>>
          %dma_wait3A_82 = tpu.memref_squeeze %dma_wait3A_81 : memref<1x128xi32, #tpu.memory_space<vmem>> -> memref<128xi32, #tpu.memory_space<vmem>>
          %dma_wait3A_83 = tpu.memref_slice %arg2[%multiple_of3A_44] : memref<327680xi32, #tpu.memory_space<hbm>> -> memref<128xi32, #tpu.memory_space<hbm>>
          %dma_wait3A_84 = arith.constant 0 : i32
          %dma_wait3A_85 = tpu.memref_slice %arg9[%run_scoped3A, %dma_wait3A_84] : memref<2x128xi32, #tpu.memory_space<vmem>> -> memref<1x128xi32, #tpu.memory_space<vmem>>
          %dma_wait3A_86 = tpu.memref_squeeze %dma_wait3A_85 : memref<1x128xi32, #tpu.memory_space<vmem>> -> memref<128xi32, #tpu.memory_space<vmem>>
          %dma_wait3A_87 = tpu.memref_slice %arg2[%multiple_of3A_44] : memref<327680xi32, #tpu.memory_space<hbm>> -> memref<128xi32, #tpu.memory_space<hbm>>
          tpu.wait_dma2 semaphore(%run_scoped3A_71 : memref<!tpu.dma_semaphore, #tpu.memory_space<semaphore_mem>>) src(%dma_wait3A_87 : memref<128xi32, #tpu.memory_space<hbm>>) dst(%dma_wait3A_86 : memref<128xi32, #tpu.memory_space<vmem>>)
          tpu.yield
        }) : () -> ()
        %run_scoped3A_45 = arith.constant 0 : i32
        "tpu.region"() ({
          %run_scoped3A_71 = tpu.sem_alloc : memref<!tpu.dma_semaphore, #tpu.memory_space<semaphore_mem>>
          %dma_start3A_72 = arith.constant 0 : i32
          %dma_start3A_73 = tpu.memref_slice %arg10[%run_scoped3A_45, %dma_start3A_72] : memref<2x128xi32, #tpu.memory_space<vmem>> -> memref<1x128xi32, #tpu.memory_space<vmem>>
          %dma_start3A_74 = tpu.memref_squeeze %dma_start3A_73 : memref<1x128xi32, #tpu.memory_space<vmem>> -> memref<128xi32, #tpu.memory_space<vmem>>
          %dma_start3A_75 = tpu.memref_slice %arg3[%multiple_of3A_44] : memref<327680xi32, #tpu.memory_space<hbm>> -> memref<128xi32, #tpu.memory_space<hbm>>
          %dma_start3A_76 = arith.constant 0 : i32
          %dma_start3A_77 = tpu.memref_slice %arg10[%run_scoped3A_45, %dma_start3A_76] : memref<2x128xi32, #tpu.memory_space<vmem>> -> memref<1x128xi32, #tpu.memory_space<vmem>>
          %dma_start3A_78 = tpu.memref_squeeze %dma_start3A_77 : memref<1x128xi32, #tpu.memory_space<vmem>> -> memref<128xi32, #tpu.memory_space<vmem>>
          %dma_start3A_79 = tpu.memref_slice %arg3[%multiple_of3A_44] : memref<327680xi32, #tpu.memory_space<hbm>> -> memref<128xi32, #tpu.memory_space<hbm>>
          tpu.enqueue_dma source(%dma_start3A_79 : memref<128xi32, #tpu.memory_space<hbm>>) target(%dma_start3A_78 : memref<128xi32, #tpu.memory_space<vmem>>) target_semaphore(%run_scoped3A_71 : memref<!tpu.dma_semaphore, #tpu.memory_space<semaphore_mem>>)
          %dma_wait3A_80 = arith.constant 0 : i32
          %dma_wait3A_81 = tpu.memref_slice %arg10[%run_scoped3A_45, %dma_wait3A_80] : memref<2x128xi32, #tpu.memory_space<vmem>> -> memref<1x128xi32, #tpu.memory_space<vmem>>
          %dma_wait3A_82 = tpu.memref_squeeze %dma_wait3A_81 : memref<1x128xi32, #tpu.memory_space<vmem>> -> memref<128xi32, #tpu.memory_space<vmem>>
          %dma_wait3A_83 = tpu.memref_slice %arg3[%multiple_of3A_44] : memref<327680xi32, #tpu.memory_space<hbm>> -> memref<128xi32, #tpu.memory_space<hbm>>
          %dma_wait3A_84 = arith.constant 0 : i32
          %dma_wait3A_85 = tpu.memref_slice %arg10[%run_scoped3A_45, %dma_wait3A_84] : memref<2x128xi32, #tpu.memory_space<vmem>> -> memref<1x128xi32, #tpu.memory_space<vmem>>
          %dma_wait3A_86 = tpu.memref_squeeze %dma_wait3A_85 : memref<1x128xi32, #tpu.memory_space<vmem>> -> memref<128xi32, #tpu.memory_space<vmem>>
          %dma_wait3A_87 = tpu.memref_slice %arg3[%multiple_of3A_44] : memref<327680xi32, #tpu.memory_space<hbm>> -> memref<128xi32, #tpu.memory_space<hbm>>
          tpu.wait_dma2 semaphore(%run_scoped3A_71 : memref<!tpu.dma_semaphore, #tpu.memory_space<semaphore_mem>>) src(%dma_wait3A_87 : memref<128xi32, #tpu.memory_space<hbm>>) dst(%dma_wait3A_86 : memref<128xi32, #tpu.memory_space<vmem>>)
          tpu.yield
        }) : () -> ()
        %dma_start3A = arith.constant 0 : i32
        %dma_start3A_46 = arith.constant 0 : i32
        %dma_start3A_47 = arith.constant 0 : i32
        %dma_start3A_48 = arith.constant 0 : i32
        %dma_start3A_49 = tpu.memref_slice %arg11[%dma_start3A_46, %dma_start3A_47, %dma_start3A_48] : memref<2x128x128xf32, #tpu.memory_space<vmem>> -> memref<1x128x128xf32, #tpu.memory_space<vmem>>
        %dma_start3A_50 = tpu.memref_squeeze %dma_start3A_49 : memref<1x128x128xf32, #tpu.memory_space<vmem>> -> memref<128x128xf32, #tpu.memory_space<vmem>>
        %dma_start3A_51 = arith.constant 0 : i32
        %dma_start3A_52 = tpu.memref_slice %arg9[%dma_start3A, %dma_start3A_51] : memref<2x128xi32, #tpu.memory_space<vmem>> -> memref<1x128xi32, #tpu.memory_space<vmem>>
        %dma_start3A_53 = tpu.memref_squeeze %dma_start3A_52 : memref<1x128xi32, #tpu.memory_space<vmem>> -> memref<128xi32, #tpu.memory_space<vmem>>
        %dma_start3A_54 = arith.constant 0 : i32
        %dma_start3A_55 = arith.constant 0 : i32
        %dma_start3A_56 = tpu.memref_slice %arg6[%dma_start3A_54, %dma_start3A_55] : memref<10000x128xf32, #tpu.memory_space<hbm>> -> memref<10000x128xf32, #tpu.memory_space<hbm>>
        tpu.enqueue_indirect_dma source(%dma_start3A_56 : memref<10000x128xf32, #tpu.memory_space<hbm>>) target(%dma_start3A_50 : memref<128x128xf32, #tpu.memory_space<vmem>>) offsets(%dma_start3A_53 : memref<128xi32, #tpu.memory_space<vmem>>) semaphore(%arg14 : memref<!tpu.dma_semaphore, #tpu.memory_space<semaphore_mem>>)
        %dma_wait3A = arith.constant 0 : i32
        %dma_wait3A_57 = arith.constant 0 : i32
        %dma_wait3A_58 = arith.constant 0 : i32
        %dma_wait3A_59 = arith.constant 0 : i32
        %dma_wait3A_60 = tpu.memref_slice %arg11[%dma_wait3A_57, %dma_wait3A_58, %dma_wait3A_59] : memref<2x128x128xf32, #tpu.memory_space<vmem>> -> memref<1x128x128xf32, #tpu.memory_space<vmem>>
        %dma_wait3A_61 = tpu.memref_squeeze %dma_wait3A_60 : memref<1x128x128xf32, #tpu.memory_space<vmem>> -> memref<128x128xf32, #tpu.memory_space<vmem>>
        %dma_wait3A_62 = arith.constant 0 : i32
        %dma_wait3A_63 = tpu.memref_slice %arg9[%dma_wait3A, %dma_wait3A_62] : memref<2x128xi32, #tpu.memory_space<vmem>> -> memref<1x128xi32, #tpu.memory_space<vmem>>
        %dma_wait3A_64 = tpu.memref_squeeze %dma_wait3A_63 : memref<1x128xi32, #tpu.memory_space<vmem>> -> memref<128xi32, #tpu.memory_space<vmem>>
        %dma_wait3A_65 = arith.constant 0 : i32
        %dma_wait3A_66 = arith.constant 0 : i32
        %dma_wait3A_67 = tpu.memref_slice %arg6[%dma_wait3A_65, %dma_wait3A_66] : memref<10000x128xf32, #tpu.memory_space<hbm>> -> memref<10000x128xf32, #tpu.memory_space<hbm>>
        tpu.wait_indirect_dma semaphore(%arg14 : memref<!tpu.dma_semaphore, #tpu.memory_space<semaphore_mem>>) src(%dma_wait3A_67 : memref<10000x128xf32, #tpu.memory_space<hbm>>) dst(%dma_wait3A_61 : memref<128x128xf32, #tpu.memory_space<vmem>>)
        %run_scoped3A_68 = arith.constant 0 : i32
        %run_scoped3A_69 = arith.constant 0 : i32
        "tpu.region"() ({
          %run_scoped3A_71 = tpu.sem_alloc : memref<!tpu.dma_semaphore, #tpu.memory_space<semaphore_mem>>
          %dma_start3A_72 = arith.constant 0 : i32
          %dma_start3A_73 = arith.constant 0 : i32
          %dma_start3A_74 = tpu.memref_slice %arg11[%run_scoped3A_68, %dma_start3A_72, %dma_start3A_73] : memref<2x128x128xf32, #tpu.memory_space<vmem>> -> memref<1x128x128xf32, #tpu.memory_space<vmem>>
          %dma_start3A_75 = tpu.memref_squeeze %dma_start3A_74 : memref<1x128x128xf32, #tpu.memory_space<vmem>> -> memref<128x128xf32, #tpu.memory_space<vmem>>
          %dma_start3A_76 = arith.constant 0 : i32
          %dma_start3A_77 = tpu.memref_slice %arg10[%run_scoped3A_69, %dma_start3A_76] : memref<2x128xi32, #tpu.memory_space<vmem>> -> memref<1x128xi32, #tpu.memory_space<vmem>>
          %dma_start3A_78 = tpu.memref_squeeze %dma_start3A_77 : memref<1x128xi32, #tpu.memory_space<vmem>> -> memref<128xi32, #tpu.memory_space<vmem>>
          %dma_start3A_79 = arith.constant 0 : i32
          %dma_start3A_80 = arith.constant 0 : i32
          %dma_start3A_81 = tpu.memref_slice %arg13[%dma_start3A_79, %dma_start3A_80] : memref<10112x128xf32, #tpu.memory_space<vmem_shared>> -> memref<10112x128xf32, #tpu.memory_space<vmem_shared>>
          tpu.enqueue_indirect_dma source(%dma_start3A_75 : memref<128x128xf32, #tpu.memory_space<vmem>>) target(%dma_start3A_81 : memref<10112x128xf32, #tpu.memory_space<vmem_shared>>) offsets(%dma_start3A_78 : memref<128xi32, #tpu.memory_space<vmem>>) semaphore(%run_scoped3A_71 : memref<!tpu.dma_semaphore, #tpu.memory_space<semaphore_mem>>) {add = true}
          %dma_wait3A_82 = arith.constant 0 : i32
          %dma_wait3A_83 = arith.constant 0 : i32
          %dma_wait3A_84 = tpu.memref_slice %arg11[%run_scoped3A_68, %dma_wait3A_82, %dma_wait3A_83] : memref<2x128x128xf32, #tpu.memory_space<vmem>> -> memref<1x128x128xf32, #tpu.memory_space<vmem>>
          %dma_wait3A_85 = tpu.memref_squeeze %dma_wait3A_84 : memref<1x128x128xf32, #tpu.memory_space<vmem>> -> memref<128x128xf32, #tpu.memory_space<vmem>>
          %dma_wait3A_86 = arith.constant 0 : i32
          %dma_wait3A_87 = tpu.memref_slice %arg10[%run_scoped3A_69, %dma_wait3A_86] : memref<2x128xi32, #tpu.memory_space<vmem>> -> memref<1x128xi32, #tpu.memory_space<vmem>>
          %dma_wait3A_88 = tpu.memref_squeeze %dma_wait3A_87 : memref<1x128xi32, #tpu.memory_space<vmem>> -> memref<128xi32, #tpu.memory_space<vmem>>
          %dma_wait3A_89 = arith.constant 0 : i32
          %dma_wait3A_90 = arith.constant 0 : i32
          %dma_wait3A_91 = tpu.memref_slice %arg13[%dma_wait3A_89, %dma_wait3A_90] : memref<10112x128xf32, #tpu.memory_space<vmem_shared>> -> memref<10112x128xf32, #tpu.memory_space<vmem_shared>>
          tpu.wait_indirect_dma semaphore(%run_scoped3A_71 : memref<!tpu.dma_semaphore, #tpu.memory_space<semaphore_mem>>) src(%dma_wait3A_85 : memref<128x128xf32, #tpu.memory_space<vmem>>) dst(%dma_wait3A_91 : memref<10112x128xf32, #tpu.memory_space<vmem_shared>>)
          tpu.yield
        }) : () -> ()
        %scan3A_70 = arith.constant 0 : i32
        scf.yield %scan3A_70 : i32
      }
      %scan3A_27 = arith.constant 80 : i32
      %barrier3A_28 = arith.constant 0 : index
      tpu.barrier barrier_id(%barrier3A_28)
      %mul3A_29 = arith.constant 624 : i32
      %mul3A_30 = arith.muli %arg1, %mul3A_29 : i32
      %multiple_of3A_31 = tpu.assume_multiple %mul3A_30, 8 : i32
      "tpu.region"() ({
        %run_scoped3A = tpu.sem_alloc : memref<!tpu.dma_semaphore, #tpu.memory_space<semaphore_mem>>
        %dma_start3A = arith.constant 0 : i32
        %dma_start3A_37 = tpu.memref_slice %arg8[%multiple_of3A_31, %dma_start3A] : memref<10000x128xf32, #tpu.memory_space<hbm>> -> memref<624x128xf32, #tpu.memory_space<hbm>>
        %dma_start3A_38 = arith.constant 0 : i32
        %dma_start3A_39 = tpu.memref_slice %arg13[%multiple_of3A_31, %dma_start3A_38] : memref<10112x128xf32, #tpu.memory_space<vmem_shared>> -> memref<624x128xf32, #tpu.memory_space<vmem_shared>>
        tpu.enqueue_dma source(%dma_start3A_39 : memref<624x128xf32, #tpu.memory_space<vmem_shared>>) target(%dma_start3A_37 : memref<624x128xf32, #tpu.memory_space<hbm>>) target_semaphore(%run_scoped3A : memref<!tpu.dma_semaphore, #tpu.memory_space<semaphore_mem>>)
        %dma_wait3A = arith.constant 0 : i32
        %dma_wait3A_40 = tpu.memref_slice %arg8[%multiple_of3A_31, %dma_wait3A] : memref<10000x128xf32, #tpu.memory_space<hbm>> -> memref<624x128xf32, #tpu.memory_space<hbm>>
        %dma_wait3A_41 = arith.constant 0 : i32
        %dma_wait3A_42 = tpu.memref_slice %arg13[%multiple_of3A_31, %dma_wait3A_41] : memref<10112x128xf32, #tpu.memory_space<vmem_shared>> -> memref<624x128xf32, #tpu.memory_space<vmem_shared>>
        tpu.wait_dma2 semaphore(%run_scoped3A : memref<!tpu.dma_semaphore, #tpu.memory_space<semaphore_mem>>) src(%dma_wait3A_42 : memref<624x128xf32, #tpu.memory_space<vmem_shared>>) dst(%dma_wait3A_40 : memref<624x128xf32, #tpu.memory_space<hbm>>)
        tpu.yield
      }) : () -> ()
      %eq3A_32 = arith.constant 15 : i32
      %eq3A_33 = arith.cmpi eq, %arg1, %eq3A_32 : i32
      %convert_element_type3A_34 = arith.extui %eq3A_33 : i1 to i32
      %cond3A_35 = arith.constant 0 : i32
      %cond3A_36 = arith.cmpi ne, %convert_element_type3A_34, %cond3A_35 : i32
      scf.if %cond3A_36 {
        "tpu.region"() ({
          %run_scoped3A = tpu.sem_alloc : memref<!tpu.dma_semaphore, #tpu.memory_space<semaphore_mem>>
          %dma_start3A = arith.constant 9984 : i32
          %dma_start3A_37 = arith.constant 0 : i32
          %dma_start3A_38 = tpu.memref_slice %arg8[%dma_start3A, %dma_start3A_37] : memref<10000x128xf32, #tpu.memory_space<hbm>> -> memref<16x128xf32, #tpu.memory_space<hbm>>
          %dma_start3A_39 = arith.constant 9984 : i32
          %dma_start3A_40 = arith.constant 0 : i32
          %dma_start3A_41 = tpu.memref_slice %arg13[%dma_start3A_39, %dma_start3A_40] : memref<10112x128xf32, #tpu.memory_space<vmem_shared>> -> memref<16x128xf32, #tpu.memory_space<vmem_shared>>
          tpu.enqueue_dma source(%dma_start3A_41 : memref<16x128xf32, #tpu.memory_space<vmem_shared>>) target(%dma_start3A_38 : memref<16x128xf32, #tpu.memory_space<hbm>>) target_semaphore(%run_scoped3A : memref<!tpu.dma_semaphore, #tpu.memory_space<semaphore_mem>>)
          %dma_wait3A = arith.constant 9984 : i32
          %dma_wait3A_42 = arith.constant 0 : i32
          %dma_wait3A_43 = tpu.memref_slice %arg8[%dma_wait3A, %dma_wait3A_42] : memref<10000x128xf32, #tpu.memory_space<hbm>> -> memref<16x128xf32, #tpu.memory_space<hbm>>
          %dma_wait3A_44 = arith.constant 9984 : i32
          %dma_wait3A_45 = arith.constant 0 : i32
          %dma_wait3A_46 = tpu.memref_slice %arg13[%dma_wait3A_44, %dma_wait3A_45] : memref<10112x128xf32, #tpu.memory_space<vmem_shared>> -> memref<16x128xf32, #tpu.memory_space<vmem_shared>>
          tpu.wait_dma2 semaphore(%run_scoped3A : memref<!tpu.dma_semaphore, #tpu.memory_space<semaphore_mem>>) src(%dma_wait3A_46 : memref<16x128xf32, #tpu.memory_space<vmem_shared>>) dst(%dma_wait3A_43 : memref<16x128xf32, #tpu.memory_space<hbm>>)
          tpu.yield
        }) : () -> ()
      } else {
      }
    } else {
    }
    return
  }
}

#map = affine_map<(d0, d1) -> (0)>
#map1 = affine_map<(d0, d1) -> (0, 0)>
module attributes {stable_mosaic.version = 14 : i64} {
  func.func @_edge_body(%arg0: i32, %arg1: i32, %arg2: memref<327680xi32, #tpu.memory_space<hbm>>, %arg3: memref<327680xi32, #tpu.memory_space<hbm>>, %arg4: memref<128x128xf32, #tpu.memory_space<hbm>>, %arg5: memref<10000x128xf32, #tpu.memory_space<hbm>>, %arg6: memref<10000x128xf32, #tpu.memory_space<hbm>>, %arg7: memref<10000x128xf32, #tpu.memory_space<hbm>>, %arg8: memref<10000x128xf32, #tpu.memory_space<hbm>>, %arg9: memref<2x128xi32, #tpu.memory_space<vmem>>, %arg10: memref<2x128xi32, #tpu.memory_space<vmem>>, %arg11: memref<2x128x128xf32, #tpu.memory_space<vmem>>, %arg12: memref<128x128xf32, #tpu.memory_space<vmem>>, %arg13: memref<10112x128xf32, #tpu.memory_space<vmem_shared>>, %arg14: memref<!tpu.dma_semaphore, #tpu.memory_space<semaphore_mem>>) attributes {dimension_semantics = [#tpu.dimension_semantics<core_parallel>, #tpu.dimension_semantics<subcore_parallel>], iteration_bounds = array<i64: 2, 16>, scalar_prefetch = 0 : i64, scratch_operands = 6 : i64, tpu.core_type = #tpu.core_type<sc_vector_subcore>, window_params = [{transform_indices = #map}, {transform_indices = #map}, {transform_indices = #map1}, {transform_indices = #map1}, {transform_indices = #map1}, {transform_indices = #map1}, {transform_indices = #map1}]} {
    "tpu.region"() ({
      %run_scoped3A = tpu.sem_alloc : memref<!tpu.dma_semaphore, #tpu.memory_space<semaphore_mem>>
      tpu.enqueue_dma source(%arg4 : memref<128x128xf32, #tpu.memory_space<hbm>>) target(%arg12 : memref<128x128xf32, #tpu.memory_space<vmem>>) target_semaphore(%run_scoped3A : memref<!tpu.dma_semaphore, #tpu.memory_space<semaphore_mem>>)
      tpu.wait_dma2 semaphore(%run_scoped3A : memref<!tpu.dma_semaphore, #tpu.memory_space<semaphore_mem>>) src(%arg4 : memref<128x128xf32, #tpu.memory_space<hbm>>) dst(%arg12 : memref<128x128xf32, #tpu.memory_space<vmem>>)
      tpu.yield
    }) : () -> ()
    %mul3A = arith.constant 632 : i32
    %mul3A_0 = arith.muli %arg1, %mul3A : i32
    %multiple_of3A = tpu.assume_multiple %mul3A_0, 8 : i32
    %add3A = arith.constant 0 : i32
    %add3A_1 = arith.addi %multiple_of3A, %add3A : i32
    "tpu.region"() ({
      %run_scoped3A = tpu.sem_alloc : memref<!tpu.dma_semaphore, #tpu.memory_space<semaphore_mem>>
      %dma_start3A = arith.constant 0 : i32
      %dma_start3A_19 = arith.constant 0 : i32
      %dma_start3A_20 = tpu.memref_slice %arg12[%dma_start3A, %dma_start3A_19] : memref<128x128xf32, #tpu.memory_space<vmem>> -> memref<128x128xf32, #tpu.memory_space<vmem>>
      %dma_start3A_21 = arith.constant 0 : i32
      %dma_start3A_22 = tpu.memref_slice %arg13[%add3A_1, %dma_start3A_21] : memref<10112x128xf32, #tpu.memory_space<vmem_shared>> -> memref<128x128xf32, #tpu.memory_space<vmem_shared>>
      %dma_start3A_23 = arith.constant 0 : i32
      %dma_start3A_24 = tpu.memref_slice %arg13[%add3A_1, %dma_start3A_23] : memref<10112x128xf32, #tpu.memory_space<vmem_shared>> -> memref<128x128xf32, #tpu.memory_space<vmem_shared>>
      %dma_start3A_25 = arith.constant 0 : i32
      %dma_start3A_26 = arith.constant 0 : i32
      %dma_start3A_27 = tpu.memref_slice %arg12[%dma_start3A_25, %dma_start3A_26] : memref<128x128xf32, #tpu.memory_space<vmem>> -> memref<128x128xf32, #tpu.memory_space<vmem>>
      tpu.enqueue_dma source(%dma_start3A_27 : memref<128x128xf32, #tpu.memory_space<vmem>>) target(%dma_start3A_24 : memref<128x128xf32, #tpu.memory_space<vmem_shared>>) target_semaphore(%run_scoped3A : memref<!tpu.dma_semaphore, #tpu.memory_space<semaphore_mem>>)
      %dma_wait3A = arith.constant 0 : i32
      %dma_wait3A_28 = arith.constant 0 : i32
      %dma_wait3A_29 = tpu.memref_slice %arg12[%dma_wait3A, %dma_wait3A_28] : memref<128x128xf32, #tpu.memory_space<vmem>> -> memref<128x128xf32, #tpu.memory_space<vmem>>
      %dma_wait3A_30 = arith.constant 0 : i32
      %dma_wait3A_31 = tpu.memref_slice %arg13[%add3A_1, %dma_wait3A_30] : memref<10112x128xf32, #tpu.memory_space<vmem_shared>> -> memref<128x128xf32, #tpu.memory_space<vmem_shared>>
      %dma_wait3A_32 = arith.constant 0 : i32
      %dma_wait3A_33 = tpu.memref_slice %arg13[%add3A_1, %dma_wait3A_32] : memref<10112x128xf32, #tpu.memory_space<vmem_shared>> -> memref<128x128xf32, #tpu.memory_space<vmem_shared>>
      %dma_wait3A_34 = arith.constant 0 : i32
      %dma_wait3A_35 = arith.constant 0 : i32
      %dma_wait3A_36 = tpu.memref_slice %arg12[%dma_wait3A_34, %dma_wait3A_35] : memref<128x128xf32, #tpu.memory_space<vmem>> -> memref<128x128xf32, #tpu.memory_space<vmem>>
      tpu.wait_dma2 semaphore(%run_scoped3A : memref<!tpu.dma_semaphore, #tpu.memory_space<semaphore_mem>>) src(%dma_wait3A_36 : memref<128x128xf32, #tpu.memory_space<vmem>>) dst(%dma_wait3A_33 : memref<128x128xf32, #tpu.memory_space<vmem_shared>>)
      tpu.yield
    }) : () -> ()
    %add3A_2 = arith.constant 128 : i32
    %add3A_3 = arith.addi %multiple_of3A, %add3A_2 : i32
    "tpu.region"() ({
      %run_scoped3A = tpu.sem_alloc : memref<!tpu.dma_semaphore, #tpu.memory_space<semaphore_mem>>
      %dma_start3A = arith.constant 0 : i32
      %dma_start3A_19 = arith.constant 0 : i32
      %dma_start3A_20 = tpu.memref_slice %arg12[%dma_start3A, %dma_start3A_19] : memref<128x128xf32, #tpu.memory_space<vmem>> -> memref<128x128xf32, #tpu.memory_space<vmem>>
      %dma_start3A_21 = arith.constant 0 : i32
      %dma_start3A_22 = tpu.memref_slice %arg13[%add3A_3, %dma_start3A_21] : memref<10112x128xf32, #tpu.memory_space<vmem_shared>> -> memref<128x128xf32, #tpu.memory_space<vmem_shared>>
      %dma_start3A_23 = arith.constant 0 : i32
      %dma_start3A_24 = tpu.memref_slice %arg13[%add3A_3, %dma_start3A_23] : memref<10112x128xf32, #tpu.memory_space<vmem_shared>> -> memref<128x128xf32, #tpu.memory_space<vmem_shared>>
      %dma_start3A_25 = arith.constant 0 : i32
      %dma_start3A_26 = arith.constant 0 : i32
      %dma_start3A_27 = tpu.memref_slice %arg12[%dma_start3A_25, %dma_start3A_26] : memref<128x128xf32, #tpu.memory_space<vmem>> -> memref<128x128xf32, #tpu.memory_space<vmem>>
      tpu.enqueue_dma source(%dma_start3A_27 : memref<128x128xf32, #tpu.memory_space<vmem>>) target(%dma_start3A_24 : memref<128x128xf32, #tpu.memory_space<vmem_shared>>) target_semaphore(%run_scoped3A : memref<!tpu.dma_semaphore, #tpu.memory_space<semaphore_mem>>)
      %dma_wait3A = arith.constant 0 : i32
      %dma_wait3A_28 = arith.constant 0 : i32
      %dma_wait3A_29 = tpu.memref_slice %arg12[%dma_wait3A, %dma_wait3A_28] : memref<128x128xf32, #tpu.memory_space<vmem>> -> memref<128x128xf32, #tpu.memory_space<vmem>>
      %dma_wait3A_30 = arith.constant 0 : i32
      %dma_wait3A_31 = tpu.memref_slice %arg13[%add3A_3, %dma_wait3A_30] : memref<10112x128xf32, #tpu.memory_space<vmem_shared>> -> memref<128x128xf32, #tpu.memory_space<vmem_shared>>
      %dma_wait3A_32 = arith.constant 0 : i32
      %dma_wait3A_33 = tpu.memref_slice %arg13[%add3A_3, %dma_wait3A_32] : memref<10112x128xf32, #tpu.memory_space<vmem_shared>> -> memref<128x128xf32, #tpu.memory_space<vmem_shared>>
      %dma_wait3A_34 = arith.constant 0 : i32
      %dma_wait3A_35 = arith.constant 0 : i32
      %dma_wait3A_36 = tpu.memref_slice %arg12[%dma_wait3A_34, %dma_wait3A_35] : memref<128x128xf32, #tpu.memory_space<vmem>> -> memref<128x128xf32, #tpu.memory_space<vmem>>
      tpu.wait_dma2 semaphore(%run_scoped3A : memref<!tpu.dma_semaphore, #tpu.memory_space<semaphore_mem>>) src(%dma_wait3A_36 : memref<128x128xf32, #tpu.memory_space<vmem>>) dst(%dma_wait3A_33 : memref<128x128xf32, #tpu.memory_space<vmem_shared>>)
      tpu.yield
    }) : () -> ()
    %add3A_4 = arith.constant 256 : i32
    %add3A_5 = arith.addi %multiple_of3A, %add3A_4 : i32
    "tpu.region"() ({
      %run_scoped3A = tpu.sem_alloc : memref<!tpu.dma_semaphore, #tpu.memory_space<semaphore_mem>>
      %dma_start3A = arith.constant 0 : i32
      %dma_start3A_19 = arith.constant 0 : i32
      %dma_start3A_20 = tpu.memref_slice %arg12[%dma_start3A, %dma_start3A_19] : memref<128x128xf32, #tpu.memory_space<vmem>> -> memref<128x128xf32, #tpu.memory_space<vmem>>
      %dma_start3A_21 = arith.constant 0 : i32
      %dma_start3A_22 = tpu.memref_slice %arg13[%add3A_5, %dma_start3A_21] : memref<10112x128xf32, #tpu.memory_space<vmem_shared>> -> memref<128x128xf32, #tpu.memory_space<vmem_shared>>
      %dma_start3A_23 = arith.constant 0 : i32
      %dma_start3A_24 = tpu.memref_slice %arg13[%add3A_5, %dma_start3A_23] : memref<10112x128xf32, #tpu.memory_space<vmem_shared>> -> memref<128x128xf32, #tpu.memory_space<vmem_shared>>
      %dma_start3A_25 = arith.constant 0 : i32
      %dma_start3A_26 = arith.constant 0 : i32
      %dma_start3A_27 = tpu.memref_slice %arg12[%dma_start3A_25, %dma_start3A_26] : memref<128x128xf32, #tpu.memory_space<vmem>> -> memref<128x128xf32, #tpu.memory_space<vmem>>
      tpu.enqueue_dma source(%dma_start3A_27 : memref<128x128xf32, #tpu.memory_space<vmem>>) target(%dma_start3A_24 : memref<128x128xf32, #tpu.memory_space<vmem_shared>>) target_semaphore(%run_scoped3A : memref<!tpu.dma_semaphore, #tpu.memory_space<semaphore_mem>>)
      %dma_wait3A = arith.constant 0 : i32
      %dma_wait3A_28 = arith.constant 0 : i32
      %dma_wait3A_29 = tpu.memref_slice %arg12[%dma_wait3A, %dma_wait3A_28] : memref<128x128xf32, #tpu.memory_space<vmem>> -> memref<128x128xf32, #tpu.memory_space<vmem>>
      %dma_wait3A_30 = arith.constant 0 : i32
      %dma_wait3A_31 = tpu.memref_slice %arg13[%add3A_5, %dma_wait3A_30] : memref<10112x128xf32, #tpu.memory_space<vmem_shared>> -> memref<128x128xf32, #tpu.memory_space<vmem_shared>>
      %dma_wait3A_32 = arith.constant 0 : i32
      %dma_wait3A_33 = tpu.memref_slice %arg13[%add3A_5, %dma_wait3A_32] : memref<10112x128xf32, #tpu.memory_space<vmem_shared>> -> memref<128x128xf32, #tpu.memory_space<vmem_shared>>
      %dma_wait3A_34 = arith.constant 0 : i32
      %dma_wait3A_35 = arith.constant 0 : i32
      %dma_wait3A_36 = tpu.memref_slice %arg12[%dma_wait3A_34, %dma_wait3A_35] : memref<128x128xf32, #tpu.memory_space<vmem>> -> memref<128x128xf32, #tpu.memory_space<vmem>>
      tpu.wait_dma2 semaphore(%run_scoped3A : memref<!tpu.dma_semaphore, #tpu.memory_space<semaphore_mem>>) src(%dma_wait3A_36 : memref<128x128xf32, #tpu.memory_space<vmem>>) dst(%dma_wait3A_33 : memref<128x128xf32, #tpu.memory_space<vmem_shared>>)
      tpu.yield
    }) : () -> ()
    %add3A_6 = arith.constant 384 : i32
    %add3A_7 = arith.addi %multiple_of3A, %add3A_6 : i32
    "tpu.region"() ({
      %run_scoped3A = tpu.sem_alloc : memref<!tpu.dma_semaphore, #tpu.memory_space<semaphore_mem>>
      %dma_start3A = arith.constant 0 : i32
      %dma_start3A_19 = arith.constant 0 : i32
      %dma_start3A_20 = tpu.memref_slice %arg12[%dma_start3A, %dma_start3A_19] : memref<128x128xf32, #tpu.memory_space<vmem>> -> memref<128x128xf32, #tpu.memory_space<vmem>>
      %dma_start3A_21 = arith.constant 0 : i32
      %dma_start3A_22 = tpu.memref_slice %arg13[%add3A_7, %dma_start3A_21] : memref<10112x128xf32, #tpu.memory_space<vmem_shared>> -> memref<128x128xf32, #tpu.memory_space<vmem_shared>>
      %dma_start3A_23 = arith.constant 0 : i32
      %dma_start3A_24 = tpu.memref_slice %arg13[%add3A_7, %dma_start3A_23] : memref<10112x128xf32, #tpu.memory_space<vmem_shared>> -> memref<128x128xf32, #tpu.memory_space<vmem_shared>>
      %dma_start3A_25 = arith.constant 0 : i32
      %dma_start3A_26 = arith.constant 0 : i32
      %dma_start3A_27 = tpu.memref_slice %arg12[%dma_start3A_25, %dma_start3A_26] : memref<128x128xf32, #tpu.memory_space<vmem>> -> memref<128x128xf32, #tpu.memory_space<vmem>>
      tpu.enqueue_dma source(%dma_start3A_27 : memref<128x128xf32, #tpu.memory_space<vmem>>) target(%dma_start3A_24 : memref<128x128xf32, #tpu.memory_space<vmem_shared>>) target_semaphore(%run_scoped3A : memref<!tpu.dma_semaphore, #tpu.memory_space<semaphore_mem>>)
      %dma_wait3A = arith.constant 0 : i32
      %dma_wait3A_28 = arith.constant 0 : i32
      %dma_wait3A_29 = tpu.memref_slice %arg12[%dma_wait3A, %dma_wait3A_28] : memref<128x128xf32, #tpu.memory_space<vmem>> -> memref<128x128xf32, #tpu.memory_space<vmem>>
      %dma_wait3A_30 = arith.constant 0 : i32
      %dma_wait3A_31 = tpu.memref_slice %arg13[%add3A_7, %dma_wait3A_30] : memref<10112x128xf32, #tpu.memory_space<vmem_shared>> -> memref<128x128xf32, #tpu.memory_space<vmem_shared>>
      %dma_wait3A_32 = arith.constant 0 : i32
      %dma_wait3A_33 = tpu.memref_slice %arg13[%add3A_7, %dma_wait3A_32] : memref<10112x128xf32, #tpu.memory_space<vmem_shared>> -> memref<128x128xf32, #tpu.memory_space<vmem_shared>>
      %dma_wait3A_34 = arith.constant 0 : i32
      %dma_wait3A_35 = arith.constant 0 : i32
      %dma_wait3A_36 = tpu.memref_slice %arg12[%dma_wait3A_34, %dma_wait3A_35] : memref<128x128xf32, #tpu.memory_space<vmem>> -> memref<128x128xf32, #tpu.memory_space<vmem>>
      tpu.wait_dma2 semaphore(%run_scoped3A : memref<!tpu.dma_semaphore, #tpu.memory_space<semaphore_mem>>) src(%dma_wait3A_36 : memref<128x128xf32, #tpu.memory_space<vmem>>) dst(%dma_wait3A_33 : memref<128x128xf32, #tpu.memory_space<vmem_shared>>)
      tpu.yield
    }) : () -> ()
    %add3A_8 = arith.constant 512 : i32
    %add3A_9 = arith.addi %multiple_of3A, %add3A_8 : i32
    "tpu.region"() ({
      %run_scoped3A = tpu.sem_alloc : memref<!tpu.dma_semaphore, #tpu.memory_space<semaphore_mem>>
      %dma_start3A = arith.constant 0 : i32
      %dma_start3A_19 = arith.constant 0 : i32
      %dma_start3A_20 = tpu.memref_slice %arg12[%dma_start3A, %dma_start3A_19] : memref<128x128xf32, #tpu.memory_space<vmem>> -> memref<120x128xf32, #tpu.memory_space<vmem>>
      %dma_start3A_21 = arith.constant 0 : i32
      %dma_start3A_22 = tpu.memref_slice %arg13[%add3A_9, %dma_start3A_21] : memref<10112x128xf32, #tpu.memory_space<vmem_shared>> -> memref<120x128xf32, #tpu.memory_space<vmem_shared>>
      %dma_start3A_23 = arith.constant 0 : i32
      %dma_start3A_24 = tpu.memref_slice %arg13[%add3A_9, %dma_start3A_23] : memref<10112x128xf32, #tpu.memory_space<vmem_shared>> -> memref<120x128xf32, #tpu.memory_space<vmem_shared>>
      %dma_start3A_25 = arith.constant 0 : i32
      %dma_start3A_26 = arith.constant 0 : i32
      %dma_start3A_27 = tpu.memref_slice %arg12[%dma_start3A_25, %dma_start3A_26] : memref<128x128xf32, #tpu.memory_space<vmem>> -> memref<120x128xf32, #tpu.memory_space<vmem>>
      tpu.enqueue_dma source(%dma_start3A_27 : memref<120x128xf32, #tpu.memory_space<vmem>>) target(%dma_start3A_24 : memref<120x128xf32, #tpu.memory_space<vmem_shared>>) target_semaphore(%run_scoped3A : memref<!tpu.dma_semaphore, #tpu.memory_space<semaphore_mem>>)
      %dma_wait3A = arith.constant 0 : i32
      %dma_wait3A_28 = arith.constant 0 : i32
      %dma_wait3A_29 = tpu.memref_slice %arg12[%dma_wait3A, %dma_wait3A_28] : memref<128x128xf32, #tpu.memory_space<vmem>> -> memref<120x128xf32, #tpu.memory_space<vmem>>
      %dma_wait3A_30 = arith.constant 0 : i32
      %dma_wait3A_31 = tpu.memref_slice %arg13[%add3A_9, %dma_wait3A_30] : memref<10112x128xf32, #tpu.memory_space<vmem_shared>> -> memref<120x128xf32, #tpu.memory_space<vmem_shared>>
      %dma_wait3A_32 = arith.constant 0 : i32
      %dma_wait3A_33 = tpu.memref_slice %arg13[%add3A_9, %dma_wait3A_32] : memref<10112x128xf32, #tpu.memory_space<vmem_shared>> -> memref<120x128xf32, #tpu.memory_space<vmem_shared>>
      %dma_wait3A_34 = arith.constant 0 : i32
      %dma_wait3A_35 = arith.constant 0 : i32
      %dma_wait3A_36 = tpu.memref_slice %arg12[%dma_wait3A_34, %dma_wait3A_35] : memref<128x128xf32, #tpu.memory_space<vmem>> -> memref<120x128xf32, #tpu.memory_space<vmem>>
      tpu.wait_dma2 semaphore(%run_scoped3A : memref<!tpu.dma_semaphore, #tpu.memory_space<semaphore_mem>>) src(%dma_wait3A_36 : memref<120x128xf32, #tpu.memory_space<vmem>>) dst(%dma_wait3A_33 : memref<120x128xf32, #tpu.memory_space<vmem_shared>>)
      tpu.yield
    }) : () -> ()
    %barrier3A = arith.constant 0 : index
    tpu.barrier barrier_id(%barrier3A)
    %mul3A_10 = arith.constant 160 : i32
    %mul3A_11 = arith.muli %arg1, %mul3A_10 : i32
    %eq3A = arith.constant 0 : i32
    %eq3A_12 = arith.cmpi eq, %arg0, %eq3A : i32
    %convert_element_type3A = arith.extui %eq3A_12 : i1 to i32
    %cond3A = arith.constant 0 : i32
    %cond3A_13 = arith.cmpi ne, %convert_element_type3A, %cond3A : i32
    scf.if %cond3A_13 {
      %scan3A = arith.constant 0 : i32
      %scan3A_19 = arith.constant 0 : i32
      %scan3A_20 = arith.constant 160 : i32
      %scan3A_21 = arith.addi %scan3A_19, %scan3A_20 : i32
      %scan3A_22 = arith.constant 1 : i32
      %scan3A_23 = scf.for %scan3A_34 = %scan3A_19 to %scan3A_21 step %scan3A_22 iter_args(%scan3A_35 = %scan3A) -> (i32)  : i32 {
        %mul3A_36 = arith.constant 128 : i32
        %mul3A_37 = arith.muli %mul3A_11, %mul3A_36 : i32
        %mul3A_38 = arith.constant 128 : i32
        %mul3A_39 = arith.muli %scan3A_34, %mul3A_38 : i32
        %add3A_40 = arith.addi %mul3A_37, %mul3A_39 : i32
        %multiple_of3A_41 = tpu.assume_multiple %add3A_40, 128 : i32
        %run_scoped3A = arith.constant 0 : i32
        "tpu.region"() ({
          %run_scoped3A_68 = tpu.sem_alloc : memref<!tpu.dma_semaphore, #tpu.memory_space<semaphore_mem>>
          %dma_start3A_69 = arith.constant 0 : i32
          %dma_start3A_70 = tpu.memref_slice %arg9[%run_scoped3A, %dma_start3A_69] : memref<2x128xi32, #tpu.memory_space<vmem>> -> memref<1x128xi32, #tpu.memory_space<vmem>>
          %dma_start3A_71 = tpu.memref_squeeze %dma_start3A_70 : memref<1x128xi32, #tpu.memory_space<vmem>> -> memref<128xi32, #tpu.memory_space<vmem>>
          %dma_start3A_72 = tpu.memref_slice %arg2[%multiple_of3A_41] : memref<327680xi32, #tpu.memory_space<hbm>> -> memref<128xi32, #tpu.memory_space<hbm>>
          %dma_start3A_73 = arith.constant 0 : i32
          %dma_start3A_74 = tpu.memref_slice %arg9[%run_scoped3A, %dma_start3A_73] : memref<2x128xi32, #tpu.memory_space<vmem>> -> memref<1x128xi32, #tpu.memory_space<vmem>>
          %dma_start3A_75 = tpu.memref_squeeze %dma_start3A_74 : memref<1x128xi32, #tpu.memory_space<vmem>> -> memref<128xi32, #tpu.memory_space<vmem>>
          %dma_start3A_76 = tpu.memref_slice %arg2[%multiple_of3A_41] : memref<327680xi32, #tpu.memory_space<hbm>> -> memref<128xi32, #tpu.memory_space<hbm>>
          tpu.enqueue_dma source(%dma_start3A_76 : memref<128xi32, #tpu.memory_space<hbm>>) target(%dma_start3A_75 : memref<128xi32, #tpu.memory_space<vmem>>) target_semaphore(%run_scoped3A_68 : memref<!tpu.dma_semaphore, #tpu.memory_space<semaphore_mem>>)
          %dma_wait3A_77 = arith.constant 0 : i32
          %dma_wait3A_78 = tpu.memref_slice %arg9[%run_scoped3A, %dma_wait3A_77] : memref<2x128xi32, #tpu.memory_space<vmem>> -> memref<1x128xi32, #tpu.memory_space<vmem>>
          %dma_wait3A_79 = tpu.memref_squeeze %dma_wait3A_78 : memref<1x128xi32, #tpu.memory_space<vmem>> -> memref<128xi32, #tpu.memory_space<vmem>>
          %dma_wait3A_80 = tpu.memref_slice %arg2[%multiple_of3A_41] : memref<327680xi32, #tpu.memory_space<hbm>> -> memref<128xi32, #tpu.memory_space<hbm>>
          %dma_wait3A_81 = arith.constant 0 : i32
          %dma_wait3A_82 = tpu.memref_slice %arg9[%run_scoped3A, %dma_wait3A_81] : memref<2x128xi32, #tpu.memory_space<vmem>> -> memref<1x128xi32, #tpu.memory_space<vmem>>
          %dma_wait3A_83 = tpu.memref_squeeze %dma_wait3A_82 : memref<1x128xi32, #tpu.memory_space<vmem>> -> memref<128xi32, #tpu.memory_space<vmem>>
          %dma_wait3A_84 = tpu.memref_slice %arg2[%multiple_of3A_41] : memref<327680xi32, #tpu.memory_space<hbm>> -> memref<128xi32, #tpu.memory_space<hbm>>
          tpu.wait_dma2 semaphore(%run_scoped3A_68 : memref<!tpu.dma_semaphore, #tpu.memory_space<semaphore_mem>>) src(%dma_wait3A_84 : memref<128xi32, #tpu.memory_space<hbm>>) dst(%dma_wait3A_83 : memref<128xi32, #tpu.memory_space<vmem>>)
          tpu.yield
        }) : () -> ()
        %run_scoped3A_42 = arith.constant 0 : i32
        "tpu.region"() ({
          %run_scoped3A_68 = tpu.sem_alloc : memref<!tpu.dma_semaphore, #tpu.memory_space<semaphore_mem>>
          %dma_start3A_69 = arith.constant 0 : i32
          %dma_start3A_70 = tpu.memref_slice %arg10[%run_scoped3A_42, %dma_start3A_69] : memref<2x128xi32, #tpu.memory_space<vmem>> -> memref<1x128xi32, #tpu.memory_space<vmem>>
          %dma_start3A_71 = tpu.memref_squeeze %dma_start3A_70 : memref<1x128xi32, #tpu.memory_space<vmem>> -> memref<128xi32, #tpu.memory_space<vmem>>
          %dma_start3A_72 = tpu.memref_slice %arg3[%multiple_of3A_41] : memref<327680xi32, #tpu.memory_space<hbm>> -> memref<128xi32, #tpu.memory_space<hbm>>
          %dma_start3A_73 = arith.constant 0 : i32
          %dma_start3A_74 = tpu.memref_slice %arg10[%run_scoped3A_42, %dma_start3A_73] : memref<2x128xi32, #tpu.memory_space<vmem>> -> memref<1x128xi32, #tpu.memory_space<vmem>>
          %dma_start3A_75 = tpu.memref_squeeze %dma_start3A_74 : memref<1x128xi32, #tpu.memory_space<vmem>> -> memref<128xi32, #tpu.memory_space<vmem>>
          %dma_start3A_76 = tpu.memref_slice %arg3[%multiple_of3A_41] : memref<327680xi32, #tpu.memory_space<hbm>> -> memref<128xi32, #tpu.memory_space<hbm>>
          tpu.enqueue_dma source(%dma_start3A_76 : memref<128xi32, #tpu.memory_space<hbm>>) target(%dma_start3A_75 : memref<128xi32, #tpu.memory_space<vmem>>) target_semaphore(%run_scoped3A_68 : memref<!tpu.dma_semaphore, #tpu.memory_space<semaphore_mem>>)
          %dma_wait3A_77 = arith.constant 0 : i32
          %dma_wait3A_78 = tpu.memref_slice %arg10[%run_scoped3A_42, %dma_wait3A_77] : memref<2x128xi32, #tpu.memory_space<vmem>> -> memref<1x128xi32, #tpu.memory_space<vmem>>
          %dma_wait3A_79 = tpu.memref_squeeze %dma_wait3A_78 : memref<1x128xi32, #tpu.memory_space<vmem>> -> memref<128xi32, #tpu.memory_space<vmem>>
          %dma_wait3A_80 = tpu.memref_slice %arg3[%multiple_of3A_41] : memref<327680xi32, #tpu.memory_space<hbm>> -> memref<128xi32, #tpu.memory_space<hbm>>
          %dma_wait3A_81 = arith.constant 0 : i32
          %dma_wait3A_82 = tpu.memref_slice %arg10[%run_scoped3A_42, %dma_wait3A_81] : memref<2x128xi32, #tpu.memory_space<vmem>> -> memref<1x128xi32, #tpu.memory_space<vmem>>
          %dma_wait3A_83 = tpu.memref_squeeze %dma_wait3A_82 : memref<1x128xi32, #tpu.memory_space<vmem>> -> memref<128xi32, #tpu.memory_space<vmem>>
          %dma_wait3A_84 = tpu.memref_slice %arg3[%multiple_of3A_41] : memref<327680xi32, #tpu.memory_space<hbm>> -> memref<128xi32, #tpu.memory_space<hbm>>
          tpu.wait_dma2 semaphore(%run_scoped3A_68 : memref<!tpu.dma_semaphore, #tpu.memory_space<semaphore_mem>>) src(%dma_wait3A_84 : memref<128xi32, #tpu.memory_space<hbm>>) dst(%dma_wait3A_83 : memref<128xi32, #tpu.memory_space<vmem>>)
          tpu.yield
        }) : () -> ()
        %dma_start3A = arith.constant 0 : i32
        %dma_start3A_43 = arith.constant 0 : i32
        %dma_start3A_44 = arith.constant 0 : i32
        %dma_start3A_45 = arith.constant 0 : i32
        %dma_start3A_46 = tpu.memref_slice %arg11[%dma_start3A_43, %dma_start3A_44, %dma_start3A_45] : memref<2x128x128xf32, #tpu.memory_space<vmem>> -> memref<1x128x128xf32, #tpu.memory_space<vmem>>
        %dma_start3A_47 = tpu.memref_squeeze %dma_start3A_46 : memref<1x128x128xf32, #tpu.memory_space<vmem>> -> memref<128x128xf32, #tpu.memory_space<vmem>>
        %dma_start3A_48 = arith.constant 0 : i32
        %dma_start3A_49 = tpu.memref_slice %arg9[%dma_start3A, %dma_start3A_48] : memref<2x128xi32, #tpu.memory_space<vmem>> -> memref<1x128xi32, #tpu.memory_space<vmem>>
        %dma_start3A_50 = tpu.memref_squeeze %dma_start3A_49 : memref<1x128xi32, #tpu.memory_space<vmem>> -> memref<128xi32, #tpu.memory_space<vmem>>
        %dma_start3A_51 = arith.constant 0 : i32
        %dma_start3A_52 = arith.constant 0 : i32
        %dma_start3A_53 = tpu.memref_slice %arg5[%dma_start3A_51, %dma_start3A_52] : memref<10000x128xf32, #tpu.memory_space<hbm>> -> memref<10000x128xf32, #tpu.memory_space<hbm>>
        tpu.enqueue_indirect_dma source(%dma_start3A_53 : memref<10000x128xf32, #tpu.memory_space<hbm>>) target(%dma_start3A_47 : memref<128x128xf32, #tpu.memory_space<vmem>>) offsets(%dma_start3A_50 : memref<128xi32, #tpu.memory_space<vmem>>) semaphore(%arg14 : memref<!tpu.dma_semaphore, #tpu.memory_space<semaphore_mem>>)
        %dma_wait3A = arith.constant 0 : i32
        %dma_wait3A_54 = arith.constant 0 : i32
        %dma_wait3A_55 = arith.constant 0 : i32
        %dma_wait3A_56 = arith.constant 0 : i32
        %dma_wait3A_57 = tpu.memref_slice %arg11[%dma_wait3A_54, %dma_wait3A_55, %dma_wait3A_56] : memref<2x128x128xf32, #tpu.memory_space<vmem>> -> memref<1x128x128xf32, #tpu.memory_space<vmem>>
        %dma_wait3A_58 = tpu.memref_squeeze %dma_wait3A_57 : memref<1x128x128xf32, #tpu.memory_space<vmem>> -> memref<128x128xf32, #tpu.memory_space<vmem>>
        %dma_wait3A_59 = arith.constant 0 : i32
        %dma_wait3A_60 = tpu.memref_slice %arg9[%dma_wait3A, %dma_wait3A_59] : memref<2x128xi32, #tpu.memory_space<vmem>> -> memref<1x128xi32, #tpu.memory_space<vmem>>
        %dma_wait3A_61 = tpu.memref_squeeze %dma_wait3A_60 : memref<1x128xi32, #tpu.memory_space<vmem>> -> memref<128xi32, #tpu.memory_space<vmem>>
        %dma_wait3A_62 = arith.constant 0 : i32
        %dma_wait3A_63 = arith.constant 0 : i32
        %dma_wait3A_64 = tpu.memref_slice %arg5[%dma_wait3A_62, %dma_wait3A_63] : memref<10000x128xf32, #tpu.memory_space<hbm>> -> memref<10000x128xf32, #tpu.memory_space<hbm>>
        tpu.wait_indirect_dma semaphore(%arg14 : memref<!tpu.dma_semaphore, #tpu.memory_space<semaphore_mem>>) src(%dma_wait3A_64 : memref<10000x128xf32, #tpu.memory_space<hbm>>) dst(%dma_wait3A_58 : memref<128x128xf32, #tpu.memory_space<vmem>>)
        %run_scoped3A_65 = arith.constant 0 : i32
        %run_scoped3A_66 = arith.constant 0 : i32
        "tpu.region"() ({
          %run_scoped3A_68 = tpu.sem_alloc : memref<!tpu.dma_semaphore, #tpu.memory_space<semaphore_mem>>
          %dma_start3A_69 = arith.constant 0 : i32
          %dma_start3A_70 = arith.constant 0 : i32
          %dma_start3A_71 = tpu.memref_slice %arg11[%run_scoped3A_65, %dma_start3A_69, %dma_start3A_70] : memref<2x128x128xf32, #tpu.memory_space<vmem>> -> memref<1x128x128xf32, #tpu.memory_space<vmem>>
          %dma_start3A_72 = tpu.memref_squeeze %dma_start3A_71 : memref<1x128x128xf32, #tpu.memory_space<vmem>> -> memref<128x128xf32, #tpu.memory_space<vmem>>
          %dma_start3A_73 = arith.constant 0 : i32
          %dma_start3A_74 = tpu.memref_slice %arg10[%run_scoped3A_66, %dma_start3A_73] : memref<2x128xi32, #tpu.memory_space<vmem>> -> memref<1x128xi32, #tpu.memory_space<vmem>>
          %dma_start3A_75 = tpu.memref_squeeze %dma_start3A_74 : memref<1x128xi32, #tpu.memory_space<vmem>> -> memref<128xi32, #tpu.memory_space<vmem>>
          %dma_start3A_76 = arith.constant 0 : i32
          %dma_start3A_77 = arith.constant 0 : i32
          %dma_start3A_78 = tpu.memref_slice %arg13[%dma_start3A_76, %dma_start3A_77] : memref<10112x128xf32, #tpu.memory_space<vmem_shared>> -> memref<10112x128xf32, #tpu.memory_space<vmem_shared>>
          tpu.enqueue_indirect_dma source(%dma_start3A_72 : memref<128x128xf32, #tpu.memory_space<vmem>>) target(%dma_start3A_78 : memref<10112x128xf32, #tpu.memory_space<vmem_shared>>) offsets(%dma_start3A_75 : memref<128xi32, #tpu.memory_space<vmem>>) semaphore(%run_scoped3A_68 : memref<!tpu.dma_semaphore, #tpu.memory_space<semaphore_mem>>) {add = true}
          %dma_wait3A_79 = arith.constant 0 : i32
          %dma_wait3A_80 = arith.constant 0 : i32
          %dma_wait3A_81 = tpu.memref_slice %arg11[%run_scoped3A_65, %dma_wait3A_79, %dma_wait3A_80] : memref<2x128x128xf32, #tpu.memory_space<vmem>> -> memref<1x128x128xf32, #tpu.memory_space<vmem>>
          %dma_wait3A_82 = tpu.memref_squeeze %dma_wait3A_81 : memref<1x128x128xf32, #tpu.memory_space<vmem>> -> memref<128x128xf32, #tpu.memory_space<vmem>>
          %dma_wait3A_83 = arith.constant 0 : i32
          %dma_wait3A_84 = tpu.memref_slice %arg10[%run_scoped3A_66, %dma_wait3A_83] : memref<2x128xi32, #tpu.memory_space<vmem>> -> memref<1x128xi32, #tpu.memory_space<vmem>>
          %dma_wait3A_85 = tpu.memref_squeeze %dma_wait3A_84 : memref<1x128xi32, #tpu.memory_space<vmem>> -> memref<128xi32, #tpu.memory_space<vmem>>
          %dma_wait3A_86 = arith.constant 0 : i32
          %dma_wait3A_87 = arith.constant 0 : i32
          %dma_wait3A_88 = tpu.memref_slice %arg13[%dma_wait3A_86, %dma_wait3A_87] : memref<10112x128xf32, #tpu.memory_space<vmem_shared>> -> memref<10112x128xf32, #tpu.memory_space<vmem_shared>>
          tpu.wait_indirect_dma semaphore(%run_scoped3A_68 : memref<!tpu.dma_semaphore, #tpu.memory_space<semaphore_mem>>) src(%dma_wait3A_82 : memref<128x128xf32, #tpu.memory_space<vmem>>) dst(%dma_wait3A_88 : memref<10112x128xf32, #tpu.memory_space<vmem_shared>>)
          tpu.yield
        }) : () -> ()
        %scan3A_67 = arith.constant 0 : i32
        scf.yield %scan3A_67 : i32
      }
      %scan3A_24 = arith.constant 160 : i32
      %barrier3A_25 = arith.constant 0 : index
      tpu.barrier barrier_id(%barrier3A_25)
      %mul3A_26 = arith.constant 624 : i32
      %mul3A_27 = arith.muli %arg1, %mul3A_26 : i32
      %multiple_of3A_28 = tpu.assume_multiple %mul3A_27, 8 : i32
      "tpu.region"() ({
        %run_scoped3A = tpu.sem_alloc : memref<!tpu.dma_semaphore, #tpu.memory_space<semaphore_mem>>
        %dma_start3A = arith.constant 0 : i32
        %dma_start3A_34 = tpu.memref_slice %arg7[%multiple_of3A_28, %dma_start3A] : memref<10000x128xf32, #tpu.memory_space<hbm>> -> memref<624x128xf32, #tpu.memory_space<hbm>>
        %dma_start3A_35 = arith.constant 0 : i32
        %dma_start3A_36 = tpu.memref_slice %arg13[%multiple_of3A_28, %dma_start3A_35] : memref<10112x128xf32, #tpu.memory_space<vmem_shared>> -> memref<624x128xf32, #tpu.memory_space<vmem_shared>>
        tpu.enqueue_dma source(%dma_start3A_36 : memref<624x128xf32, #tpu.memory_space<vmem_shared>>) target(%dma_start3A_34 : memref<624x128xf32, #tpu.memory_space<hbm>>) target_semaphore(%run_scoped3A : memref<!tpu.dma_semaphore, #tpu.memory_space<semaphore_mem>>)
        %dma_wait3A = arith.constant 0 : i32
        %dma_wait3A_37 = tpu.memref_slice %arg7[%multiple_of3A_28, %dma_wait3A] : memref<10000x128xf32, #tpu.memory_space<hbm>> -> memref<624x128xf32, #tpu.memory_space<hbm>>
        %dma_wait3A_38 = arith.constant 0 : i32
        %dma_wait3A_39 = tpu.memref_slice %arg13[%multiple_of3A_28, %dma_wait3A_38] : memref<10112x128xf32, #tpu.memory_space<vmem_shared>> -> memref<624x128xf32, #tpu.memory_space<vmem_shared>>
        tpu.wait_dma2 semaphore(%run_scoped3A : memref<!tpu.dma_semaphore, #tpu.memory_space<semaphore_mem>>) src(%dma_wait3A_39 : memref<624x128xf32, #tpu.memory_space<vmem_shared>>) dst(%dma_wait3A_37 : memref<624x128xf32, #tpu.memory_space<hbm>>)
        tpu.yield
      }) : () -> ()
      %eq3A_29 = arith.constant 15 : i32
      %eq3A_30 = arith.cmpi eq, %arg1, %eq3A_29 : i32
      %convert_element_type3A_31 = arith.extui %eq3A_30 : i1 to i32
      %cond3A_32 = arith.constant 0 : i32
      %cond3A_33 = arith.cmpi ne, %convert_element_type3A_31, %cond3A_32 : i32
      scf.if %cond3A_33 {
        "tpu.region"() ({
          %run_scoped3A = tpu.sem_alloc : memref<!tpu.dma_semaphore, #tpu.memory_space<semaphore_mem>>
          %dma_start3A = arith.constant 9984 : i32
          %dma_start3A_34 = arith.constant 0 : i32
          %dma_start3A_35 = tpu.memref_slice %arg7[%dma_start3A, %dma_start3A_34] : memref<10000x128xf32, #tpu.memory_space<hbm>> -> memref<16x128xf32, #tpu.memory_space<hbm>>
          %dma_start3A_36 = arith.constant 9984 : i32
          %dma_start3A_37 = arith.constant 0 : i32
          %dma_start3A_38 = tpu.memref_slice %arg13[%dma_start3A_36, %dma_start3A_37] : memref<10112x128xf32, #tpu.memory_space<vmem_shared>> -> memref<16x128xf32, #tpu.memory_space<vmem_shared>>
          tpu.enqueue_dma source(%dma_start3A_38 : memref<16x128xf32, #tpu.memory_space<vmem_shared>>) target(%dma_start3A_35 : memref<16x128xf32, #tpu.memory_space<hbm>>) target_semaphore(%run_scoped3A : memref<!tpu.dma_semaphore, #tpu.memory_space<semaphore_mem>>)
          %dma_wait3A = arith.constant 9984 : i32
          %dma_wait3A_39 = arith.constant 0 : i32
          %dma_wait3A_40 = tpu.memref_slice %arg7[%dma_wait3A, %dma_wait3A_39] : memref<10000x128xf32, #tpu.memory_space<hbm>> -> memref<16x128xf32, #tpu.memory_space<hbm>>
          %dma_wait3A_41 = arith.constant 9984 : i32
          %dma_wait3A_42 = arith.constant 0 : i32
          %dma_wait3A_43 = tpu.memref_slice %arg13[%dma_wait3A_41, %dma_wait3A_42] : memref<10112x128xf32, #tpu.memory_space<vmem_shared>> -> memref<16x128xf32, #tpu.memory_space<vmem_shared>>
          tpu.wait_dma2 semaphore(%run_scoped3A : memref<!tpu.dma_semaphore, #tpu.memory_space<semaphore_mem>>) src(%dma_wait3A_43 : memref<16x128xf32, #tpu.memory_space<vmem_shared>>) dst(%dma_wait3A_40 : memref<16x128xf32, #tpu.memory_space<hbm>>)
          tpu.yield
        }) : () -> ()
      } else {
      }
    } else {
    }
    %eq3A_14 = arith.constant 1 : i32
    %eq3A_15 = arith.cmpi eq, %arg0, %eq3A_14 : i32
    %convert_element_type3A_16 = arith.extui %eq3A_15 : i1 to i32
    %cond3A_17 = arith.constant 0 : i32
    %cond3A_18 = arith.cmpi ne, %convert_element_type3A_16, %cond3A_17 : i32
    scf.if %cond3A_18 {
      %scan3A = arith.constant 0 : i32
      %scan3A_19 = arith.constant 0 : i32
      %scan3A_20 = arith.constant 160 : i32
      %scan3A_21 = arith.addi %scan3A_19, %scan3A_20 : i32
      %scan3A_22 = arith.constant 1 : i32
      %scan3A_23 = scf.for %scan3A_34 = %scan3A_19 to %scan3A_21 step %scan3A_22 iter_args(%scan3A_35 = %scan3A) -> (i32)  : i32 {
        %mul3A_36 = arith.constant 128 : i32
        %mul3A_37 = arith.muli %mul3A_11, %mul3A_36 : i32
        %mul3A_38 = arith.constant 128 : i32
        %mul3A_39 = arith.muli %scan3A_34, %mul3A_38 : i32
        %add3A_40 = arith.addi %mul3A_37, %mul3A_39 : i32
        %multiple_of3A_41 = tpu.assume_multiple %add3A_40, 128 : i32
        %run_scoped3A = arith.constant 0 : i32
        "tpu.region"() ({
          %run_scoped3A_68 = tpu.sem_alloc : memref<!tpu.dma_semaphore, #tpu.memory_space<semaphore_mem>>
          %dma_start3A_69 = arith.constant 0 : i32
          %dma_start3A_70 = tpu.memref_slice %arg9[%run_scoped3A, %dma_start3A_69] : memref<2x128xi32, #tpu.memory_space<vmem>> -> memref<1x128xi32, #tpu.memory_space<vmem>>
          %dma_start3A_71 = tpu.memref_squeeze %dma_start3A_70 : memref<1x128xi32, #tpu.memory_space<vmem>> -> memref<128xi32, #tpu.memory_space<vmem>>
          %dma_start3A_72 = tpu.memref_slice %arg2[%multiple_of3A_41] : memref<327680xi32, #tpu.memory_space<hbm>> -> memref<128xi32, #tpu.memory_space<hbm>>
          %dma_start3A_73 = arith.constant 0 : i32
          %dma_start3A_74 = tpu.memref_slice %arg9[%run_scoped3A, %dma_start3A_73] : memref<2x128xi32, #tpu.memory_space<vmem>> -> memref<1x128xi32, #tpu.memory_space<vmem>>
          %dma_start3A_75 = tpu.memref_squeeze %dma_start3A_74 : memref<1x128xi32, #tpu.memory_space<vmem>> -> memref<128xi32, #tpu.memory_space<vmem>>
          %dma_start3A_76 = tpu.memref_slice %arg2[%multiple_of3A_41] : memref<327680xi32, #tpu.memory_space<hbm>> -> memref<128xi32, #tpu.memory_space<hbm>>
          tpu.enqueue_dma source(%dma_start3A_76 : memref<128xi32, #tpu.memory_space<hbm>>) target(%dma_start3A_75 : memref<128xi32, #tpu.memory_space<vmem>>) target_semaphore(%run_scoped3A_68 : memref<!tpu.dma_semaphore, #tpu.memory_space<semaphore_mem>>)
          %dma_wait3A_77 = arith.constant 0 : i32
          %dma_wait3A_78 = tpu.memref_slice %arg9[%run_scoped3A, %dma_wait3A_77] : memref<2x128xi32, #tpu.memory_space<vmem>> -> memref<1x128xi32, #tpu.memory_space<vmem>>
          %dma_wait3A_79 = tpu.memref_squeeze %dma_wait3A_78 : memref<1x128xi32, #tpu.memory_space<vmem>> -> memref<128xi32, #tpu.memory_space<vmem>>
          %dma_wait3A_80 = tpu.memref_slice %arg2[%multiple_of3A_41] : memref<327680xi32, #tpu.memory_space<hbm>> -> memref<128xi32, #tpu.memory_space<hbm>>
          %dma_wait3A_81 = arith.constant 0 : i32
          %dma_wait3A_82 = tpu.memref_slice %arg9[%run_scoped3A, %dma_wait3A_81] : memref<2x128xi32, #tpu.memory_space<vmem>> -> memref<1x128xi32, #tpu.memory_space<vmem>>
          %dma_wait3A_83 = tpu.memref_squeeze %dma_wait3A_82 : memref<1x128xi32, #tpu.memory_space<vmem>> -> memref<128xi32, #tpu.memory_space<vmem>>
          %dma_wait3A_84 = tpu.memref_slice %arg2[%multiple_of3A_41] : memref<327680xi32, #tpu.memory_space<hbm>> -> memref<128xi32, #tpu.memory_space<hbm>>
          tpu.wait_dma2 semaphore(%run_scoped3A_68 : memref<!tpu.dma_semaphore, #tpu.memory_space<semaphore_mem>>) src(%dma_wait3A_84 : memref<128xi32, #tpu.memory_space<hbm>>) dst(%dma_wait3A_83 : memref<128xi32, #tpu.memory_space<vmem>>)
          tpu.yield
        }) : () -> ()
        %run_scoped3A_42 = arith.constant 0 : i32
        "tpu.region"() ({
          %run_scoped3A_68 = tpu.sem_alloc : memref<!tpu.dma_semaphore, #tpu.memory_space<semaphore_mem>>
          %dma_start3A_69 = arith.constant 0 : i32
          %dma_start3A_70 = tpu.memref_slice %arg10[%run_scoped3A_42, %dma_start3A_69] : memref<2x128xi32, #tpu.memory_space<vmem>> -> memref<1x128xi32, #tpu.memory_space<vmem>>
          %dma_start3A_71 = tpu.memref_squeeze %dma_start3A_70 : memref<1x128xi32, #tpu.memory_space<vmem>> -> memref<128xi32, #tpu.memory_space<vmem>>
          %dma_start3A_72 = tpu.memref_slice %arg3[%multiple_of3A_41] : memref<327680xi32, #tpu.memory_space<hbm>> -> memref<128xi32, #tpu.memory_space<hbm>>
          %dma_start3A_73 = arith.constant 0 : i32
          %dma_start3A_74 = tpu.memref_slice %arg10[%run_scoped3A_42, %dma_start3A_73] : memref<2x128xi32, #tpu.memory_space<vmem>> -> memref<1x128xi32, #tpu.memory_space<vmem>>
          %dma_start3A_75 = tpu.memref_squeeze %dma_start3A_74 : memref<1x128xi32, #tpu.memory_space<vmem>> -> memref<128xi32, #tpu.memory_space<vmem>>
          %dma_start3A_76 = tpu.memref_slice %arg3[%multiple_of3A_41] : memref<327680xi32, #tpu.memory_space<hbm>> -> memref<128xi32, #tpu.memory_space<hbm>>
          tpu.enqueue_dma source(%dma_start3A_76 : memref<128xi32, #tpu.memory_space<hbm>>) target(%dma_start3A_75 : memref<128xi32, #tpu.memory_space<vmem>>) target_semaphore(%run_scoped3A_68 : memref<!tpu.dma_semaphore, #tpu.memory_space<semaphore_mem>>)
          %dma_wait3A_77 = arith.constant 0 : i32
          %dma_wait3A_78 = tpu.memref_slice %arg10[%run_scoped3A_42, %dma_wait3A_77] : memref<2x128xi32, #tpu.memory_space<vmem>> -> memref<1x128xi32, #tpu.memory_space<vmem>>
          %dma_wait3A_79 = tpu.memref_squeeze %dma_wait3A_78 : memref<1x128xi32, #tpu.memory_space<vmem>> -> memref<128xi32, #tpu.memory_space<vmem>>
          %dma_wait3A_80 = tpu.memref_slice %arg3[%multiple_of3A_41] : memref<327680xi32, #tpu.memory_space<hbm>> -> memref<128xi32, #tpu.memory_space<hbm>>
          %dma_wait3A_81 = arith.constant 0 : i32
          %dma_wait3A_82 = tpu.memref_slice %arg10[%run_scoped3A_42, %dma_wait3A_81] : memref<2x128xi32, #tpu.memory_space<vmem>> -> memref<1x128xi32, #tpu.memory_space<vmem>>
          %dma_wait3A_83 = tpu.memref_squeeze %dma_wait3A_82 : memref<1x128xi32, #tpu.memory_space<vmem>> -> memref<128xi32, #tpu.memory_space<vmem>>
          %dma_wait3A_84 = tpu.memref_slice %arg3[%multiple_of3A_41] : memref<327680xi32, #tpu.memory_space<hbm>> -> memref<128xi32, #tpu.memory_space<hbm>>
          tpu.wait_dma2 semaphore(%run_scoped3A_68 : memref<!tpu.dma_semaphore, #tpu.memory_space<semaphore_mem>>) src(%dma_wait3A_84 : memref<128xi32, #tpu.memory_space<hbm>>) dst(%dma_wait3A_83 : memref<128xi32, #tpu.memory_space<vmem>>)
          tpu.yield
        }) : () -> ()
        %dma_start3A = arith.constant 0 : i32
        %dma_start3A_43 = arith.constant 0 : i32
        %dma_start3A_44 = arith.constant 0 : i32
        %dma_start3A_45 = arith.constant 0 : i32
        %dma_start3A_46 = tpu.memref_slice %arg11[%dma_start3A_43, %dma_start3A_44, %dma_start3A_45] : memref<2x128x128xf32, #tpu.memory_space<vmem>> -> memref<1x128x128xf32, #tpu.memory_space<vmem>>
        %dma_start3A_47 = tpu.memref_squeeze %dma_start3A_46 : memref<1x128x128xf32, #tpu.memory_space<vmem>> -> memref<128x128xf32, #tpu.memory_space<vmem>>
        %dma_start3A_48 = arith.constant 0 : i32
        %dma_start3A_49 = tpu.memref_slice %arg9[%dma_start3A, %dma_start3A_48] : memref<2x128xi32, #tpu.memory_space<vmem>> -> memref<1x128xi32, #tpu.memory_space<vmem>>
        %dma_start3A_50 = tpu.memref_squeeze %dma_start3A_49 : memref<1x128xi32, #tpu.memory_space<vmem>> -> memref<128xi32, #tpu.memory_space<vmem>>
        %dma_start3A_51 = arith.constant 0 : i32
        %dma_start3A_52 = arith.constant 0 : i32
        %dma_start3A_53 = tpu.memref_slice %arg6[%dma_start3A_51, %dma_start3A_52] : memref<10000x128xf32, #tpu.memory_space<hbm>> -> memref<10000x128xf32, #tpu.memory_space<hbm>>
        tpu.enqueue_indirect_dma source(%dma_start3A_53 : memref<10000x128xf32, #tpu.memory_space<hbm>>) target(%dma_start3A_47 : memref<128x128xf32, #tpu.memory_space<vmem>>) offsets(%dma_start3A_50 : memref<128xi32, #tpu.memory_space<vmem>>) semaphore(%arg14 : memref<!tpu.dma_semaphore, #tpu.memory_space<semaphore_mem>>)
        %dma_wait3A = arith.constant 0 : i32
        %dma_wait3A_54 = arith.constant 0 : i32
        %dma_wait3A_55 = arith.constant 0 : i32
        %dma_wait3A_56 = arith.constant 0 : i32
        %dma_wait3A_57 = tpu.memref_slice %arg11[%dma_wait3A_54, %dma_wait3A_55, %dma_wait3A_56] : memref<2x128x128xf32, #tpu.memory_space<vmem>> -> memref<1x128x128xf32, #tpu.memory_space<vmem>>
        %dma_wait3A_58 = tpu.memref_squeeze %dma_wait3A_57 : memref<1x128x128xf32, #tpu.memory_space<vmem>> -> memref<128x128xf32, #tpu.memory_space<vmem>>
        %dma_wait3A_59 = arith.constant 0 : i32
        %dma_wait3A_60 = tpu.memref_slice %arg9[%dma_wait3A, %dma_wait3A_59] : memref<2x128xi32, #tpu.memory_space<vmem>> -> memref<1x128xi32, #tpu.memory_space<vmem>>
        %dma_wait3A_61 = tpu.memref_squeeze %dma_wait3A_60 : memref<1x128xi32, #tpu.memory_space<vmem>> -> memref<128xi32, #tpu.memory_space<vmem>>
        %dma_wait3A_62 = arith.constant 0 : i32
        %dma_wait3A_63 = arith.constant 0 : i32
        %dma_wait3A_64 = tpu.memref_slice %arg6[%dma_wait3A_62, %dma_wait3A_63] : memref<10000x128xf32, #tpu.memory_space<hbm>> -> memref<10000x128xf32, #tpu.memory_space<hbm>>
        tpu.wait_indirect_dma semaphore(%arg14 : memref<!tpu.dma_semaphore, #tpu.memory_space<semaphore_mem>>) src(%dma_wait3A_64 : memref<10000x128xf32, #tpu.memory_space<hbm>>) dst(%dma_wait3A_58 : memref<128x128xf32, #tpu.memory_space<vmem>>)
        %run_scoped3A_65 = arith.constant 0 : i32
        %run_scoped3A_66 = arith.constant 0 : i32
        "tpu.region"() ({
          %run_scoped3A_68 = tpu.sem_alloc : memref<!tpu.dma_semaphore, #tpu.memory_space<semaphore_mem>>
          %dma_start3A_69 = arith.constant 0 : i32
          %dma_start3A_70 = arith.constant 0 : i32
          %dma_start3A_71 = tpu.memref_slice %arg11[%run_scoped3A_65, %dma_start3A_69, %dma_start3A_70] : memref<2x128x128xf32, #tpu.memory_space<vmem>> -> memref<1x128x128xf32, #tpu.memory_space<vmem>>
          %dma_start3A_72 = tpu.memref_squeeze %dma_start3A_71 : memref<1x128x128xf32, #tpu.memory_space<vmem>> -> memref<128x128xf32, #tpu.memory_space<vmem>>
          %dma_start3A_73 = arith.constant 0 : i32
          %dma_start3A_74 = tpu.memref_slice %arg10[%run_scoped3A_66, %dma_start3A_73] : memref<2x128xi32, #tpu.memory_space<vmem>> -> memref<1x128xi32, #tpu.memory_space<vmem>>
          %dma_start3A_75 = tpu.memref_squeeze %dma_start3A_74 : memref<1x128xi32, #tpu.memory_space<vmem>> -> memref<128xi32, #tpu.memory_space<vmem>>
          %dma_start3A_76 = arith.constant 0 : i32
          %dma_start3A_77 = arith.constant 0 : i32
          %dma_start3A_78 = tpu.memref_slice %arg13[%dma_start3A_76, %dma_start3A_77] : memref<10112x128xf32, #tpu.memory_space<vmem_shared>> -> memref<10112x128xf32, #tpu.memory_space<vmem_shared>>
          tpu.enqueue_indirect_dma source(%dma_start3A_72 : memref<128x128xf32, #tpu.memory_space<vmem>>) target(%dma_start3A_78 : memref<10112x128xf32, #tpu.memory_space<vmem_shared>>) offsets(%dma_start3A_75 : memref<128xi32, #tpu.memory_space<vmem>>) semaphore(%run_scoped3A_68 : memref<!tpu.dma_semaphore, #tpu.memory_space<semaphore_mem>>) {add = true}
          %dma_wait3A_79 = arith.constant 0 : i32
          %dma_wait3A_80 = arith.constant 0 : i32
          %dma_wait3A_81 = tpu.memref_slice %arg11[%run_scoped3A_65, %dma_wait3A_79, %dma_wait3A_80] : memref<2x128x128xf32, #tpu.memory_space<vmem>> -> memref<1x128x128xf32, #tpu.memory_space<vmem>>
          %dma_wait3A_82 = tpu.memref_squeeze %dma_wait3A_81 : memref<1x128x128xf32, #tpu.memory_space<vmem>> -> memref<128x128xf32, #tpu.memory_space<vmem>>
          %dma_wait3A_83 = arith.constant 0 : i32
          %dma_wait3A_84 = tpu.memref_slice %arg10[%run_scoped3A_66, %dma_wait3A_83] : memref<2x128xi32, #tpu.memory_space<vmem>> -> memref<1x128xi32, #tpu.memory_space<vmem>>
          %dma_wait3A_85 = tpu.memref_squeeze %dma_wait3A_84 : memref<1x128xi32, #tpu.memory_space<vmem>> -> memref<128xi32, #tpu.memory_space<vmem>>
          %dma_wait3A_86 = arith.constant 0 : i32
          %dma_wait3A_87 = arith.constant 0 : i32
          %dma_wait3A_88 = tpu.memref_slice %arg13[%dma_wait3A_86, %dma_wait3A_87] : memref<10112x128xf32, #tpu.memory_space<vmem_shared>> -> memref<10112x128xf32, #tpu.memory_space<vmem_shared>>
          tpu.wait_indirect_dma semaphore(%run_scoped3A_68 : memref<!tpu.dma_semaphore, #tpu.memory_space<semaphore_mem>>) src(%dma_wait3A_82 : memref<128x128xf32, #tpu.memory_space<vmem>>) dst(%dma_wait3A_88 : memref<10112x128xf32, #tpu.memory_space<vmem_shared>>)
          tpu.yield
        }) : () -> ()
        %scan3A_67 = arith.constant 0 : i32
        scf.yield %scan3A_67 : i32
      }
      %scan3A_24 = arith.constant 160 : i32
      %barrier3A_25 = arith.constant 0 : index
      tpu.barrier barrier_id(%barrier3A_25)
      %mul3A_26 = arith.constant 624 : i32
      %mul3A_27 = arith.muli %arg1, %mul3A_26 : i32
      %multiple_of3A_28 = tpu.assume_multiple %mul3A_27, 8 : i32
      "tpu.region"() ({
        %run_scoped3A = tpu.sem_alloc : memref<!tpu.dma_semaphore, #tpu.memory_space<semaphore_mem>>
        %dma_start3A = arith.constant 0 : i32
        %dma_start3A_34 = tpu.memref_slice %arg8[%multiple_of3A_28, %dma_start3A] : memref<10000x128xf32, #tpu.memory_space<hbm>> -> memref<624x128xf32, #tpu.memory_space<hbm>>
        %dma_start3A_35 = arith.constant 0 : i32
        %dma_start3A_36 = tpu.memref_slice %arg13[%multiple_of3A_28, %dma_start3A_35] : memref<10112x128xf32, #tpu.memory_space<vmem_shared>> -> memref<624x128xf32, #tpu.memory_space<vmem_shared>>
        tpu.enqueue_dma source(%dma_start3A_36 : memref<624x128xf32, #tpu.memory_space<vmem_shared>>) target(%dma_start3A_34 : memref<624x128xf32, #tpu.memory_space<hbm>>) target_semaphore(%run_scoped3A : memref<!tpu.dma_semaphore, #tpu.memory_space<semaphore_mem>>)
        %dma_wait3A = arith.constant 0 : i32
        %dma_wait3A_37 = tpu.memref_slice %arg8[%multiple_of3A_28, %dma_wait3A] : memref<10000x128xf32, #tpu.memory_space<hbm>> -> memref<624x128xf32, #tpu.memory_space<hbm>>
        %dma_wait3A_38 = arith.constant 0 : i32
        %dma_wait3A_39 = tpu.memref_slice %arg13[%multiple_of3A_28, %dma_wait3A_38] : memref<10112x128xf32, #tpu.memory_space<vmem_shared>> -> memref<624x128xf32, #tpu.memory_space<vmem_shared>>
        tpu.wait_dma2 semaphore(%run_scoped3A : memref<!tpu.dma_semaphore, #tpu.memory_space<semaphore_mem>>) src(%dma_wait3A_39 : memref<624x128xf32, #tpu.memory_space<vmem_shared>>) dst(%dma_wait3A_37 : memref<624x128xf32, #tpu.memory_space<hbm>>)
        tpu.yield
      }) : () -> ()
      %eq3A_29 = arith.constant 15 : i32
      %eq3A_30 = arith.cmpi eq, %arg1, %eq3A_29 : i32
      %convert_element_type3A_31 = arith.extui %eq3A_30 : i1 to i32
      %cond3A_32 = arith.constant 0 : i32
      %cond3A_33 = arith.cmpi ne, %convert_element_type3A_31, %cond3A_32 : i32
      scf.if %cond3A_33 {
        "tpu.region"() ({
          %run_scoped3A = tpu.sem_alloc : memref<!tpu.dma_semaphore, #tpu.memory_space<semaphore_mem>>
          %dma_start3A = arith.constant 9984 : i32
          %dma_start3A_34 = arith.constant 0 : i32
          %dma_start3A_35 = tpu.memref_slice %arg8[%dma_start3A, %dma_start3A_34] : memref<10000x128xf32, #tpu.memory_space<hbm>> -> memref<16x128xf32, #tpu.memory_space<hbm>>
          %dma_start3A_36 = arith.constant 9984 : i32
          %dma_start3A_37 = arith.constant 0 : i32
          %dma_start3A_38 = tpu.memref_slice %arg13[%dma_start3A_36, %dma_start3A_37] : memref<10112x128xf32, #tpu.memory_space<vmem_shared>> -> memref<16x128xf32, #tpu.memory_space<vmem_shared>>
          tpu.enqueue_dma source(%dma_start3A_38 : memref<16x128xf32, #tpu.memory_space<vmem_shared>>) target(%dma_start3A_35 : memref<16x128xf32, #tpu.memory_space<hbm>>) target_semaphore(%run_scoped3A : memref<!tpu.dma_semaphore, #tpu.memory_space<semaphore_mem>>)
          %dma_wait3A = arith.constant 9984 : i32
          %dma_wait3A_39 = arith.constant 0 : i32
          %dma_wait3A_40 = tpu.memref_slice %arg8[%dma_wait3A, %dma_wait3A_39] : memref<10000x128xf32, #tpu.memory_space<hbm>> -> memref<16x128xf32, #tpu.memory_space<hbm>>
          %dma_wait3A_41 = arith.constant 9984 : i32
          %dma_wait3A_42 = arith.constant 0 : i32
          %dma_wait3A_43 = tpu.memref_slice %arg13[%dma_wait3A_41, %dma_wait3A_42] : memref<10112x128xf32, #tpu.memory_space<vmem_shared>> -> memref<16x128xf32, #tpu.memory_space<vmem_shared>>
          tpu.wait_dma2 semaphore(%run_scoped3A : memref<!tpu.dma_semaphore, #tpu.memory_space<semaphore_mem>>) src(%dma_wait3A_43 : memref<16x128xf32, #tpu.memory_space<vmem_shared>>) dst(%dma_wait3A_40 : memref<16x128xf32, #tpu.memory_space<hbm>>)
          tpu.yield
        }) : () -> ()
      } else {
      }
    } else {
    }
    return
  }
}

module attributes {stable_mosaic.version = 14 : i64} {
  func.func @_mm1_body(%arg0: i32, %arg1: memref<1000x128xf32, #tpu.memory_space<vmem>>, %arg2: memref<1000x1xf32, #tpu.memory_space<vmem>>, %arg3: memref<128x256xf32, #tpu.memory_space<vmem>>, %arg4: memref<1000x128xf32, #tpu.memory_space<vmem>>, %arg5: memref<1000x128xf32, #tpu.memory_space<vmem>>) attributes {dimension_semantics = [#tpu.dimension_semantics<arbitrary>], iteration_bounds = array<i64: 10>, scalar_prefetch = 0 : i64, scratch_operands = 0 : i64, tpu.core_type = #tpu.core_type<tc>, window_params = [{transform_indices = @transform_0, window_bounds = array<i64: 1000, 128>}, {transform_indices = @transform_1, window_bounds = array<i64: 1000, 1>}, {pipeline_mode = #tpu.pipeline_mode<synchronous>, transform_indices = @transform_2, window_bounds = array<i64: 128, 256>}, {transform_indices = @transform_3, window_bounds = array<i64: 1000, 128>}, {transform_indices = @transform_4, window_bounds = array<i64: 1000, 128>}]} {
    %get3A = arith.constant 0 : index
    %get3A_0 = arith.constant 0 : index
    %get3A_1 = vector.load %arg1[%get3A, %get3A_0] : memref<1000x128xf32, #tpu.memory_space<vmem>>, vector<1000x128xf32>
    %get3A_2 = arith.constant 0 : index
    %get3A_3 = arith.constant 0 : index
    %get3A_4 = vector.load %arg2[%get3A_2, %get3A_3] : memref<1000x1xf32, #tpu.memory_space<vmem>>, vector<1000x1xf32>
    %mul3A = vector.broadcast %get3A_4 : vector<1000x1xf32> to vector<1000x128xf32>
    %mul3A_5 = arith.mulf %get3A_1, %mul3A : vector<1000x128xf32>
    %get3A_6 = arith.constant 0 : index
    %get3A_7 = arith.constant 0 : index
    %get3A_8 = vector.load %arg3[%get3A_6, %get3A_7] : memref<128x256xf32, #tpu.memory_space<vmem>>, vector<128x256xf32>
    %dot_general3A = arith.constant dense<0.000000e+00> : vector<1000x256xf32>
    %dot_general3A_9 = tpu.matmul %mul3A_5, %get3A_8, %dot_general3A {dimension_numbers = #tpu.dot_dimension_numbers<[1], [0], [0], [1], [0, 0, 1, 1], [], []>, transpose_lhs_hint = false} : vector<1000x128xf32>, vector<128x256xf32>, vector<1000x256xf32> -> vector<1000x256xf32>
    %slice3A = vector.extract_strided_slice %dot_general3A_9 {offsets = [0, 0], sizes = [1000, 128], strides = [1, 1]} : vector<1000x256xf32> to vector<1000x128xf32>
    %swap3A = arith.constant 0 : index
    %swap3A_10 = arith.constant 0 : index
    %swap3A_11 = vector.load %arg4[%swap3A, %swap3A_10] : memref<1000x128xf32, #tpu.memory_space<vmem>>, vector<1000x128xf32>
    tpu.vector_store %arg4[%swap3A, %swap3A_10], %slice3A {strides = array<i32>} : memref<1000x128xf32, #tpu.memory_space<vmem>>, vector<1000x128xf32>,
    %slice3A_12 = vector.extract_strided_slice %dot_general3A_9 {offsets = [0, 128], sizes = [1000, 128], strides = [1, 1]} : vector<1000x256xf32> to vector<1000x128xf32>
    %swap3A_13 = arith.constant 0 : index
    %swap3A_14 = arith.constant 0 : index
    %swap3A_15 = vector.load %arg5[%swap3A_13, %swap3A_14] : memref<1000x128xf32, #tpu.memory_space<vmem>>, vector<1000x128xf32>
    tpu.vector_store %arg5[%swap3A_13, %swap3A_14], %slice3A_12 {strides = array<i32>} : memref<1000x128xf32, #tpu.memory_space<vmem>>, vector<1000x128xf32>,
    return
  }
  func.func @transform_0(%arg0: i32) -> (i32, i32) {
    %c0_i32 = arith.constant 0 : i32
    %c0_i32_0 = arith.constant 0 : i32
    return %arg0, %c0_i32 : i32, i32
  }
  func.func @transform_1(%arg0: i32) -> (i32, i32) {
    %c0_i32 = arith.constant 0 : i32
    %c0_i32_0 = arith.constant 0 : i32
    return %arg0, %c0_i32 : i32, i32
  }
  func.func @transform_2(%arg0: i32) -> (i32, i32) {
    %c0_i32 = arith.constant 0 : i32
    %c0_i32_0 = arith.constant 0 : i32
    %c0_i32_1 = arith.constant 0 : i32
    return %c0_i32, %c0_i32_0 : i32, i32
  }
  func.func @transform_3(%arg0: i32) -> (i32, i32) {
    %c0_i32 = arith.constant 0 : i32
    %c0_i32_0 = arith.constant 0 : i32
    return %arg0, %c0_i32 : i32, i32
  }
  func.func @transform_4(%arg0: i32) -> (i32, i32) {
    %c0_i32 = arith.constant 0 : i32
    %c0_i32_0 = arith.constant 0 : i32
    return %arg0, %c0_i32 : i32, i32
  }
}

module attributes {stable_mosaic.version = 14 : i64} {
  func.func @_mm2_body(%arg0: i32, %arg1: memref<1000x128xf32, #tpu.memory_space<vmem>>, %arg2: memref<1000x128xf32, #tpu.memory_space<vmem>>, %arg3: memref<1000x128xf32, #tpu.memory_space<vmem>>, %arg4: memref<1000x128xf32, #tpu.memory_space<vmem>>, %arg5: memref<1000x1xf32, #tpu.memory_space<vmem>>, %arg6: memref<1x256xf32, #tpu.memory_space<vmem>>, %arg7: memref<256x128xf32, #tpu.memory_space<vmem>>, %arg8: memref<1000x128xf32, #tpu.memory_space<vmem>>) attributes {dimension_semantics = [#tpu.dimension_semantics<arbitrary>], iteration_bounds = array<i64: 10>, scalar_prefetch = 0 : i64, scratch_operands = 0 : i64, tpu.core_type = #tpu.core_type<tc>, window_params = [{transform_indices = @transform_0, window_bounds = array<i64: 1000, 128>}, {transform_indices = @transform_1, window_bounds = array<i64: 1000, 128>}, {transform_indices = @transform_2, window_bounds = array<i64: 1000, 128>}, {transform_indices = @transform_3, window_bounds = array<i64: 1000, 128>}, {transform_indices = @transform_4, window_bounds = array<i64: 1000, 1>}, {pipeline_mode = #tpu.pipeline_mode<synchronous>, transform_indices = @transform_5, window_bounds = array<i64: 1, 256>}, {pipeline_mode = #tpu.pipeline_mode<synchronous>, transform_indices = @transform_6, window_bounds = array<i64: 256, 128>}, {transform_indices = @transform_7, window_bounds = array<i64: 1000, 128>}]} {
    %get3A = arith.constant 0 : index
    %get3A_0 = arith.constant 0 : index
    %get3A_1 = vector.load %arg5[%get3A, %get3A_0] : memref<1000x1xf32, #tpu.memory_space<vmem>>, vector<1000x1xf32>
    %get3A_2 = arith.constant 0 : index
    %get3A_3 = arith.constant 0 : index
    %get3A_4 = vector.load %arg6[%get3A_2, %get3A_3] : memref<1x256xf32, #tpu.memory_space<vmem>>, vector<1x256xf32>
    %get3A_5 = arith.constant 0 : index
    %get3A_6 = arith.constant 0 : index
    %get3A_7 = vector.load %arg1[%get3A_5, %get3A_6] : memref<1000x128xf32, #tpu.memory_space<vmem>>, vector<1000x128xf32>
    %get3A_8 = arith.constant 0 : index
    %get3A_9 = arith.constant 0 : index
    %get3A_10 = vector.load %arg3[%get3A_8, %get3A_9] : memref<1000x128xf32, #tpu.memory_space<vmem>>, vector<1000x128xf32>
    %add3A = arith.addf %get3A_7, %get3A_10 : vector<1000x128xf32>
    %mul3A = vector.broadcast %get3A_1 : vector<1000x1xf32> to vector<1000x128xf32>
    %mul3A_11 = arith.mulf %mul3A, %add3A : vector<1000x128xf32>
    %slice3A = vector.extract_strided_slice %get3A_4 {offsets = [0, 0], sizes = [1, 128], strides = [1, 1]} : vector<1x256xf32> to vector<1x128xf32>
    %add3A_12 = vector.broadcast %slice3A : vector<1x128xf32> to vector<1000x128xf32>
    %add3A_13 = arith.addf %mul3A_11, %add3A_12 : vector<1000x128xf32>
    %max3A = arith.constant 0.000000e+00 : f32
    %max3A_14 = vector.broadcast %max3A : f32 to vector<1000x128xf32>
    %max3A_15 = arith.maximumf %add3A_13, %max3A_14 : vector<1000x128xf32>
    %mul3A_16 = vector.broadcast %get3A_1 : vector<1000x1xf32> to vector<1000x128xf32>
    %mul3A_17 = arith.mulf %mul3A_16, %max3A_15 : vector<1000x128xf32>
    %get3A_18 = arith.constant 0 : index
    %get3A_19 = arith.constant 0 : index
    %get3A_20 = vector.load %arg2[%get3A_18, %get3A_19] : memref<1000x128xf32, #tpu.memory_space<vmem>>, vector<1000x128xf32>
    %get3A_21 = arith.constant 0 : index
    %get3A_22 = arith.constant 0 : index
    %get3A_23 = vector.load %arg4[%get3A_21, %get3A_22] : memref<1000x128xf32, #tpu.memory_space<vmem>>, vector<1000x128xf32>
    %add3A_24 = arith.addf %get3A_20, %get3A_23 : vector<1000x128xf32>
    %mul3A_25 = vector.broadcast %get3A_1 : vector<1000x1xf32> to vector<1000x128xf32>
    %mul3A_26 = arith.mulf %mul3A_25, %add3A_24 : vector<1000x128xf32>
    %slice3A_27 = vector.extract_strided_slice %get3A_4 {offsets = [0, 128], sizes = [1, 128], strides = [1, 1]} : vector<1x256xf32> to vector<1x128xf32>
    %add3A_28 = vector.broadcast %slice3A_27 : vector<1x128xf32> to vector<1000x128xf32>
    %add3A_29 = arith.addf %mul3A_26, %add3A_28 : vector<1000x128xf32>
    %max3A_30 = arith.constant 0.000000e+00 : f32
    %max3A_31 = vector.broadcast %max3A_30 : f32 to vector<1000x128xf32>
    %max3A_32 = arith.maximumf %add3A_29, %max3A_31 : vector<1000x128xf32>
    %mul3A_33 = vector.broadcast %get3A_1 : vector<1000x1xf32> to vector<1000x128xf32>
    %mul3A_34 = arith.mulf %mul3A_33, %max3A_32 : vector<1000x128xf32>
    %get3A_35 = arith.constant 0 : index
    %get3A_36 = arith.constant 0 : index
    %get3A_37 = vector.load %arg7[%get3A_35, %get3A_36] : memref<256x128xf32, #tpu.memory_space<vmem>>, vector<256x128xf32>
    %slice3A_38 = vector.extract_strided_slice %get3A_37 {offsets = [0, 0], sizes = [128, 128], strides = [1, 1]} : vector<256x128xf32> to vector<128x128xf32>
    %dot_general3A = arith.constant dense<0.000000e+00> : vector<1000x128xf32>
    %dot_general3A_39 = tpu.matmul %mul3A_17, %slice3A_38, %dot_general3A {dimension_numbers = #tpu.dot_dimension_numbers<[1], [0], [0], [1], [0, 0, 1, 1], [], []>, transpose_lhs_hint = false} : vector<1000x128xf32>, vector<128x128xf32>, vector<1000x128xf32> -> vector<1000x128xf32>
    %slice3A_40 = vector.extract_strided_slice %get3A_37 {offsets = [128, 0], sizes = [128, 128], strides = [1, 1]} : vector<256x128xf32> to vector<128x128xf32>
    %dot_general3A_41 = arith.constant dense<0.000000e+00> : vector<1000x128xf32>
    %dot_general3A_42 = tpu.matmul %mul3A_34, %slice3A_40, %dot_general3A_41 {dimension_numbers = #tpu.dot_dimension_numbers<[1], [0], [0], [1], [0, 0, 1, 1], [], []>, transpose_lhs_hint = false} : vector<1000x128xf32>, vector<128x128xf32>, vector<1000x128xf32> -> vector<1000x128xf32>
    %add3A_43 = arith.addf %dot_general3A_39, %dot_general3A_42 : vector<1000x128xf32>
    %swap3A = arith.constant 0 : index
    %swap3A_44 = arith.constant 0 : index
    %swap3A_45 = vector.load %arg8[%swap3A, %swap3A_44] : memref<1000x128xf32, #tpu.memory_space<vmem>>, vector<1000x128xf32>
    tpu.vector_store %arg8[%swap3A, %swap3A_44], %add3A_43 {strides = array<i32>} : memref<1000x128xf32, #tpu.memory_space<vmem>>, vector<1000x128xf32>,
    return
  }
  func.func @transform_0(%arg0: i32) -> (i32, i32) {
    %c0_i32 = arith.constant 0 : i32
    %c0_i32_0 = arith.constant 0 : i32
    return %arg0, %c0_i32 : i32, i32
  }
  func.func @transform_1(%arg0: i32) -> (i32, i32) {
    %c0_i32 = arith.constant 0 : i32
    %c0_i32_0 = arith.constant 0 : i32
    return %arg0, %c0_i32 : i32, i32
  }
  func.func @transform_2(%arg0: i32) -> (i32, i32) {
    %c0_i32 = arith.constant 0 : i32
    %c0_i32_0 = arith.constant 0 : i32
    return %arg0, %c0_i32 : i32, i32
  }
  func.func @transform_3(%arg0: i32) -> (i32, i32) {
    %c0_i32 = arith.constant 0 : i32
    %c0_i32_0 = arith.constant 0 : i32
    return %arg0, %c0_i32 : i32, i32
  }
  func.func @transform_4(%arg0: i32) -> (i32, i32) {
    %c0_i32 = arith.constant 0 : i32
    %c0_i32_0 = arith.constant 0 : i32
    return %arg0, %c0_i32 : i32, i32
  }
  func.func @transform_5(%arg0: i32) -> (i32, i32) {
    %c0_i32 = arith.constant 0 : i32
    %c0_i32_0 = arith.constant 0 : i32
    %c0_i32_1 = arith.constant 0 : i32
    return %c0_i32, %c0_i32_0 : i32, i32
  }
  func.func @transform_6(%arg0: i32) -> (i32, i32) {
    %c0_i32 = arith.constant 0 : i32
    %c0_i32_0 = arith.constant 0 : i32
    %c0_i32_1 = arith.constant 0 : i32
    return %c0_i32, %c0_i32_0 : i32, i32
  }
  func.func @transform_7(%arg0: i32) -> (i32, i32) {
    %c0_i32 = arith.constant 0 : i32
    %c0_i32_0 = arith.constant 0 : i32
    return %arg0, %c0_i32 : i32, i32
  }
}

module attributes {stable_mosaic.version = 14 : i64} {
  func.func @_ew_body(%arg0: i32, %arg1: memref<1000x128xf32, #tpu.memory_space<vmem>>, %arg2: memref<1000x128xf32, #tpu.memory_space<vmem>>, %arg3: memref<1000x128xf32, #tpu.memory_space<vmem>>, %arg4: memref<1000x1xf32, #tpu.memory_space<vmem>>, %arg5: memref<1x128xf32, #tpu.memory_space<vmem>>, %arg6: memref<1000x128xf32, #tpu.memory_space<vmem>>) attributes {dimension_semantics = [#tpu.dimension_semantics<arbitrary>], iteration_bounds = array<i64: 10>, scalar_prefetch = 0 : i64, scratch_operands = 0 : i64, tpu.core_type = #tpu.core_type<tc>, window_params = [{transform_indices = @transform_0, window_bounds = array<i64: 1000, 128>}, {transform_indices = @transform_1, window_bounds = array<i64: 1000, 128>}, {transform_indices = @transform_2, window_bounds = array<i64: 1000, 128>}, {transform_indices = @transform_3, window_bounds = array<i64: 1000, 1>}, {pipeline_mode = #tpu.pipeline_mode<synchronous>, transform_indices = @transform_4, window_bounds = array<i64: 1, 128>}, {transform_indices = @transform_5, window_bounds = array<i64: 1000, 128>}]} {
    %get3A = arith.constant 0 : index
    %get3A_0 = arith.constant 0 : index
    %get3A_1 = vector.load %arg4[%get3A, %get3A_0] : memref<1000x1xf32, #tpu.memory_space<vmem>>, vector<1000x1xf32>
    %get3A_2 = arith.constant 0 : index
    %get3A_3 = arith.constant 0 : index
    %get3A_4 = vector.load %arg1[%get3A_2, %get3A_3] : memref<1000x128xf32, #tpu.memory_space<vmem>>, vector<1000x128xf32>
    %get3A_5 = arith.constant 0 : index
    %get3A_6 = arith.constant 0 : index
    %get3A_7 = vector.load %arg2[%get3A_5, %get3A_6] : memref<1000x128xf32, #tpu.memory_space<vmem>>, vector<1000x128xf32>
    %add3A = arith.addf %get3A_4, %get3A_7 : vector<1000x128xf32>
    %get3A_8 = arith.constant 0 : index
    %get3A_9 = arith.constant 0 : index
    %get3A_10 = vector.load %arg3[%get3A_8, %get3A_9] : memref<1000x128xf32, #tpu.memory_space<vmem>>, vector<1000x128xf32>
    %add3A_11 = arith.addf %add3A, %get3A_10 : vector<1000x128xf32>
    %mul3A = vector.broadcast %get3A_1 : vector<1000x1xf32> to vector<1000x128xf32>
    %mul3A_12 = arith.mulf %mul3A, %add3A_11 : vector<1000x128xf32>
    %get3A_13 = arith.constant 0 : index
    %get3A_14 = arith.constant 0 : index
    %get3A_15 = vector.load %arg5[%get3A_13, %get3A_14] : memref<1x128xf32, #tpu.memory_space<vmem>>, vector<1x128xf32>
    %add3A_16 = vector.broadcast %get3A_15 : vector<1x128xf32> to vector<1000x128xf32>
    %add3A_17 = arith.addf %mul3A_12, %add3A_16 : vector<1000x128xf32>
    %swap3A = arith.constant 0 : index
    %swap3A_18 = arith.constant 0 : index
    %swap3A_19 = vector.load %arg6[%swap3A, %swap3A_18] : memref<1000x128xf32, #tpu.memory_space<vmem>>, vector<1000x128xf32>
    tpu.vector_store %arg6[%swap3A, %swap3A_18], %add3A_17 {strides = array<i32>} : memref<1000x128xf32, #tpu.memory_space<vmem>>, vector<1000x128xf32>,
    return
  }
  func.func @transform_0(%arg0: i32) -> (i32, i32) {
    %c0_i32 = arith.constant 0 : i32
    %c0_i32_0 = arith.constant 0 : i32
    return %arg0, %c0_i32 : i32, i32
  }
  func.func @transform_1(%arg0: i32) -> (i32, i32) {
    %c0_i32 = arith.constant 0 : i32
    %c0_i32_0 = arith.constant 0 : i32
    return %arg0, %c0_i32 : i32, i32
  }
  func.func @transform_2(%arg0: i32) -> (i32, i32) {
    %c0_i32 = arith.constant 0 : i32
    %c0_i32_0 = arith.constant 0 : i32
    return %arg0, %c0_i32 : i32, i32
  }
  func.func @transform_3(%arg0: i32) -> (i32, i32) {
    %c0_i32 = arith.constant 0 : i32
    %c0_i32_0 = arith.constant 0 : i32
    return %arg0, %c0_i32 : i32, i32
  }
  func.func @transform_4(%arg0: i32) -> (i32, i32) {
    %c0_i32 = arith.constant 0 : i32
    %c0_i32_0 = arith.constant 0 : i32
    %c0_i32_1 = arith.constant 0 : i32
    return %c0_i32, %c0_i32_0 : i32, i32
  }
  func.func @transform_5(%arg0: i32) -> (i32, i32) {
    %c0_i32 = arith.constant 0 : i32
    %c0_i32_0 = arith.constant 0 : i32
    return %arg0, %c0_i32 : i32, i32
  }
}

</mosaic_0001>

<sc_bundles>
// kernel: kernel.11.cloned.1.call-start
scs
__scs_entry_jumppad:
0x0: {  	(pc) =	sbr.rel $0x88, $3  }
0x1: {  	(tag) =	ssettag $0x0;
	lr =	simm.s32 $0x1  }
0x2: {  	[smem:$0x3F9B] =	sst lr;
	_ =	strace $0xD0000000  }
0x3: {  	_ = 	snop  }
0x4: {  	_ = 	snop  }
0x5: {  	_ = 	snop  }
0x6: {  	_ = 	snop  }
0x7: {  	_ = 	snop  }
__scs_overlays_trampoline_lowered:
0x8: {  	[smem:$0x3FAA] =	sst s0  }
0x9: {  	[smem:$0x3FAB] =	sst s1  }
0xa: {  	[smem:$0x3FAC] =	sst s2  }
0xb: {  	[smem:$0x3FAD] =	sst s3  }
0xc: {  	[smem:$0x3FAE] =	sst s4  }
0xd: {  	[smem:$0x3FAF] =	sst s5  }
0xe: {  	[smem:$0x3FB0] =	sst s6  }
0xf: {  	[smem:$0x3FB1] =	sst s7  }
0x10: {  	[smem:$0x3FB2] =	sst s8  }
0x11: {  	[smem:$0x3FB3] =	sst s9;
	s0 =	simm.s32 @!p0 $0x0  }
0x12: {  	s1 =	sld [smem:$0x3F99];
	s0 =	simm.s32 @p0 $0x1  }
0x13: {  	[smem:$0x3FB4] =	sst s0;
	s0 =	simm.s32 @!p1 $0x0  }
0x14: {  	s2 =	sld [smem:$0x3F98];
	s0 =	simm.s32 @p1 $0x1  }
0x15: {  	[smem:$0x3FB5] =	sst s0;
	s0 =	simm.s32 @!p2 $0x0  }
0x16: {  	s3 =	sld [smem:$0x3FDB];
	s0 =	simm.s32 @p2 $0x1  }
0x17: {  	s4 =	simm.s32 $0x1BF5;
	[smem:$0x3FB7] =	sst s0  }
0x18: {  	s0 =	sld [smem:$0x3F9A];
	_ =	swait.ge [sflag:s4], $0x0  }
0x19: {  	s7 =	sld [smem:$0x3F9B]  }
0x1a: {  	s8 =	sadd.s32 $0xFFFFE003, lr  }
0x1b: {  	s9 =	sadd.s32 $0xFFFFFEF7, lr;
	s5 =	simm.s32 $0xFFFFFFFF;
	p2 =	slt.u32 s8, $0xFFFFF086  }
0x1c: {  	p1 =	slt.u32 s9, $0xF7A;
	s5 =	simm.s32 @!p2 $0x0  }
0x1d: {  	s5 =	simm.s32 @p1 $0x1;
	p0 =	seq.s32 s7, s2  }
0x1e: {  	s7 =	smul.u32 @!p0 $0xF7A, s2;
	p2 =	seq.s32 @!p0 s5, $0x0  }
0x1f: {  	s9 =	smul.u32 $0xF7A, s1;
	s8 =	simm.s32 @!p0 $0x1BF5;
	p2 =	por !p2, p0  }
0x20: {  	[sflag:s8] =	ssyncset.s32 @!p0 $0xFFFFF086;
	s6 =	sadd.s32 @!p0 s3, s7;
	s7 =	simm.s32 @!p0 $0x108  }
0x21: {  	s3 =	sadd.s32 s3, s9;
	s6 =	sadd.s32 @!p0 $0x88, s6;
	s7 =	simm.s32 @p2 $0x1082  }
0x22: {  	[simem:s7], [sflag:s8] =	dma.local @!p0 [hbm:s6], $0xF7A  }
0x23: {  	s9 =	sor.u32 $0xD0000000, s2;
	s6 =	simm.s32 $0x108;
	_ =	swait.ge @!p0 [sflag:s8], $0x0  }
0x24: {  	s3 =	sadd.s32 $0x88, s3;
	s6 =	simm.s32 @!p1 $0x1082;
	[sflag:s4] =	ssyncset.s32 $0xFFFFF086  }
0x25: {  	[simem:s6], [sflag:s4] =	dma.local [hbm:s3], $0xF7A  }
0x26: {  	[smem:$0x3F9B] =	sst s1;
	(tag) =	ssettag s2;
	_ =	strace s9  }
0x27: {  	s1 =	sld [smem:$0x3FAB]  }
0x28: {  	s2 =	sld [smem:$0x3FAC]  }
0x29: {  	s4 =	sld [smem:$0x3FAE]  }
0x2a: {  	p0 =	seq.s32 s5, $0x0;
	s5 =	sld [smem:$0x3FAF]  }
0x2b: {  	s6 =	sld [smem:$0x3FB0]  }
0x2c: {  	s7 =	sld [smem:$0x3FB1]  }
0x2d: {  	s3 =	simm.s32 $0x108;
	s8 =	sld [smem:$0x3FB2]  }
0x2e: {  	s3 =	simm.s32 @!p0 $0x1082;
	s9 =	sld [smem:$0x3FB3]  }
0x2f: {  	lr =	sadd.s32 s0, s3;
	s0 =	sld [smem:$0x3FAA]  }
0x30: {  	s3 =	sld [smem:$0x3FAD]  }
0x31: {  	[smem:$0x3FB6] =	sst s10  }
0x32: {  	s10 =	sld [smem:$0x3FB4];
	_ =	sdelay $0x3  }
0x33: {  	p0 =	seq.s32 s10, $0x1;
	s10 =	sld [smem:$0x3FB6];
	_ =	sdelay $0x3  }
0x34: {  	[smem:$0x3FB6] =	sst s10  }
0x35: {  	s10 =	sld [smem:$0x3FB5];
	_ =	sdelay $0x3  }
0x36: {  	p1 =	seq.s32 s10, $0x1;
	s10 =	sld [smem:$0x3FB6];
	_ =	sdelay $0x3  }
0x37: {  	[smem:$0x3FB6] =	sst s10  }
0x38: {  	s10 =	sld [smem:$0x3FB7]  }
0x39: {  	_ = 	snop;
	(pc) =	sbr.ind lr, $3  }
0x3a: {  	_ = 	snop  }
0x3b: {  	_ = 	snop  }
0x3c: {  	p2 =	seq.s32 s10, $0x1;
	s10 =	sld [smem:$0x3FB6]  }
0x3d: {  	_ =	shalt  }
0x3e: {  	_ =	shalt  }
0x3f: {  	_ =	shalt  }
0x40: {  	_ =	shalt  }
0x41: {  	_ =	shalt  }
0x42: {  	_ =	shalt  }
0x43: {  	_ =	shalt  }
0x44: {  	_ =	shalt  }
0x45: {  	_ =	shalt  }
0x46: {  	_ =	shalt  }
0x47: {  	_ =	shalt  }
0x48: {  	_ =	shalt  }
0x49: {  	_ =	shalt  }
0x4a: {  	_ =	shalt  }
0x4b: {  	_ =	shalt  }
0x4c: {  	_ =	shalt  }
0x4d: {  	_ =	shalt  }
0x4e: {  	_ =	shalt  }
0x4f: {  	_ =	shalt  }
0x50: {  	_ =	shalt  }
0x51: {  	_ =	shalt  }
0x52: {  	_ =	shalt  }
0x53: {  	_ =	shalt  }
0x54: {  	_ =	shalt  }
0x55: {  	_ =	shalt  }
0x56: {  	_ =	shalt  }
0x57: {  	_ =	shalt  }
0x58: {  	_ =	shalt  }
0x59: {  	_ =	shalt  }
0x5a: {  	_ =	shalt  }
0x5b: {  	_ =	shalt  }
0x5c: {  	_ =	shalt  }
0x5d: {  	_ =	shalt  }
0x5e: {  	_ =	shalt  }
0x5f: {  	_ =	shalt  }
0x60: {  	_ =	shalt  }
0x61: {  	_ =	shalt  }
0x62: {  	_ =	shalt  }
0x63: {  	_ =	shalt  }
0x64: {  	_ =	shalt  }
0x65: {  	_ =	shalt  }
0x66: {  	_ =	shalt  }
0x67: {  	_ =	shalt  }
0x68: {  	_ =	shalt  }
0x69: {  	_ =	shalt  }
0x6a: {  	_ =	shalt  }
0x6b: {  	_ =	shalt  }
0x6c: {  	_ =	shalt  }
0x6d: {  	_ =	shalt  }
0x6e: {  	_ =	shalt  }
0x6f: {  	_ =	shalt  }
0x70: {  	_ =	shalt  }
0x71: {  	_ =	shalt  }
0x72: {  	_ =	shalt  }
0x73: {  	_ =	shalt  }
0x74: {  	_ =	shalt  }
0x75: {  	_ =	shalt  }
0x76: {  	_ =	shalt  }
0x77: {  	_ =	shalt  }
0x78: {  	_ =	shalt  }
0x79: {  	_ =	shalt  }
0x7a: {  	_ =	shalt  }
0x7b: {  	_ =	shalt  }
0x7c: {  	_ =	shalt  }
0x7d: {  	_ =	shalt  }
0x7e: {  	_ =	shalt  }
0x7f: {  	_ =	shalt  }
0x80: {  	_ =	shalt  }
0x81: {  	_ =	shalt  }
0x82: {  	_ =	shalt  }
0x83: {  	_ =	shalt  }
0x84: {  	_ =	shalt  }
0x85: {  	_ =	shalt  }
0x86: {  	_ =	shalt  }
0x87: {  	_ =	shalt  }
.Lfunc_end0:
.L_simem_size_0:
called_computation.1_lowered:
.L_overlay_start_0:
0x88: {  	s2 =	sld [smem:$0x3FD9]  }
0x89: {  	s3 =	sld [smem:$0x3FFE];
	_ =	sdelay $0x1  }
0x8a: {  	s1 =	srdreg.scid  }
0x8b: {  	s0 =	sand.u32 $0x1, s1  }
0x8c: {  	s17 =	sshll.u32 s0, $0xA;
	s2 =	sadd.s32 s3, s2  }
0x8d: {  	s2 =	sadd.s32 s2, s17  }
0x8e: {  	[smem:$0x3FC2] =	sst s2  }
0x8f: {  	_ = 	snop  }
0x90: {  	s2 =	sld [smem:$0x3FD0];
	(tm) =	ssettm $0x1  }
0x91: {  	s18 =	sld [smem:$0x3FFB];
	_ =	sdelay $0x3  }
0x92: {  	_ =	strace s18  }
0x93: {  	s3 =	sld [smem:$0x3FFC];
	_ =	sdelay $0x3  }
0x94: {  	_ =	strace s3  }
0x95: {  	s3 =	sld [smem:$0x3FFD];
	_ =	sdelay $0x3  }
0x96: {  	_ =	strace s3  }
0x97: {  	_ =	strace $0x8FFFFFFF  }
0x98: {  	s19 =	sld [smem:$0x3FDB];
	_ =	sdelay $0x1  }
0x99: {  	s4 =	simm.s32 $_scs_section_size  }
0x9a: {  	s5 =	simm.s32 $_size__tile_overlayer_lowered;
	s6 =	simm.s32 $_tile_overlayer_lowered  }
0x9b: {  	s22 =	simm.s32 $0x1BFF;
	s21 =	sshll.u32 s6, $0x1;
	s3 =	sadd.s32 s4, s19  }
0x9c: {  	s7 =	simm.s32 $0x0;
	s20 =	sshll.u32 s5, $0x1;
	s5 =	sadd.s32 s21, s3  }
0x9d: {  	[timem:s7], [sflag:s22] =	dma.local [hbm:s5], s20  }
0x9e: {  	_ =	swait.ge [sflag:s22], s20  }
0x9f: {  	s4 =	ssub.s32 $0x0, s20;
	[sflag:s22] =	ssyncset.done $0x0  }
0xa0: {  	[sflag:s22] =	ssyncadd.s32 s4;
	_ =	sdelay $0x1  }
0xa1: {  	s23 =	simm.s32 $0x1B8B  }
0xa2: {  	_ =	swait.ge [sflag:s23], $0x1  }
0xa3: {  	[sflag:s23] =	ssyncset.done $0x0  }
0xa4: {  	s25 =	simm.s32 $0x1B8E;
	s24 =	sld [smem:$0x3FFE];
	[sflag:s23] =	ssyncadd.s32 $0xFFFFFFFF  }
0xa5: {  	s26 =	simm.s32 $execute0_lowered;
	[smem:$0x3FD2] =	sst s25  }
0xa6: {  	s5 =	sshll.u32 s26, $0x1;
	_ =	strace $0x80000049;
	[dreg:$0x1] =	wrdreg $0xFFFFFFFF  }
0xa7: {  	s28 =	simm.s32 $_size_execute0_lowered;
	s3 =	sadd.s32 s3, s5;
	[dreg:$0x0] =	wrdreg $0x0  }
0xa8: {  	s5 =	sshll.u32 s28, $0x1;
	[dreg:$0x2] =	wrdreg s3  }
0xa9: {  	[dreg:$0x3] =	wrdreg s5  }
0xaa: {  	[dreg:$0x4] =	wrdreg $0xC0  }
0xab: {  	_ =	task [dreg:s7], $0x5FFFF  }
0xac: {  	[dreg:$0x1] =	wrdreg $0xFFFFFFFF  }
0xad: {  	[dreg:$0x0] =	wrdreg $0x60  }
0xae: {  	[dreg:$0x2] =	wrdreg s24  }
0xaf: {  	[dreg:$0x3] =	wrdreg s2  }
0xb0: {  	[dreg:$0x4] =	wrdreg $0xC2000  }
0xb1: {  	[dreg:$0x5] =	wrdreg $0x9  }
0xb2: {  	_ =	task.clear_ibuf [dreg:s7], $0x6FFFF;
	_ =	strace $0x90000049  }
0xb3: {  	s29 =	simm.s32 $0x9;
	_ =	strace $0x8000004B  }
0xb4: {  	_ =	swait.ge [sflag:s29], $0x1  }
0xb5: {  	[sflag:s29] =	ssyncadd.s32 $0xFFFFFFFF  }
0xb6: {  	_ =	strace $0x9000004B  }
0xb7: {  	_ =	sfence  }
0xb8: {  	s30 =	sld [smem:$0x0];
	_ =	sdelay $0x2  }
0xb9: {  	s31 =	sshll.u32 s1, $0xD;
	s1 =	sshrl.u32 s1, $0x2  }
0xba: {  	s3 =	sand.u32 $0x4000, s31;
	s1 =	sadd.s32 s1, s30  }
0xbb: {  	s0 =	sor.u32 s3, s0;
	s1 =	sshll.u32 s1, $0x11  }
0xbc: {  	s0 =	sor.u32 s1, s0  }
0xbd: {  	s0 =	sadd.s32 $0x8F2B, s0  }
0xbe: {  	[sflag:s0] =	ssyncadd.remote.s32 $0x1  }
0xbf: {  	_ =	sfence.sel $0xFFFF  }
0xc0: {  	[dreg:$0x0] =	wrdreg $0xFFFFFFFF;
	(pc) =	sbr.abs _section_cstart, $3  }
0xc1: {  	[dreg:$0x1] =	wrdreg $0xFFFFFFFF  }
0xc2: {  	_ =	task.clear_ibuf [dreg:s7], $0x2FFFF;
	_ =	strace $0x9FFFFFFF  }
0xc3: {  	(tm) =	ssettm $0x7FFFFFFF  }
tec
execute0_lowered:
.L_overlay_start_1:
0x0: {  	(tag) =	ssettag $0x1  }
0x1: {  	s8 =	rddreg [dreg:$0x0]  }
0x2: {  	s2 =	rddreg [dreg:$0x1]  }
0x3: {  	s3 =	rddreg [dreg:$0x2]  }
0x4: {  	s1 =	stileid.u32;
	s4 =	simm.s32 $0x0;
	s6 =	srdreg.scid  }
0x5: {  	s20 =	simm.s32 $0x8200;
	s21 =	simm.s32 $0x2;
	s22 =	simm.s32 $0x100  }
0x6: {  	s23 =	simm.s32 $0x80;
	s24 =	simm.s32 $0x200;
	s5 =	smul.u32 $0xA00, s1  }
0x7: {  	s26 =	simm.s32 $0x1;
	s28 =	simm.s32 $0x0;
	s9 =	smul.u32 $0x4F000, s1  }
0x8: {  	[smem:$0x7FF] =	sst s4;
	s14 =	sand.u32 $0x1, s6;
	s15 =	smul.u32 $0x4E000, s1  }
0x9: {  	s6 =	sadd.s32 $0x4C200, s8;
	s7 =	sadd.s32 $0x73400, s8;
	s16 =	smul.u32 $0x2700, s1  }
0xa: {  	s25 =	sadd.s32 $0x138000, s3;
	p1 =	sne.s32 s1, $0xF;
	p2 =	seq.s32 s1, $0xF  }
0xb: {  	_ =	strace $0x8000004A;
	s10 =	ssub.s32 $0x2, s14;
	p0 =	seq.s32 s14, $0x1  }
0xc: {  	s25 =	sshrl.u32 s25, $0x3;
	s19 =	sadd.s32 s5, s8;
	s5 =	sadd.s32 $0x3F200, s8  }
0xd: {  	s8 =	sadd.s32 $0x9A600, s8;
	s11 =	sshrl.u32 s10, $0x1;
	s9 =	sshrl.u32 s9, $0x2  }
.Ltmp0:
0xe: {  	s15 =	sshrl.u32 s15, $0x2;
	s0 =	sadd.s32 s7, s16;
	(pc) =	sbr.rel .LBB2_1-.Ltmp0, $4  }
0xf: {  	s17 =	ssub.s32 s10, s11;
	s9 =	sadd.s32 s9, s3;
	s14 =	sadd.s32 s15, s3  }
0x10: {  	[dreg:$0x4] =	wrdreg s0;
	s16 =	sadd.s32 s8, s16;
	s18 =	sadd.s32 $0xE000, s19  }
0x11: {  	s19 =	sadd.s32 $0x42200, s19;
	s10 =	sadd.s32 $0x4000, s9;
	s11 =	sadd.s32 $0x8000, s9  }
0x12: {  	s12 =	sadd.s32 $0xC000, s9;
	s13 =	sadd.s32 $0x10000, s9;
	s17 =	smax.u32 s17, $0x1  }
.LBB2_8:
0x13: {  	s0 =	sadd.s32 $0x27000, s30  }
0x14: {  	[hbm:s0], [sflag:s29] =	dma.local [spmem:s25], $0x100  }
0x15: {  	_ =	swait.ge [sflag:s21], $0x100  }
0x16: {  	[sflag:s21] =	ssyncset.done $0x0  }
0x17: {  	[sflag:s21] =	ssyncadd.s32 $0xFFFFFF00  }
.LBB2_9:
0x18: {  	s28 =	sadd.s32 $0x1, s28  }
0x19: {  	p3 =	sne.s32 s28, s17  }
.Ltmp1:
0x1a: {  	_ = 	snop;
	(pc) =	sbr.rel @!p3 .LBB2_10-.Ltmp1, $1  }
0x1b: {  	_ =	sdelay $0x3  }
.LBB2_1:
0x1c: {  	[tilespmem:s20], [sflag:$0x2] =	stream.linear.gather [hbm4b:s5+s4], $0x4000, $0x38;
	[tilespmem:$0x1FE00] =	vst v63  }
0x1d: {  	_ =	swait.ge [sflag:s21], $0x4000  }
0x1e: {  	[sflag:s21] =	ssyncset.done $0x0  }
0x1f: {  	[sflag:s21] =	ssyncadd.s32 $0xFFFFC000  }
0x20: {  	[spmem:s9] =	stream.linear.scatter [tilespmem:s20], [sflag:$0x2], $0x4000, $0x38;
	[tilespmem:$0x1FE00] =	vst v63  }
0x21: {  	_ =	swait.ge [sflag:s21], $0x4000  }
0x22: {  	[sflag:s21] =	ssyncset.done $0x0  }
0x23: {  	[sflag:s21] =	ssyncadd.s32 $0xFFFFC000  }
0x24: {  	[spmem:s10] =	stream.linear.scatter [tilespmem:s20], [sflag:$0x2], $0x4000, $0x38;
	[tilespmem:$0x1FE00] =	vst v63  }
0x25: {  	_ =	swait.ge [sflag:s21], $0x4000  }
0x26: {  	[sflag:s21] =	ssyncset.done $0x0  }
0x27: {  	[sflag:s21] =	ssyncadd.s32 $0xFFFFC000  }
0x28: {  	[spmem:s11] =	stream.linear.scatter [tilespmem:s20], [sflag:$0x2], $0x4000, $0x38;
	[tilespmem:$0x1FE00] =	vst v63  }
0x29: {  	_ =	swait.ge [sflag:s21], $0x4000  }
0x2a: {  	[sflag:s21] =	ssyncset.done $0x0  }
0x2b: {  	[sflag:s21] =	ssyncadd.s32 $0xFFFFC000  }
0x2c: {  	[spmem:s12] =	stream.linear.scatter [tilespmem:s20], [sflag:$0x2], $0x4000, $0x38;
	[tilespmem:$0x1FE00] =	vst v63  }
0x2d: {  	_ =	swait.ge [sflag:s21], $0x4000  }
0x2e: {  	[sflag:s21] =	ssyncset.done $0x0  }
0x2f: {  	[sflag:s21] =	ssyncadd.s32 $0xFFFFC000  }
0x30: {  	[spmem:s13] =	stream.linear.scatter [tilespmem:s20], [sflag:$0x2], $0x3C00, $0x38;
	[tilespmem:$0x1FE00] =	vst v63  }
.Ltmp2:
0x31: {  	_ =	swait.ge [sflag:s21], $0x3C00;
	(pc) =	sbr.rel @!p0 .LBB2_2-.Ltmp2, $3  }
0x32: {  	[sflag:s21] =	ssyncset.done $0x0  }
0x33: {  	[sflag:s21] =	ssyncadd.s32 $0xFFFFC400  }
0x34: {  	[bflag:$0x0] =	sbarrier.arrive $0xFFFF;
	_ =	sdelay $0x1  }
0x35: {  	s0 =	sadd.s32 $0x0, s19  }
0x36: {  	[tilespmem:s4], [sflag:$0x2] =	stream.linear.gather [hbm4b:s0+s4], $0x80, $0x38;
	[tilespmem:$0x1FE00] =	vst v63  }
0x37: {  	_ =	swait.ge [sflag:s21], $0x80  }
0x38: {  	[sflag:s21] =	ssyncset.done $0x0  }
0x39: {  	s31 =	sadd.s32 $0x0, s18;
	[sflag:s21] =	ssyncadd.s32 $0xFFFFFF80  }
0x3a: {  	[tilespmem:s22], [sflag:$0x2] =	stream.linear.gather [hbm4b:s31+s4], $0x80, $0x38;
	[tilespmem:$0x1FE00] =	vst v63  }
0x3b: {  	_ =	swait.ge [sflag:s21], $0x80  }
0x3c: {  	[sflag:s21] =	ssyncset.done $0x0  }
0x3d: {  	[sflag:s21] =	ssyncadd.s32 $0xFFFFFF80  }
0x3e: {  	[tilespmem:s24], [sflag:$0x1] =	stream.indirect.gather [hbm4b:s6+s23], $0x80, s4, s23, $0xb8;
	[tilespmem:$0x1FE00] =	vst v63  }
0x3f: {  	_ =	swait.ge [sflag:s26], $0x4000  }
0x40: {  	[sflag:s26] =	ssyncset.done $0x0  }
0x41: {  	[sflag:s26] =	ssyncadd.s32 $0xFFFFC000  }
0x42: {  	[spmem:s3] =	stream.indirect.scatter.add.f32 [tilespmem:s24], [sflag:$0x2], $0x80, s22, s23, $0xb8;
	[tilespmem:$0x1FE00] =	vst v63  }
0x43: {  	_ =	swait.ge [sflag:s21], $0x4000  }
0x44: {  	s29 =	simm.s32 $0x10;
	s30 =	simm.s32 $0x20;
	[sflag:s21] =	ssyncset.done $0x0  }
.LBB2_6:
0x45: {  	s0 =	sadd.s32 s29, s19  }
0x46: {  	[sflag:s21] =	ssyncadd.s32 $0xFFFFC000;
	s15 =	smov.u32 s30;
	s31 =	sadd.s32 $0x10, s30  }
0x47: {  	[tilespmem:s4], [sflag:$0x2] =	stream.linear.gather [hbm4b:s0+s4], $0x80, $0x38;
	[tilespmem:$0x1FE00] =	vst v63  }
0x48: {  	p3 =	sne.s32 s30, $0x9F0;
	_ =	swait.ge [sflag:s21], $0x80  }
0x49: {  	[sflag:s21] =	ssyncset.done $0x0  }
0x4a: {  	s0 =	sadd.s32 s29, s18;
	s29 =	smov.u32 s15;
	[sflag:s21] =	ssyncadd.s32 $0xFFFFFF80  }
0x4b: {  	[tilespmem:s22], [sflag:$0x2] =	stream.linear.gather [hbm4b:s0+s4], $0x80, $0x38;
	[tilespmem:$0x1FE00] =	vst v63  }
0x4c: {  	_ =	swait.ge [sflag:s21], $0x80  }
0x4d: {  	[sflag:s21] =	ssyncset.done $0x0  }
0x4e: {  	[sflag:s21] =	ssyncadd.s32 $0xFFFFFF80  }
0x4f: {  	[tilespmem:s24], [sflag:$0x1] =	stream.indirect.gather [hbm4b:s6+s23], $0x80, s4, s23, $0xb8;
	[tilespmem:$0x1FE00] =	vst v63  }
0x50: {  	_ =	swait.ge [sflag:s26], $0x4000  }
.Ltmp3:
0x51: {  	[sflag:s26] =	ssyncset.done $0x0;
	(pc) =	sbr.rel @p3 .LBB2_6-.Ltmp3, $4  }
0x52: {  	[sflag:s26] =	ssyncadd.s32 $0xFFFFC000  }
0x53: {  	[spmem:s3] =	stream.indirect.scatter.add.f32 [tilespmem:s24], [sflag:$0x2], $0x80, s22, s23, $0xb8;
	[tilespmem:$0x1FE00] =	vst v63  }
0x54: {  	_ =	swait.ge [sflag:s21], $0x4000  }
0x55: {  	s30 =	smov.u32 s31;
	[sflag:s21] =	ssyncset.done $0x0  }
0x56: {  	s0 =	sadd.s32 s29, s19;
	[sflag:s21] =	ssyncadd.s32 $0xFFFFC000  }
0x57: {  	[tilespmem:s4], [sflag:$0x2] =	stream.linear.gather [hbm4b:s0+s4], $0x80, $0x38;
	[tilespmem:$0x1FE00] =	vst v63  }
0x58: {  	_ =	swait.ge [sflag:s21], $0x80  }
0x59: {  	[sflag:s21] =	ssyncset.done $0x0  }
0x5a: {  	s31 =	sadd.s32 s29, s18;
	[sflag:s21] =	ssyncadd.s32 $0xFFFFFF80  }
0x5b: {  	[tilespmem:s22], [sflag:$0x2] =	stream.linear.gather [hbm4b:s31+s4], $0x80, $0x38;
	[tilespmem:$0x1FE00] =	vst v63  }
0x5c: {  	_ =	swait.ge [sflag:s21], $0x80  }
0x5d: {  	[sflag:s21] =	ssyncset.done $0x0  }
0x5e: {  	[sflag:s21] =	ssyncadd.s32 $0xFFFFFF80  }
0x5f: {  	[tilespmem:s24], [sflag:$0x1] =	stream.indirect.gather [hbm4b:s6+s23], $0x80, s4, s23, $0xb8;
	[tilespmem:$0x1FE00] =	vst v63  }
0x60: {  	_ =	swait.ge [sflag:s26], $0x4000  }
0x61: {  	[sflag:s26] =	ssyncset.done $0x0  }
0x62: {  	[sflag:s26] =	ssyncadd.s32 $0xFFFFC000  }
0x63: {  	[spmem:s3] =	stream.indirect.scatter.add.f32 [tilespmem:s24], [sflag:$0x2], $0x80, s22, s23, $0xb8;
	[tilespmem:$0x1FE00] =	vst v63  }
0x64: {  	_ =	swait.ge [sflag:s21], $0x4000  }
0x65: {  	[sflag:s21] =	ssyncset.done $0x0  }
0x66: {  	s15 =	sshll.u32 s1, $0x6;
	[sflag:s21] =	ssyncadd.s32 $0xFFFFC000  }
0x67: {  	s29 =	sor.u32 $0x1C02, s15;
	s31 =	sshrl.u32 s14, $0x3;
	[bflag:$0x0] =	sbarrier.arrive $0xFFFF  }
0x68: {  	[hbm:s16], [sflag:s29] =	dma.local [spmem:s31], $0x2700  }
.Ltmp4:
0x69: {  	_ = 	snop;
	(pc) =	sbr.rel @p1 .LBB2_9-.Ltmp4, $4  }
.Ltmp5:
0x6a: {  	_ = 	snop;
	(pc) =	sbr.rel @!p1 .LBB2_8-.Ltmp5, $4  }
0x6b: {  	_ =	swait.ge [sflag:s21], $0x2700  }
0x6c: {  	[sflag:s21] =	ssyncset.done $0x0  }
0x6d: {  	s30 =	smov.u32 s8;
	[sflag:s21] =	ssyncadd.s32 $0xFFFFD900  }
0x6e: {  	_ = 	snop  }
.LBB2_2:
0x6f: {  	s29 =	sadd.s32 $0x0, s19  }
0x70: {  	[tilespmem:s4], [sflag:$0x2] =	stream.linear.gather [hbm4b:s29+s4], $0x80, $0x38;
	[tilespmem:$0x1FE00] =	vst v63  }
0x71: {  	_ =	swait.ge [sflag:s21], $0x80  }
0x72: {  	[sflag:s21] =	ssyncset.done $0x0  }
0x73: {  	s29 =	sadd.s32 $0x0, s18;
	[sflag:s21] =	ssyncadd.s32 $0xFFFFFF80  }
0x74: {  	[tilespmem:s22], [sflag:$0x2] =	stream.linear.gather [hbm4b:s29+s4], $0x80, $0x38;
	[tilespmem:$0x1FE00] =	vst v63  }
0x75: {  	_ =	swait.ge [sflag:s21], $0x80  }
0x76: {  	[sflag:s21] =	ssyncset.done $0x0  }
0x77: {  	[sflag:s21] =	ssyncadd.s32 $0xFFFFFF80  }
0x78: {  	[tilespmem:s24], [sflag:$0x1] =	stream.indirect.gather [hbm4b:s2+s23], $0x80, s4, s23, $0xb8;
	[tilespmem:$0x1FE00] =	vst v63  }
0x79: {  	_ =	swait.ge [sflag:s26], $0x4000  }
0x7a: {  	[sflag:s26] =	ssyncset.done $0x0  }
0x7b: {  	[sflag:s26] =	ssyncadd.s32 $0xFFFFC000  }
0x7c: {  	[spmem:s3] =	stream.indirect.scatter.add.f32 [tilespmem:s24], [sflag:$0x2], $0x80, s22, s23, $0xb8;
	[tilespmem:$0x1FE00] =	vst v63  }
0x7d: {  	_ =	swait.ge [sflag:s21], $0x4000  }
0x7e: {  	s30 =	simm.s32 $0x20;
	s29 =	simm.s32 $0x10;
	[sflag:s21] =	ssyncset.done $0x0  }
.LBB2_3:
0x7f: {  	s31 =	sadd.s32 s29, s19  }
0x80: {  	[sflag:s21] =	ssyncadd.s32 $0xFFFFC000;
	s0 =	smov.u32 s30;
	s15 =	sadd.s32 $0x10, s30  }
0x81: {  	[tilespmem:s4], [sflag:$0x2] =	stream.linear.gather [hbm4b:s31+s4], $0x80, $0x38;
	[tilespmem:$0x1FE00] =	vst v63  }
0x82: {  	p3 =	sne.s32 s30, $0x9F0;
	_ =	swait.ge [sflag:s21], $0x80  }
0x83: {  	[sflag:s21] =	ssyncset.done $0x0  }
0x84: {  	s30 =	sadd.s32 s29, s18;
	s29 =	smov.u32 s0;
	[sflag:s21] =	ssyncadd.s32 $0xFFFFFF80  }
0x85: {  	[tilespmem:s22], [sflag:$0x2] =	stream.linear.gather [hbm4b:s30+s4], $0x80, $0x38;
	[tilespmem:$0x1FE00] =	vst v63  }
0x86: {  	_ =	swait.ge [sflag:s21], $0x80  }
0x87: {  	[sflag:s21] =	ssyncset.done $0x0  }
0x88: {  	[sflag:s21] =	ssyncadd.s32 $0xFFFFFF80  }
0x89: {  	[tilespmem:s24], [sflag:$0x1] =	stream.indirect.gather [hbm4b:s2+s23], $0x80, s4, s23, $0xb8;
	[tilespmem:$0x1FE00] =	vst v63  }
0x8a: {  	_ =	swait.ge [sflag:s26], $0x4000  }
.Ltmp6:
0x8b: {  	[sflag:s26] =	ssyncset.done $0x0;
	(pc) =	sbr.rel @p3 .LBB2_3-.Ltmp6, $4  }
0x8c: {  	[sflag:s26] =	ssyncadd.s32 $0xFFFFC000  }
0x8d: {  	[spmem:s3] =	stream.indirect.scatter.add.f32 [tilespmem:s24], [sflag:$0x2], $0x80, s22, s23, $0xb8;
	[tilespmem:$0x1FE00] =	vst v63  }
0x8e: {  	_ =	swait.ge [sflag:s21], $0x4000  }
0x8f: {  	s30 =	smov.u32 s15;
	[sflag:s21] =	ssyncset.done $0x0  }
0x90: {  	s0 =	sadd.s32 s29, s19;
	[sflag:s21] =	ssyncadd.s32 $0xFFFFC000  }
0x91: {  	[tilespmem:s4], [sflag:$0x2] =	stream.linear.gather [hbm4b:s0+s4], $0x80, $0x38;
	[tilespmem:$0x1FE00] =	vst v63  }
0x92: {  	_ =	swait.ge [sflag:s21], $0x80  }
0x93: {  	[sflag:s21] =	ssyncset.done $0x0  }
0x94: {  	s31 =	sadd.s32 s29, s18;
	[sflag:s21] =	ssyncadd.s32 $0xFFFFFF80  }
0x95: {  	[tilespmem:s22], [sflag:$0x2] =	stream.linear.gather [hbm4b:s31+s4], $0x80, $0x38;
	[tilespmem:$0x1FE00] =	vst v63  }
0x96: {  	_ =	swait.ge [sflag:s21], $0x80  }
0x97: {  	[sflag:s21] =	ssyncset.done $0x0  }
0x98: {  	[sflag:s21] =	ssyncadd.s32 $0xFFFFFF80  }
0x99: {  	[tilespmem:s24], [sflag:$0x1] =	stream.indirect.gather [hbm4b:s2+s23], $0x80, s4, s23, $0xb8;
	[tilespmem:$0x1FE00] =	vst v63  }
0x9a: {  	_ =	swait.ge [sflag:s26], $0x4000  }
0x9b: {  	[sflag:s26] =	ssyncset.done $0x0  }
0x9c: {  	[sflag:s26] =	ssyncadd.s32 $0xFFFFC000  }
0x9d: {  	[spmem:s3] =	stream.indirect.scatter.add.f32 [tilespmem:s24], [sflag:$0x2], $0x80, s22, s23, $0xb8;
	[tilespmem:$0x1FE00] =	vst v63  }
0x9e: {  	_ =	swait.ge [sflag:s21], $0x4000  }
0x9f: {  	[sflag:s21] =	ssyncset.done $0x0  }
0xa0: {  	[sflag:s21] =	ssyncadd.s32 $0xFFFFC000  }
0xa1: {  	s15 =	sshll.u32 s1, $0x6;
	[bflag:$0x0] =	sbarrier.arrive $0xFFFF  }
0xa2: {  	s29 =	sor.u32 $0x1C02, s15;
	s31 =	sshrl.u32 s14, $0x3;
	s15 =	rddreg [dreg:$0x4]  }
0xa3: {  	[hbm:s15], [sflag:s29] =	dma.local [spmem:s31], $0x2700  }
.Ltmp7:
0xa4: {  	_ = 	snop;
	(pc) =	sbr.rel @p2 .LBB2_8-.Ltmp7, $4  }
.Ltmp8:
0xa5: {  	_ = 	snop;
	(pc) =	sbr.rel @!p2 .LBB2_9-.Ltmp8, $4  }
0xa6: {  	_ =	swait.ge [sflag:s21], $0x2700  }
0xa7: {  	[sflag:s21] =	ssyncset.done $0x0  }
0xa8: {  	s30 =	smov.u32 s7;
	[sflag:s21] =	ssyncadd.s32 $0xFFFFD900  }
0xa9: {  	_ = 	snop  }
.LBB2_10:
0xaa: {  	_ =	sfence.sel $0x180000  }
0xab: {  	[bflag:$0x0] =	sbarrier.arrive $0xFFFF  }
0xac: {  	_ =	strace $0x9000004A  }
0xad: {  	[bflag:$0x2] =	sbarrier.arrive $0xFFFF  }
0xae: {  	p0 =	sne.s32 s1, $0x0;
	s0 =	rddreg [dreg:$0x3]  }
0xaf: {  	s0 =	sadd.s32 @!p0 $0x100000, s0  }
0xb0: {  	[sflag:s0] =	ssyncadd.tile.s32 @!p0 $0x1;
	_ =	shalt  }
.Lfunc_end2:
_tile_overlayer_lowered:
.L_overlay_start_2:
0xb1: {  	(tag) =	ssettag $0x2  }
0xb2: {  	s0 =	rddreg [dreg:$0x0];
	s2 =	stileid.u32  }
0xb3: {  	s1 =	rddreg [dreg:$0x1];
	p0 =	sne.s32 s2, $0x0  }
0xb4: {  	s3 =	rddreg [dreg:$0x2];
	[bflag:$0x3] =	sbarrier.arrive $0xFFFF;
	s2 =	simm.s32 @!p0 $0x1C02  }
0xb5: {  	[timem:s3], [sflag:s2] =	dma.local @!p0 [hbm:s0], s1  }
0xb6: {  	s0 =	simm.s32 @!p0 $0x2  }
0xb7: {  	_ =	swait.ge @!p0 [sflag:s0], s1  }
0xb8: {  	s1 =	ssub.s32 @!p0 $0x0, s1;
	[sflag:s0] =	ssyncset.done @!p0 $0x0  }
0xb9: {  	[sflag:s0] =	ssyncadd.s32 @!p0 s1  }
0xba: {  	[bflag:$0x3] =	sbarrier.arrive $0xFFFF  }
0xbb: {  	_ =	shalt  }

// kernel: kernel.14.cloned.1.call-start
scs
__scs_entry_jumppad:
0x0: {  	(pc) =	sbr.rel $0x88, $3  }
0x1: {  	(tag) =	ssettag $0x0;
	lr =	simm.s32 $0x1  }
0x2: {  	[smem:$0x3F9B] =	sst lr;
	_ =	strace $0xD0000000  }
0x3: {  	_ = 	snop  }
0x4: {  	_ = 	snop  }
0x5: {  	_ = 	snop  }
0x6: {  	_ = 	snop  }
0x7: {  	_ = 	snop  }
__scs_overlays_trampoline_lowered:
0x8: {  	[smem:$0x3FAA] =	sst s0  }
0x9: {  	[smem:$0x3FAB] =	sst s1  }
0xa: {  	[smem:$0x3FAC] =	sst s2  }
0xb: {  	[smem:$0x3FAD] =	sst s3  }
0xc: {  	[smem:$0x3FAE] =	sst s4  }
0xd: {  	[smem:$0x3FAF] =	sst s5  }
0xe: {  	[smem:$0x3FB0] =	sst s6  }
0xf: {  	[smem:$0x3FB1] =	sst s7  }
0x10: {  	[smem:$0x3FB2] =	sst s8  }
0x11: {  	[smem:$0x3FB3] =	sst s9;
	s0 =	simm.s32 @!p0 $0x0  }
0x12: {  	s1 =	sld [smem:$0x3F99];
	s0 =	simm.s32 @p0 $0x1  }
0x13: {  	[smem:$0x3FB4] =	sst s0;
	s0 =	simm.s32 @!p1 $0x0  }
0x14: {  	s2 =	sld [smem:$0x3F98];
	s0 =	simm.s32 @p1 $0x1  }
0x15: {  	[smem:$0x3FB5] =	sst s0;
	s0 =	simm.s32 @!p2 $0x0  }
0x16: {  	s3 =	sld [smem:$0x3FDB];
	s0 =	simm.s32 @p2 $0x1  }
0x17: {  	s4 =	simm.s32 $0x1BF5;
	[smem:$0x3FB7] =	sst s0  }
0x18: {  	s0 =	sld [smem:$0x3F9A];
	_ =	swait.ge [sflag:s4], $0x0  }
0x19: {  	s7 =	sld [smem:$0x3F9B]  }
0x1a: {  	s8 =	sadd.s32 $0xFFFFE003, lr  }
0x1b: {  	s9 =	sadd.s32 $0xFFFFFEF7, lr;
	s5 =	simm.s32 $0xFFFFFFFF;
	p2 =	slt.u32 s8, $0xFFFFF086  }
0x1c: {  	p1 =	slt.u32 s9, $0xF7A;
	s5 =	simm.s32 @!p2 $0x0  }
0x1d: {  	s5 =	simm.s32 @p1 $0x1;
	p0 =	seq.s32 s7, s2  }
0x1e: {  	s7 =	smul.u32 @!p0 $0xF7A, s2;
	p2 =	seq.s32 @!p0 s5, $0x0  }
0x1f: {  	s9 =	smul.u32 $0xF7A, s1;
	s8 =	simm.s32 @!p0 $0x1BF5;
	p2 =	por !p2, p0  }
0x20: {  	[sflag:s8] =	ssyncset.s32 @!p0 $0xFFFFF086;
	s6 =	sadd.s32 @!p0 s3, s7;
	s7 =	simm.s32 @!p0 $0x108  }
0x21: {  	s3 =	sadd.s32 s3, s9;
	s6 =	sadd.s32 @!p0 $0x88, s6;
	s7 =	simm.s32 @p2 $0x1082  }
0x22: {  	[simem:s7], [sflag:s8] =	dma.local @!p0 [hbm:s6], $0xF7A  }
0x23: {  	s9 =	sor.u32 $0xD0000000, s2;
	s6 =	simm.s32 $0x108;
	_ =	swait.ge @!p0 [sflag:s8], $0x0  }
0x24: {  	s3 =	sadd.s32 $0x88, s3;
	s6 =	simm.s32 @!p1 $0x1082;
	[sflag:s4] =	ssyncset.s32 $0xFFFFF086  }
0x25: {  	[simem:s6], [sflag:s4] =	dma.local [hbm:s3], $0xF7A  }
0x26: {  	[smem:$0x3F9B] =	sst s1;
	(tag) =	ssettag s2;
	_ =	strace s9  }
0x27: {  	s1 =	sld [smem:$0x3FAB]  }
0x28: {  	s2 =	sld [smem:$0x3FAC]  }
0x29: {  	s4 =	sld [smem:$0x3FAE]  }
0x2a: {  	p0 =	seq.s32 s5, $0x0;
	s5 =	sld [smem:$0x3FAF]  }
0x2b: {  	s6 =	sld [smem:$0x3FB0]  }
0x2c: {  	s7 =	sld [smem:$0x3FB1]  }
0x2d: {  	s3 =	simm.s32 $0x108;
	s8 =	sld [smem:$0x3FB2]  }
0x2e: {  	s3 =	simm.s32 @!p0 $0x1082;
	s9 =	sld [smem:$0x3FB3]  }
0x2f: {  	lr =	sadd.s32 s0, s3;
	s0 =	sld [smem:$0x3FAA]  }
0x30: {  	s3 =	sld [smem:$0x3FAD]  }
0x31: {  	[smem:$0x3FB6] =	sst s10  }
0x32: {  	s10 =	sld [smem:$0x3FB4];
	_ =	sdelay $0x3  }
0x33: {  	p0 =	seq.s32 s10, $0x1;
	s10 =	sld [smem:$0x3FB6];
	_ =	sdelay $0x3  }
0x34: {  	[smem:$0x3FB6] =	sst s10  }
0x35: {  	s10 =	sld [smem:$0x3FB5];
	_ =	sdelay $0x3  }
0x36: {  	p1 =	seq.s32 s10, $0x1;
	s10 =	sld [smem:$0x3FB6];
	_ =	sdelay $0x3  }
0x37: {  	[smem:$0x3FB6] =	sst s10  }
0x38: {  	s10 =	sld [smem:$0x3FB7]  }
0x39: {  	_ = 	snop;
	(pc) =	sbr.ind lr, $3  }
0x3a: {  	_ = 	snop  }
0x3b: {  	_ = 	snop  }
0x3c: {  	p2 =	seq.s32 s10, $0x1;
	s10 =	sld [smem:$0x3FB6]  }
0x3d: {  	_ =	shalt  }
0x3e: {  	_ =	shalt  }
0x3f: {  	_ =	shalt  }
0x40: {  	_ =	shalt  }
0x41: {  	_ =	shalt  }
0x42: {  	_ =	shalt  }
0x43: {  	_ =	shalt  }
0x44: {  	_ =	shalt  }
0x45: {  	_ =	shalt  }
0x46: {  	_ =	shalt  }
0x47: {  	_ =	shalt  }
0x48: {  	_ =	shalt  }
0x49: {  	_ =	shalt  }
0x4a: {  	_ =	shalt  }
0x4b: {  	_ =	shalt  }
0x4c: {  	_ =	shalt  }
0x4d: {  	_ =	shalt  }
0x4e: {  	_ =	shalt  }
0x4f: {  	_ =	shalt  }
0x50: {  	_ =	shalt  }
0x51: {  	_ =	shalt  }
0x52: {  	_ =	shalt  }
0x53: {  	_ =	shalt  }
0x54: {  	_ =	shalt  }
0x55: {  	_ =	shalt  }
0x56: {  	_ =	shalt  }
0x57: {  	_ =	shalt  }
0x58: {  	_ =	shalt  }
0x59: {  	_ =	shalt  }
0x5a: {  	_ =	shalt  }
0x5b: {  	_ =	shalt  }
0x5c: {  	_ =	shalt  }
0x5d: {  	_ =	shalt  }
0x5e: {  	_ =	shalt  }
0x5f: {  	_ =	shalt  }
0x60: {  	_ =	shalt  }
0x61: {  	_ =	shalt  }
0x62: {  	_ =	shalt  }
0x63: {  	_ =	shalt  }
0x64: {  	_ =	shalt  }
0x65: {  	_ =	shalt  }
0x66: {  	_ =	shalt  }
0x67: {  	_ =	shalt  }
0x68: {  	_ =	shalt  }
0x69: {  	_ =	shalt  }
0x6a: {  	_ =	shalt  }
0x6b: {  	_ =	shalt  }
0x6c: {  	_ =	shalt  }
0x6d: {  	_ =	shalt  }
0x6e: {  	_ =	shalt  }
0x6f: {  	_ =	shalt  }
0x70: {  	_ =	shalt  }
0x71: {  	_ =	shalt  }
0x72: {  	_ =	shalt  }
0x73: {  	_ =	shalt  }
0x74: {  	_ =	shalt  }
0x75: {  	_ =	shalt  }
0x76: {  	_ =	shalt  }
0x77: {  	_ =	shalt  }
0x78: {  	_ =	shalt  }
0x79: {  	_ =	shalt  }
0x7a: {  	_ =	shalt  }
0x7b: {  	_ =	shalt  }
0x7c: {  	_ =	shalt  }
0x7d: {  	_ =	shalt  }
0x7e: {  	_ =	shalt  }
0x7f: {  	_ =	shalt  }
0x80: {  	_ =	shalt  }
0x81: {  	_ =	shalt  }
0x82: {  	_ =	shalt  }
0x83: {  	_ =	shalt  }
0x84: {  	_ =	shalt  }
0x85: {  	_ =	shalt  }
0x86: {  	_ =	shalt  }
0x87: {  	_ =	shalt  }
.Lfunc_end0:
.L_simem_size_0:
called_computation.2_lowered:
.L_overlay_start_0:
0x88: {  	s2 =	sld [smem:$0x3FD9]  }
0x89: {  	s3 =	sld [smem:$0x3FFE];
	_ =	sdelay $0x1  }
0x8a: {  	s1 =	srdreg.scid  }
0x8b: {  	s0 =	sand.u32 $0x1, s1  }
0x8c: {  	s17 =	sshll.u32 s0, $0xA;
	s2 =	sadd.s32 s3, s2  }
0x8d: {  	s2 =	sadd.s32 s2, s17  }
0x8e: {  	[smem:$0x3FC2] =	sst s2  }
0x8f: {  	_ = 	snop  }
0x90: {  	s2 =	sld [smem:$0x3FD0];
	(tm) =	ssettm $0x1  }
0x91: {  	s18 =	sld [smem:$0x3FFB];
	_ =	sdelay $0x3  }
0x92: {  	_ =	strace s18  }
0x93: {  	s3 =	sld [smem:$0x3FFC];
	_ =	sdelay $0x3  }
0x94: {  	_ =	strace s3  }
0x95: {  	s3 =	sld [smem:$0x3FFD];
	_ =	sdelay $0x3  }
0x96: {  	_ =	strace s3  }
0x97: {  	_ =	strace $0x8FFFFFFF  }
0x98: {  	s19 =	sld [smem:$0x3FDB];
	_ =	sdelay $0x1  }
0x99: {  	s4 =	simm.s32 $_scs_section_size  }
0x9a: {  	s5 =	simm.s32 $_size__tile_overlayer_lowered;
	s6 =	simm.s32 $_tile_overlayer_lowered  }
0x9b: {  	s22 =	simm.s32 $0x1BFF;
	s21 =	sshll.u32 s6, $0x1;
	s3 =	sadd.s32 s4, s19  }
0x9c: {  	s7 =	simm.s32 $0x0;
	s20 =	sshll.u32 s5, $0x1;
	s5 =	sadd.s32 s21, s3  }
0x9d: {  	[timem:s7], [sflag:s22] =	dma.local [hbm:s5], s20  }
0x9e: {  	_ =	swait.ge [sflag:s22], s20  }
0x9f: {  	s4 =	ssub.s32 $0x0, s20;
	[sflag:s22] =	ssyncset.done $0x0  }
0xa0: {  	[sflag:s22] =	ssyncadd.s32 s4;
	_ =	sdelay $0x1  }
0xa1: {  	s23 =	simm.s32 $0x1B8B  }
0xa2: {  	_ =	swait.ge [sflag:s23], $0x1  }
0xa3: {  	[sflag:s23] =	ssyncset.done $0x0  }
0xa4: {  	s25 =	simm.s32 $0x1B8E;
	s24 =	sld [smem:$0x3FFE];
	[sflag:s23] =	ssyncadd.s32 $0xFFFFFFFF  }
0xa5: {  	s26 =	simm.s32 $execute0_lowered;
	[smem:$0x3FD2] =	sst s25  }
0xa6: {  	s5 =	sshll.u32 s26, $0x1;
	_ =	strace $0x8000004C;
	[dreg:$0x1] =	wrdreg $0xFFFFFFFF  }
0xa7: {  	s28 =	simm.s32 $_size_execute0_lowered;
	s3 =	sadd.s32 s3, s5;
	[dreg:$0x0] =	wrdreg $0x0  }
0xa8: {  	s5 =	sshll.u32 s28, $0x1;
	[dreg:$0x2] =	wrdreg s3  }
0xa9: {  	[dreg:$0x3] =	wrdreg s5  }
0xaa: {  	[dreg:$0x4] =	wrdreg $0xC0  }
0xab: {  	_ =	task [dreg:s7], $0x5FFFF  }
0xac: {  	[dreg:$0x1] =	wrdreg $0xFFFFFFFF  }
0xad: {  	[dreg:$0x0] =	wrdreg $0x60  }
0xae: {  	[dreg:$0x2] =	wrdreg s24  }
0xaf: {  	[dreg:$0x3] =	wrdreg s2  }
0xb0: {  	[dreg:$0x4] =	wrdreg $0xC2000  }
0xb1: {  	[dreg:$0x5] =	wrdreg $0x9  }
0xb2: {  	_ =	task.clear_ibuf [dreg:s7], $0x6FFFF;
	_ =	strace $0x9000004C  }
0xb3: {  	s29 =	simm.s32 $0x9;
	_ =	strace $0x8000004E  }
0xb4: {  	_ =	swait.ge [sflag:s29], $0x1  }
0xb5: {  	[sflag:s29] =	ssyncadd.s32 $0xFFFFFFFF  }
0xb6: {  	_ =	strace $0x9000004E  }
0xb7: {  	_ =	sfence  }
0xb8: {  	s30 =	sld [smem:$0x0];
	_ =	sdelay $0x2  }
0xb9: {  	s31 =	sshll.u32 s1, $0xD;
	s1 =	sshrl.u32 s1, $0x2  }
0xba: {  	s3 =	sand.u32 $0x4000, s31;
	s1 =	sadd.s32 s1, s30  }
0xbb: {  	s0 =	sor.u32 s3, s0;
	s1 =	sshll.u32 s1, $0x11  }
0xbc: {  	s0 =	sor.u32 s1, s0  }
0xbd: {  	s0 =	sadd.s32 $0x8F2B, s0  }
0xbe: {  	[sflag:s0] =	ssyncadd.remote.s32 $0x1  }
0xbf: {  	_ =	sfence.sel $0xFFFF  }
0xc0: {  	[dreg:$0x0] =	wrdreg $0xFFFFFFFF;
	(pc) =	sbr.abs _section_cstart, $3  }
0xc1: {  	[dreg:$0x1] =	wrdreg $0xFFFFFFFF  }
0xc2: {  	_ =	task.clear_ibuf [dreg:s7], $0x2FFFF;
	_ =	strace $0x9FFFFFFF  }
0xc3: {  	(tm) =	ssettm $0x7FFFFFFF  }
tec
execute0_lowered:
.L_overlay_start_1:
0x0: {  	(tag) =	ssettag $0x1  }
0x1: {  	s7 =	rddreg [dreg:$0x0]  }
0x2: {  	s2 =	rddreg [dreg:$0x1]  }
0x3: {  	s3 =	rddreg [dreg:$0x2];
	s4 =	simm.s32 $0x0;
	s1 =	stileid.u32  }
0x4: {  	s8 =	srdreg.scid;
	s21 =	simm.s32 $0x8200;
	s22 =	simm.s32 $0x2  }
0x5: {  	s23 =	simm.s32 $0x100;
	s24 =	simm.s32 $0x80;
	s5 =	smul.u32 $0xA00, s1  }
0x6: {  	s26 =	simm.s32 $0x200;
	s28 =	simm.s32 $0x1;
	s9 =	smul.u32 $0x4F000, s1  }
0x7: {  	s29 =	simm.s32 $0x0;
	[smem:$0x7FF] =	sst s4;
	s12 =	smul.u32 $0x4E000, s1  }
0x8: {  	s0 =	sadd.s32 $0x4C200, s7;
	s13 =	sand.u32 $0x1, s8;
	s15 =	smul.u32 $0x2700, s1  }
0x9: {  	s25 =	sadd.s32 $0x138000, s3;
	p1 =	sne.s32 s1, $0xF;
	p2 =	seq.s32 s1, $0xF  }
0xa: {  	_ =	strace $0x8000004D;
	s10 =	ssub.s32 $0x2, s13;
	p0 =	seq.s32 s13, $0x1  }
0xb: {  	[dreg:$0x4] =	wrdreg s0;
	s25 =	sshrl.u32 s25, $0x3;
	s20 =	sadd.s32 s5, s7  }
0xc: {  	s5 =	sadd.s32 $0x3F200, s7;
	s7 =	sadd.s32 $0x73400, s7;
	s30 =	sshrl.u32 s9, $0x2  }
0xd: {  	s31 =	sshrl.u32 s10, $0x1;
	s14 =	sshrl.u32 s12, $0x2;
	s0 =	sadd.s32 s0, s15  }
.Ltmp0:
0xe: {  	s8 =	sadd.s32 s30, s3;
	s16 =	ssub.s32 s10, s31;
	(pc) =	sbr.rel .LBB2_1-.Ltmp0, $4  }
0xf: {  	s13 =	sadd.s32 s14, s3;
	[dreg:$0x5] =	wrdreg s0;
	s15 =	sadd.s32 s7, s15  }
0x10: {  	s17 =	sadd.s32 $0xE000, s20;
	s18 =	sadd.s32 $0x42200, s20;
	s19 =	sadd.s32 $0xE500, s20  }
0x11: {  	s20 =	sadd.s32 $0x42700, s20;
	s9 =	sadd.s32 $0x4000, s8;
	s10 =	sadd.s32 $0x8000, s8  }
0x12: {  	s11 =	sadd.s32 $0xC000, s8;
	s12 =	sadd.s32 $0x10000, s8;
	s16 =	smax.u32 s16, $0x1  }
.LBB2_8:
0x13: {  	s0 =	sadd.s32 $0x27000, s31  }
0x14: {  	[hbm:s0], [sflag:s30] =	dma.local [spmem:s25], $0x100  }
0x15: {  	_ =	swait.ge [sflag:s22], $0x100  }
0x16: {  	[sflag:s22] =	ssyncset.done $0x0  }
0x17: {  	[sflag:s22] =	ssyncadd.s32 $0xFFFFFF00  }
.LBB2_9:
0x18: {  	s29 =	sadd.s32 $0x1, s29  }
0x19: {  	p3 =	sne.s32 s29, s16  }
.Ltmp1:
0x1a: {  	_ = 	snop;
	(pc) =	sbr.rel @!p3 .LBB2_10-.Ltmp1, $1  }
0x1b: {  	_ =	sdelay $0x3  }
.LBB2_1:
0x1c: {  	[tilespmem:s21], [sflag:$0x2] =	stream.linear.gather [hbm4b:s5+s4], $0x4000, $0x38;
	[tilespmem:$0x1FE00] =	vst v63  }
0x1d: {  	_ =	swait.ge [sflag:s22], $0x4000  }
0x1e: {  	[sflag:s22] =	ssyncset.done $0x0  }
0x1f: {  	[sflag:s22] =	ssyncadd.s32 $0xFFFFC000  }
0x20: {  	[spmem:s8] =	stream.linear.scatter [tilespmem:s21], [sflag:$0x2], $0x4000, $0x38;
	[tilespmem:$0x1FE00] =	vst v63  }
0x21: {  	_ =	swait.ge [sflag:s22], $0x4000  }
0x22: {  	[sflag:s22] =	ssyncset.done $0x0  }
0x23: {  	[sflag:s22] =	ssyncadd.s32 $0xFFFFC000  }
0x24: {  	[spmem:s9] =	stream.linear.scatter [tilespmem:s21], [sflag:$0x2], $0x4000, $0x38;
	[tilespmem:$0x1FE00] =	vst v63  }
0x25: {  	_ =	swait.ge [sflag:s22], $0x4000  }
0x26: {  	[sflag:s22] =	ssyncset.done $0x0  }
0x27: {  	[sflag:s22] =	ssyncadd.s32 $0xFFFFC000  }
0x28: {  	[spmem:s10] =	stream.linear.scatter [tilespmem:s21], [sflag:$0x2], $0x4000, $0x38;
	[tilespmem:$0x1FE00] =	vst v63  }
0x29: {  	_ =	swait.ge [sflag:s22], $0x4000  }
0x2a: {  	[sflag:s22] =	ssyncset.done $0x0  }
0x2b: {  	[sflag:s22] =	ssyncadd.s32 $0xFFFFC000  }
0x2c: {  	[spmem:s11] =	stream.linear.scatter [tilespmem:s21], [sflag:$0x2], $0x4000, $0x38;
	[tilespmem:$0x1FE00] =	vst v63  }
0x2d: {  	_ =	swait.ge [sflag:s22], $0x4000  }
0x2e: {  	[sflag:s22] =	ssyncset.done $0x0  }
0x2f: {  	[sflag:s22] =	ssyncadd.s32 $0xFFFFC000  }
0x30: {  	[spmem:s12] =	stream.linear.scatter [tilespmem:s21], [sflag:$0x2], $0x3C00, $0x38;
	[tilespmem:$0x1FE00] =	vst v63  }
.Ltmp2:
0x31: {  	_ =	swait.ge [sflag:s22], $0x3C00;
	(pc) =	sbr.rel @!p0 .LBB2_2-.Ltmp2, $3  }
0x32: {  	[sflag:s22] =	ssyncset.done $0x0  }
0x33: {  	[sflag:s22] =	ssyncadd.s32 $0xFFFFC400  }
0x34: {  	[bflag:$0x0] =	sbarrier.arrive $0xFFFF;
	_ =	sdelay $0x1  }
0x35: {  	s0 =	sadd.s32 $0x0, s20  }
0x36: {  	[tilespmem:s4], [sflag:$0x2] =	stream.linear.gather [hbm4b:s0+s4], $0x80, $0x38;
	[tilespmem:$0x1FE00] =	vst v63  }
0x37: {  	_ =	swait.ge [sflag:s22], $0x80  }
0x38: {  	[sflag:s22] =	ssyncset.done $0x0  }
0x39: {  	s14 =	sadd.s32 $0x0, s19;
	[sflag:s22] =	ssyncadd.s32 $0xFFFFFF80  }
0x3a: {  	[tilespmem:s23], [sflag:$0x2] =	stream.linear.gather [hbm4b:s14+s4], $0x80, $0x38;
	[tilespmem:$0x1FE00] =	vst v63  }
0x3b: {  	_ =	swait.ge [sflag:s22], $0x80  }
0x3c: {  	[sflag:s22] =	ssyncset.done $0x0  }
0x3d: {  	[sflag:s22] =	ssyncadd.s32 $0xFFFFFF80  }
0x3e: {  	[tilespmem:s26], [sflag:$0x1] =	stream.indirect.gather [hbm4b:s2+s24], $0x80, s4, s24, $0xb8;
	[tilespmem:$0x1FE00] =	vst v63  }
0x3f: {  	_ =	swait.ge [sflag:s28], $0x4000  }
0x40: {  	[sflag:s28] =	ssyncset.done $0x0  }
0x41: {  	[sflag:s28] =	ssyncadd.s32 $0xFFFFC000  }
0x42: {  	[spmem:s3] =	stream.indirect.scatter.add.f32 [tilespmem:s26], [sflag:$0x2], $0x80, s23, s24, $0xb8;
	[tilespmem:$0x1FE00] =	vst v63  }
0x43: {  	_ =	swait.ge [sflag:s22], $0x4000  }
0x44: {  	s30 =	simm.s32 $0x10;
	s31 =	simm.s32 $0x20;
	[sflag:s22] =	ssyncset.done $0x0  }
.LBB2_6:
0x45: {  	s0 =	sadd.s32 s30, s20  }
0x46: {  	[sflag:s22] =	ssyncadd.s32 $0xFFFFC000;
	s6 =	smov.u32 s31;
	s14 =	sadd.s32 $0x10, s31  }
0x47: {  	[tilespmem:s4], [sflag:$0x2] =	stream.linear.gather [hbm4b:s0+s4], $0x80, $0x38;
	[tilespmem:$0x1FE00] =	vst v63  }
0x48: {  	p3 =	sne.s32 s31, $0x4F0;
	_ =	swait.ge [sflag:s22], $0x80  }
0x49: {  	[sflag:s22] =	ssyncset.done $0x0  }
0x4a: {  	s0 =	sadd.s32 s30, s19;
	s30 =	smov.u32 s6;
	[sflag:s22] =	ssyncadd.s32 $0xFFFFFF80  }
0x4b: {  	[tilespmem:s23], [sflag:$0x2] =	stream.linear.gather [hbm4b:s0+s4], $0x80, $0x38;
	[tilespmem:$0x1FE00] =	vst v63  }
0x4c: {  	_ =	swait.ge [sflag:s22], $0x80  }
0x4d: {  	[sflag:s22] =	ssyncset.done $0x0  }
0x4e: {  	[sflag:s22] =	ssyncadd.s32 $0xFFFFFF80  }
0x4f: {  	[tilespmem:s26], [sflag:$0x1] =	stream.indirect.gather [hbm4b:s2+s24], $0x80, s4, s24, $0xb8;
	[tilespmem:$0x1FE00] =	vst v63  }
0x50: {  	_ =	swait.ge [sflag:s28], $0x4000  }
.Ltmp3:
0x51: {  	[sflag:s28] =	ssyncset.done $0x0;
	(pc) =	sbr.rel @p3 .LBB2_6-.Ltmp3, $4  }
0x52: {  	[sflag:s28] =	ssyncadd.s32 $0xFFFFC000  }
0x53: {  	[spmem:s3] =	stream.indirect.scatter.add.f32 [tilespmem:s26], [sflag:$0x2], $0x80, s23, s24, $0xb8;
	[tilespmem:$0x1FE00] =	vst v63  }
0x54: {  	_ =	swait.ge [sflag:s22], $0x4000  }
0x55: {  	s31 =	smov.u32 s14;
	[sflag:s22] =	ssyncset.done $0x0  }
0x56: {  	s0 =	sadd.s32 s30, s20;
	[sflag:s22] =	ssyncadd.s32 $0xFFFFC000  }
0x57: {  	[tilespmem:s4], [sflag:$0x2] =	stream.linear.gather [hbm4b:s0+s4], $0x80, $0x38;
	[tilespmem:$0x1FE00] =	vst v63  }
0x58: {  	_ =	swait.ge [sflag:s22], $0x80  }
0x59: {  	[sflag:s22] =	ssyncset.done $0x0  }
0x5a: {  	s14 =	sadd.s32 s30, s19;
	[sflag:s22] =	ssyncadd.s32 $0xFFFFFF80  }
0x5b: {  	[tilespmem:s23], [sflag:$0x2] =	stream.linear.gather [hbm4b:s14+s4], $0x80, $0x38;
	[tilespmem:$0x1FE00] =	vst v63  }
0x5c: {  	_ =	swait.ge [sflag:s22], $0x80  }
0x5d: {  	[sflag:s22] =	ssyncset.done $0x0  }
0x5e: {  	[sflag:s22] =	ssyncadd.s32 $0xFFFFFF80  }
0x5f: {  	[tilespmem:s26], [sflag:$0x1] =	stream.indirect.gather [hbm4b:s2+s24], $0x80, s4, s24, $0xb8;
	[tilespmem:$0x1FE00] =	vst v63  }
0x60: {  	_ =	swait.ge [sflag:s28], $0x4000  }
0x61: {  	[sflag:s28] =	ssyncset.done $0x0  }
0x62: {  	[sflag:s28] =	ssyncadd.s32 $0xFFFFC000  }
0x63: {  	[spmem:s3] =	stream.indirect.scatter.add.f32 [tilespmem:s26], [sflag:$0x2], $0x80, s23, s24, $0xb8;
	[tilespmem:$0x1FE00] =	vst v63  }
0x64: {  	_ =	swait.ge [sflag:s22], $0x4000  }
0x65: {  	[sflag:s22] =	ssyncset.done $0x0  }
0x66: {  	s6 =	sshll.u32 s1, $0x6;
	[sflag:s22] =	ssyncadd.s32 $0xFFFFC000  }
0x67: {  	s30 =	sor.u32 $0x1C02, s6;
	s14 =	sshrl.u32 s13, $0x3;
	[bflag:$0x0] =	sbarrier.arrive $0xFFFF  }
0x68: {  	[hbm:s15], [sflag:s30] =	dma.local [spmem:s14], $0x2700  }
.Ltmp4:
0x69: {  	_ = 	snop;
	(pc) =	sbr.rel @p1 .LBB2_9-.Ltmp4, $4  }
.Ltmp5:
0x6a: {  	_ = 	snop;
	(pc) =	sbr.rel @!p1 .LBB2_8-.Ltmp5, $4  }
0x6b: {  	_ =	swait.ge [sflag:s22], $0x2700  }
0x6c: {  	[sflag:s22] =	ssyncset.done $0x0  }
0x6d: {  	s31 =	smov.u32 s7;
	[sflag:s22] =	ssyncadd.s32 $0xFFFFD900  }
0x6e: {  	_ = 	snop  }
.LBB2_2:
0x6f: {  	s30 =	sadd.s32 $0x0, s18  }
0x70: {  	[tilespmem:s4], [sflag:$0x2] =	stream.linear.gather [hbm4b:s30+s4], $0x80, $0x38;
	[tilespmem:$0x1FE00] =	vst v63  }
0x71: {  	_ =	swait.ge [sflag:s22], $0x80  }
0x72: {  	[sflag:s22] =	ssyncset.done $0x0  }
0x73: {  	s30 =	sadd.s32 $0x0, s17;
	[sflag:s22] =	ssyncadd.s32 $0xFFFFFF80  }
0x74: {  	[tilespmem:s23], [sflag:$0x2] =	stream.linear.gather [hbm4b:s30+s4], $0x80, $0x38;
	[tilespmem:$0x1FE00] =	vst v63  }
0x75: {  	_ =	swait.ge [sflag:s22], $0x80  }
0x76: {  	[sflag:s22] =	ssyncset.done $0x0  }
0x77: {  	[sflag:s22] =	ssyncadd.s32 $0xFFFFFF80  }
0x78: {  	[tilespmem:s26], [sflag:$0x1] =	stream.indirect.gather [hbm4b:s2+s24], $0x80, s4, s24, $0xb8;
	[tilespmem:$0x1FE00] =	vst v63  }
0x79: {  	_ =	swait.ge [sflag:s28], $0x4000  }
0x7a: {  	[sflag:s28] =	ssyncset.done $0x0  }
0x7b: {  	[sflag:s28] =	ssyncadd.s32 $0xFFFFC000  }
0x7c: {  	[spmem:s3] =	stream.indirect.scatter.add.f32 [tilespmem:s26], [sflag:$0x2], $0x80, s23, s24, $0xb8;
	[tilespmem:$0x1FE00] =	vst v63  }
0x7d: {  	_ =	swait.ge [sflag:s22], $0x4000  }
0x7e: {  	s31 =	simm.s32 $0x20;
	s30 =	simm.s32 $0x10;
	[sflag:s22] =	ssyncset.done $0x0  }
.LBB2_3:
0x7f: {  	s0 =	sadd.s32 s30, s18  }
0x80: {  	[sflag:s22] =	ssyncadd.s32 $0xFFFFC000;
	s14 =	smov.u32 s31;
	s6 =	sadd.s32 $0x10, s31  }
0x81: {  	[tilespmem:s4], [sflag:$0x2] =	stream.linear.gather [hbm4b:s0+s4], $0x80, $0x38;
	[tilespmem:$0x1FE00] =	vst v63  }
0x82: {  	p3 =	sne.s32 s31, $0x4F0;
	_ =	swait.ge [sflag:s22], $0x80  }
0x83: {  	[sflag:s22] =	ssyncset.done $0x0  }
0x84: {  	s0 =	sadd.s32 s30, s17;
	s30 =	smov.u32 s14;
	[sflag:s22] =	ssyncadd.s32 $0xFFFFFF80  }
0x85: {  	[tilespmem:s23], [sflag:$0x2] =	stream.linear.gather [hbm4b:s0+s4], $0x80, $0x38;
	[tilespmem:$0x1FE00] =	vst v63  }
0x86: {  	_ =	swait.ge [sflag:s22], $0x80  }
0x87: {  	[sflag:s22] =	ssyncset.done $0x0  }
0x88: {  	[sflag:s22] =	ssyncadd.s32 $0xFFFFFF80  }
0x89: {  	[tilespmem:s26], [sflag:$0x1] =	stream.indirect.gather [hbm4b:s2+s24], $0x80, s4, s24, $0xb8;
	[tilespmem:$0x1FE00] =	vst v63  }
0x8a: {  	_ =	swait.ge [sflag:s28], $0x4000  }
.Ltmp6:
0x8b: {  	[sflag:s28] =	ssyncset.done $0x0;
	(pc) =	sbr.rel @p3 .LBB2_3-.Ltmp6, $4  }
0x8c: {  	[sflag:s28] =	ssyncadd.s32 $0xFFFFC000  }
0x8d: {  	[spmem:s3] =	stream.indirect.scatter.add.f32 [tilespmem:s26], [sflag:$0x2], $0x80, s23, s24, $0xb8;
	[tilespmem:$0x1FE00] =	vst v63  }
0x8e: {  	_ =	swait.ge [sflag:s22], $0x4000  }
0x8f: {  	s31 =	smov.u32 s6;
	[sflag:s22] =	ssyncset.done $0x0  }
0x90: {  	s0 =	sadd.s32 s30, s18;
	[sflag:s22] =	ssyncadd.s32 $0xFFFFC000  }
0x91: {  	[tilespmem:s4], [sflag:$0x2] =	stream.linear.gather [hbm4b:s0+s4], $0x80, $0x38;
	[tilespmem:$0x1FE00] =	vst v63  }
0x92: {  	_ =	swait.ge [sflag:s22], $0x80  }
0x93: {  	[sflag:s22] =	ssyncset.done $0x0  }
0x94: {  	s14 =	sadd.s32 s30, s17;
	[sflag:s22] =	ssyncadd.s32 $0xFFFFFF80  }
0x95: {  	[tilespmem:s23], [sflag:$0x2] =	stream.linear.gather [hbm4b:s14+s4], $0x80, $0x38;
	[tilespmem:$0x1FE00] =	vst v63  }
0x96: {  	_ =	swait.ge [sflag:s22], $0x80  }
0x97: {  	[sflag:s22] =	ssyncset.done $0x0  }
0x98: {  	[sflag:s22] =	ssyncadd.s32 $0xFFFFFF80  }
0x99: {  	[tilespmem:s26], [sflag:$0x1] =	stream.indirect.gather [hbm4b:s2+s24], $0x80, s4, s24, $0xb8;
	[tilespmem:$0x1FE00] =	vst v63  }
0x9a: {  	_ =	swait.ge [sflag:s28], $0x4000  }
0x9b: {  	[sflag:s28] =	ssyncset.done $0x0  }
0x9c: {  	[sflag:s28] =	ssyncadd.s32 $0xFFFFC000  }
0x9d: {  	[spmem:s3] =	stream.indirect.scatter.add.f32 [tilespmem:s26], [sflag:$0x2], $0x80, s23, s24, $0xb8;
	[tilespmem:$0x1FE00] =	vst v63  }
0x9e: {  	_ =	swait.ge [sflag:s22], $0x4000  }
0x9f: {  	[sflag:s22] =	ssyncset.done $0x0  }
0xa0: {  	[sflag:s22] =	ssyncadd.s32 $0xFFFFC000  }
0xa1: {  	s6 =	sshll.u32 s1, $0x6;
	[bflag:$0x0] =	sbarrier.arrive $0xFFFF  }
0xa2: {  	s30 =	sor.u32 $0x1C02, s6;
	s14 =	sshrl.u32 s13, $0x3;
	s6 =	rddreg [dreg:$0x5]  }
0xa3: {  	[hbm:s6], [sflag:s30] =	dma.local [spmem:s14], $0x2700  }
.Ltmp7:
0xa4: {  	_ = 	snop;
	(pc) =	sbr.rel @p2 .LBB2_8-.Ltmp7, $4  }
.Ltmp8:
0xa5: {  	_ = 	snop;
	(pc) =	sbr.rel @!p2 .LBB2_9-.Ltmp8, $4  }
0xa6: {  	_ =	swait.ge [sflag:s22], $0x2700  }
0xa7: {  	[sflag:s22] =	ssyncset.done $0x0  }
0xa8: {  	s31 =	rddreg [dreg:$0x4];
	[sflag:s22] =	ssyncadd.s32 $0xFFFFD900  }
0xa9: {  	_ = 	snop  }
.LBB2_10:
0xaa: {  	_ =	sfence.sel $0x180000  }
0xab: {  	[bflag:$0x0] =	sbarrier.arrive $0xFFFF  }
0xac: {  	_ =	strace $0x9000004D  }
0xad: {  	[bflag:$0x2] =	sbarrier.arrive $0xFFFF  }
0xae: {  	p0 =	sne.s32 s1, $0x0;
	s0 =	rddreg [dreg:$0x3]  }
0xaf: {  	s0 =	sadd.s32 @!p0 $0x100000, s0  }
0xb0: {  	[sflag:s0] =	ssyncadd.tile.s32 @!p0 $0x1;
	_ =	shalt  }
.Lfunc_end2:
_tile_overlayer_lowered:
.L_overlay_start_2:
0xb1: {  	(tag) =	ssettag $0x2  }
0xb2: {  	s0 =	rddreg [dreg:$0x0];
	s2 =	stileid.u32  }
0xb3: {  	s1 =	rddreg [dreg:$0x1];
	p0 =	sne.s32 s2, $0x0  }
0xb4: {  	s3 =	rddreg [dreg:$0x2];
	[bflag:$0x3] =	sbarrier.arrive $0xFFFF;
	s2 =	simm.s32 @!p0 $0x1C02  }
0xb5: {  	[timem:s3], [sflag:s2] =	dma.local @!p0 [hbm:s0], s1  }
0xb6: {  	s0 =	simm.s32 @!p0 $0x2  }
0xb7: {  	_ =	swait.ge @!p0 [sflag:s0], s1  }
0xb8: {  	s1 =	ssub.s32 @!p0 $0x0, s1;
	[sflag:s0] =	ssyncset.done @!p0 $0x0  }
0xb9: {  	[sflag:s0] =	ssyncadd.s32 @!p0 s1  }
0xba: {  	[bflag:$0x3] =	sbarrier.arrive $0xFFFF  }
0xbb: {  	_ =	shalt  }

// kernel: kernel.8.cloned.1.call-start
scs
__scs_entry_jumppad:
0x0: {  	(pc) =	sbr.rel $0x88, $3  }
0x1: {  	(tag) =	ssettag $0x0;
	lr =	simm.s32 $0x1  }
0x2: {  	[smem:$0x3F9B] =	sst lr;
	_ =	strace $0xD0000000  }
0x3: {  	_ = 	snop  }
0x4: {  	_ = 	snop  }
0x5: {  	_ = 	snop  }
0x6: {  	_ = 	snop  }
0x7: {  	_ = 	snop  }
__scs_overlays_trampoline_lowered:
0x8: {  	[smem:$0x3FAA] =	sst s0  }
0x9: {  	[smem:$0x3FAB] =	sst s1  }
0xa: {  	[smem:$0x3FAC] =	sst s2  }
0xb: {  	[smem:$0x3FAD] =	sst s3  }
0xc: {  	[smem:$0x3FAE] =	sst s4  }
0xd: {  	[smem:$0x3FAF] =	sst s5  }
0xe: {  	[smem:$0x3FB0] =	sst s6  }
0xf: {  	[smem:$0x3FB1] =	sst s7  }
0x10: {  	[smem:$0x3FB2] =	sst s8  }
0x11: {  	[smem:$0x3FB3] =	sst s9;
	s0 =	simm.s32 @!p0 $0x0  }
0x12: {  	s1 =	sld [smem:$0x3F99];
	s0 =	simm.s32 @p0 $0x1  }
0x13: {  	[smem:$0x3FB4] =	sst s0;
	s0 =	simm.s32 @!p1 $0x0  }
0x14: {  	s2 =	sld [smem:$0x3F98];
	s0 =	simm.s32 @p1 $0x1  }
0x15: {  	[smem:$0x3FB5] =	sst s0;
	s0 =	simm.s32 @!p2 $0x0  }
0x16: {  	s3 =	sld [smem:$0x3FDB];
	s0 =	simm.s32 @p2 $0x1  }
0x17: {  	s4 =	simm.s32 $0x1BF5;
	[smem:$0x3FB7] =	sst s0  }
0x18: {  	s0 =	sld [smem:$0x3F9A];
	_ =	swait.ge [sflag:s4], $0x0  }
0x19: {  	s7 =	sld [smem:$0x3F9B]  }
0x1a: {  	s8 =	sadd.s32 $0xFFFFE003, lr  }
0x1b: {  	s9 =	sadd.s32 $0xFFFFFEF7, lr;
	s5 =	simm.s32 $0xFFFFFFFF;
	p2 =	slt.u32 s8, $0xFFFFF086  }
0x1c: {  	p1 =	slt.u32 s9, $0xF7A;
	s5 =	simm.s32 @!p2 $0x0  }
0x1d: {  	s5 =	simm.s32 @p1 $0x1;
	p0 =	seq.s32 s7, s2  }
0x1e: {  	s7 =	smul.u32 @!p0 $0xF7A, s2;
	p2 =	seq.s32 @!p0 s5, $0x0  }
0x1f: {  	s9 =	smul.u32 $0xF7A, s1;
	s8 =	simm.s32 @!p0 $0x1BF5;
	p2 =	por !p2, p0  }
0x20: {  	[sflag:s8] =	ssyncset.s32 @!p0 $0xFFFFF086;
	s6 =	sadd.s32 @!p0 s3, s7;
	s7 =	simm.s32 @!p0 $0x108  }
0x21: {  	s3 =	sadd.s32 s3, s9;
	s6 =	sadd.s32 @!p0 $0x88, s6;
	s7 =	simm.s32 @p2 $0x1082  }
0x22: {  	[simem:s7], [sflag:s8] =	dma.local @!p0 [hbm:s6], $0xF7A  }
0x23: {  	s9 =	sor.u32 $0xD0000000, s2;
	s6 =	simm.s32 $0x108;
	_ =	swait.ge @!p0 [sflag:s8], $0x0  }
0x24: {  	s3 =	sadd.s32 $0x88, s3;
	s6 =	simm.s32 @!p1 $0x1082;
	[sflag:s4] =	ssyncset.s32 $0xFFFFF086  }
0x25: {  	[simem:s6], [sflag:s4] =	dma.local [hbm:s3], $0xF7A  }
0x26: {  	[smem:$0x3F9B] =	sst s1;
	(tag) =	ssettag s2;
	_ =	strace s9  }
0x27: {  	s1 =	sld [smem:$0x3FAB]  }
0x28: {  	s2 =	sld [smem:$0x3FAC]  }
0x29: {  	s4 =	sld [smem:$0x3FAE]  }
0x2a: {  	p0 =	seq.s32 s5, $0x0;
	s5 =	sld [smem:$0x3FAF]  }
0x2b: {  	s6 =	sld [smem:$0x3FB0]  }
0x2c: {  	s7 =	sld [smem:$0x3FB1]  }
0x2d: {  	s3 =	simm.s32 $0x108;
	s8 =	sld [smem:$0x3FB2]  }
0x2e: {  	s3 =	simm.s32 @!p0 $0x1082;
	s9 =	sld [smem:$0x3FB3]  }
0x2f: {  	lr =	sadd.s32 s0, s3;
	s0 =	sld [smem:$0x3FAA]  }
0x30: {  	s3 =	sld [smem:$0x3FAD]  }
0x31: {  	[smem:$0x3FB6] =	sst s10  }
0x32: {  	s10 =	sld [smem:$0x3FB4];
	_ =	sdelay $0x3  }
0x33: {  	p0 =	seq.s32 s10, $0x1;
	s10 =	sld [smem:$0x3FB6];
	_ =	sdelay $0x3  }
0x34: {  	[smem:$0x3FB6] =	sst s10  }
0x35: {  	s10 =	sld [smem:$0x3FB5];
	_ =	sdelay $0x3  }
0x36: {  	p1 =	seq.s32 s10, $0x1;
	s10 =	sld [smem:$0x3FB6];
	_ =	sdelay $0x3  }
0x37: {  	[smem:$0x3FB6] =	sst s10  }
0x38: {  	s10 =	sld [smem:$0x3FB7]  }
0x39: {  	_ = 	snop;
	(pc) =	sbr.ind lr, $3  }
0x3a: {  	_ = 	snop  }
0x3b: {  	_ = 	snop  }
0x3c: {  	p2 =	seq.s32 s10, $0x1;
	s10 =	sld [smem:$0x3FB6]  }
0x3d: {  	_ =	shalt  }
0x3e: {  	_ =	shalt  }
0x3f: {  	_ =	shalt  }
0x40: {  	_ =	shalt  }
0x41: {  	_ =	shalt  }
0x42: {  	_ =	shalt  }
0x43: {  	_ =	shalt  }
0x44: {  	_ =	shalt  }
0x45: {  	_ =	shalt  }
0x46: {  	_ =	shalt  }
0x47: {  	_ =	shalt  }
0x48: {  	_ =	shalt  }
0x49: {  	_ =	shalt  }
0x4a: {  	_ =	shalt  }
0x4b: {  	_ =	shalt  }
0x4c: {  	_ =	shalt  }
0x4d: {  	_ =	shalt  }
0x4e: {  	_ =	shalt  }
0x4f: {  	_ =	shalt  }
0x50: {  	_ =	shalt  }
0x51: {  	_ =	shalt  }
0x52: {  	_ =	shalt  }
0x53: {  	_ =	shalt  }
0x54: {  	_ =	shalt  }
0x55: {  	_ =	shalt  }
0x56: {  	_ =	shalt  }
0x57: {  	_ =	shalt  }
0x58: {  	_ =	shalt  }
0x59: {  	_ =	shalt  }
0x5a: {  	_ =	shalt  }
0x5b: {  	_ =	shalt  }
0x5c: {  	_ =	shalt  }
0x5d: {  	_ =	shalt  }
0x5e: {  	_ =	shalt  }
0x5f: {  	_ =	shalt  }
0x60: {  	_ =	shalt  }
0x61: {  	_ =	shalt  }
0x62: {  	_ =	shalt  }
0x63: {  	_ =	shalt  }
0x64: {  	_ =	shalt  }
0x65: {  	_ =	shalt  }
0x66: {  	_ =	shalt  }
0x67: {  	_ =	shalt  }
0x68: {  	_ =	shalt  }
0x69: {  	_ =	shalt  }
0x6a: {  	_ =	shalt  }
0x6b: {  	_ =	shalt  }
0x6c: {  	_ =	shalt  }
0x6d: {  	_ =	shalt  }
0x6e: {  	_ =	shalt  }
0x6f: {  	_ =	shalt  }
0x70: {  	_ =	shalt  }
0x71: {  	_ =	shalt  }
0x72: {  	_ =	shalt  }
0x73: {  	_ =	shalt  }
0x74: {  	_ =	shalt  }
0x75: {  	_ =	shalt  }
0x76: {  	_ =	shalt  }
0x77: {  	_ =	shalt  }
0x78: {  	_ =	shalt  }
0x79: {  	_ =	shalt  }
0x7a: {  	_ =	shalt  }
0x7b: {  	_ =	shalt  }
0x7c: {  	_ =	shalt  }
0x7d: {  	_ =	shalt  }
0x7e: {  	_ =	shalt  }
0x7f: {  	_ =	shalt  }
0x80: {  	_ =	shalt  }
0x81: {  	_ =	shalt  }
0x82: {  	_ =	shalt  }
0x83: {  	_ =	shalt  }
0x84: {  	_ =	shalt  }
0x85: {  	_ =	shalt  }
0x86: {  	_ =	shalt  }
0x87: {  	_ =	shalt  }
.Lfunc_end0:
.L_simem_size_0:
called_computation_lowered:
.L_overlay_start_0:
0x88: {  	s2 =	sld [smem:$0x3FD9]  }
0x89: {  	s3 =	sld [smem:$0x3FFE];
	_ =	sdelay $0x1  }
0x8a: {  	s1 =	srdreg.scid  }
0x8b: {  	s0 =	sand.u32 $0x1, s1  }
0x8c: {  	s17 =	sshll.u32 s0, $0xA;
	s2 =	sadd.s32 s3, s2  }
0x8d: {  	s2 =	sadd.s32 s2, s17  }
0x8e: {  	[smem:$0x3FC2] =	sst s2  }
0x8f: {  	_ = 	snop  }
0x90: {  	s2 =	sld [smem:$0x3FD0];
	(tm) =	ssettm $0x1  }
0x91: {  	s18 =	sld [smem:$0x3FFB];
	_ =	sdelay $0x3  }
0x92: {  	_ =	strace s18  }
0x93: {  	s3 =	sld [smem:$0x3FFC];
	_ =	sdelay $0x3  }
0x94: {  	_ =	strace s3  }
0x95: {  	s3 =	sld [smem:$0x3FFD];
	_ =	sdelay $0x3  }
0x96: {  	_ =	strace s3  }
0x97: {  	_ =	strace $0x8FFFFFFF  }
0x98: {  	s19 =	sld [smem:$0x3FDB];
	_ =	sdelay $0x1  }
0x99: {  	s4 =	simm.s32 $_scs_section_size  }
0x9a: {  	s5 =	simm.s32 $_size__tile_overlayer_lowered;
	s6 =	simm.s32 $_tile_overlayer_lowered  }
0x9b: {  	s22 =	simm.s32 $0x1BFF;
	s21 =	sshll.u32 s6, $0x1;
	s3 =	sadd.s32 s4, s19  }
0x9c: {  	s7 =	simm.s32 $0x0;
	s20 =	sshll.u32 s5, $0x1;
	s5 =	sadd.s32 s21, s3  }
0x9d: {  	[timem:s7], [sflag:s22] =	dma.local [hbm:s5], s20  }
0x9e: {  	_ =	swait.ge [sflag:s22], s20  }
0x9f: {  	s4 =	ssub.s32 $0x0, s20;
	[sflag:s22] =	ssyncset.done $0x0  }
0xa0: {  	[sflag:s22] =	ssyncadd.s32 s4;
	_ =	sdelay $0x1  }
0xa1: {  	s23 =	simm.s32 $0x1B8B  }
0xa2: {  	_ =	swait.ge [sflag:s23], $0x1  }
0xa3: {  	[sflag:s23] =	ssyncset.done $0x0  }
0xa4: {  	s25 =	simm.s32 $0x1B8E;
	s24 =	sld [smem:$0x3FFE];
	[sflag:s23] =	ssyncadd.s32 $0xFFFFFFFF  }
0xa5: {  	s26 =	simm.s32 $execute0_lowered;
	[smem:$0x3FD2] =	sst s25  }
0xa6: {  	s5 =	sshll.u32 s26, $0x1;
	_ =	strace $0x80000046;
	[dreg:$0x1] =	wrdreg $0xFFFFFFFF  }
0xa7: {  	s28 =	simm.s32 $_size_execute0_lowered;
	s3 =	sadd.s32 s3, s5;
	[dreg:$0x0] =	wrdreg $0x0  }
0xa8: {  	s5 =	sshll.u32 s28, $0x1;
	[dreg:$0x2] =	wrdreg s3  }
0xa9: {  	[dreg:$0x3] =	wrdreg s5  }
0xaa: {  	[dreg:$0x4] =	wrdreg $0xC0  }
0xab: {  	_ =	task [dreg:s7], $0x5FFFF  }
0xac: {  	[dreg:$0x1] =	wrdreg $0xFFFFFFFF  }
0xad: {  	[dreg:$0x0] =	wrdreg $0x60  }
0xae: {  	[dreg:$0x2] =	wrdreg s24  }
0xaf: {  	[dreg:$0x3] =	wrdreg s2  }
0xb0: {  	[dreg:$0x4] =	wrdreg $0x44000  }
0xb1: {  	[dreg:$0x5] =	wrdreg $0x9  }
0xb2: {  	_ =	task.clear_ibuf [dreg:s7], $0x6FFFF;
	_ =	strace $0x90000046  }
0xb3: {  	s29 =	simm.s32 $0x9;
	_ =	strace $0x80000048  }
0xb4: {  	_ =	swait.ge [sflag:s29], $0x1  }
0xb5: {  	[sflag:s29] =	ssyncadd.s32 $0xFFFFFFFF  }
0xb6: {  	_ =	strace $0x90000048  }
0xb7: {  	_ =	sfence  }
0xb8: {  	s30 =	sld [smem:$0x0];
	_ =	sdelay $0x2  }
0xb9: {  	s31 =	sshll.u32 s1, $0xD;
	s1 =	sshrl.u32 s1, $0x2  }
0xba: {  	s3 =	sand.u32 $0x4000, s31;
	s1 =	sadd.s32 s1, s30  }
0xbb: {  	s0 =	sor.u32 s3, s0;
	s1 =	sshll.u32 s1, $0x11  }
0xbc: {  	s0 =	sor.u32 s1, s0  }
0xbd: {  	s0 =	sadd.s32 $0x8F2B, s0  }
0xbe: {  	[sflag:s0] =	ssyncadd.remote.s32 $0x1  }
0xbf: {  	_ =	sfence.sel $0xFFFF  }
0xc0: {  	[dreg:$0x0] =	wrdreg $0xFFFFFFFF;
	(pc) =	sbr.abs _section_cstart, $3  }
0xc1: {  	[dreg:$0x1] =	wrdreg $0xFFFFFFFF  }
0xc2: {  	_ =	task.clear_ibuf [dreg:s7], $0x2FFFF;
	_ =	strace $0x9FFFFFFF  }
0xc3: {  	(tm) =	ssettm $0x7FFFFFFF  }
tec
execute0_lowered:
.L_overlay_start_1:
0x0: {  	(tag) =	ssettag $0x1  }
0x1: {  	s7 =	rddreg [dreg:$0x0]  }
0x2: {  	s2 =	rddreg [dreg:$0x1]  }
0x3: {  	s3 =	rddreg [dreg:$0x2]  }
0x4: {  	s1 =	stileid.u32;
	s0 =	rddreg [dreg:$0x3];
	s4 =	simm.s32 $0x0  }
0x5: {  	s6 =	srdreg.scid;
	s16 =	simm.s32 $0x4000;
	s17 =	simm.s32 $0x80  }
0x6: {  	s18 =	simm.s32 $0x4080;
	s19 =	simm.s32 $0x4100;
	s20 =	simm.s32 $0x4180  }
0x7: {  	s21 =	simm.s32 $0x4200;
	s22 =	simm.s32 $0x4280;
	s5 =	smul.u32 $0xA00, s1  }
0x8: {  	s23 =	simm.s32 $0x4300;
	s24 =	simm.s32 $0x4380;
	s8 =	smul.u32 $0x4F000, s1  }
0x9: {  	s26 =	simm.s32 $0x0;
	[smem:$0x7FF] =	sst s4;
	s13 =	smul.u32 $0x4E000, s1  }
0xa: {  	s9 =	sand.u32 $0x1, s6;
	s6 =	sadd.s32 $0x18000, s7;
	s15 =	smul.u32 $0x2700, s1  }
0xb: {  	s29 =	sshll.u32 s1, $0x6;
	s25 =	sadd.s32 $0x138000, s3;
	p1 =	sne.s32 s1, $0xF  }
0xc: {  	p2 =	seq.s32 s1, $0xF;
	_ =	strace $0x80000047;
	s10 =	ssub.s32 $0x2, s9  }
0xd: {  	s31 =	smul.u32 $0x500, s9;
	p0 =	seq.s32 s9, $0x1;
	s25 =	sshrl.u32 s25, $0x3  }
0xe: {  	s11 =	sadd.s32 s5, s7;
	s5 =	sadd.s32 $0x18800, s7;
	s7 =	sadd.s32 $0x1B000, s7  }
.Ltmp0:
0xf: {  	s12 =	sshrl.u32 s10, $0x1;
	s8 =	sshrl.u32 s8, $0x2;
	(pc) =	sbr.rel .LBB2_1-.Ltmp0, $4  }
0x10: {  	s30 =	sshrl.u32 s13, $0x2;
	s12 =	ssub.s32 s10, s12;
	s14 =	sadd.s32 s8, s3  }
0x11: {  	s8 =	sor.u32 $0x1C01, s29;
	s9 =	sadd.s32 s30, s3;
	s10 =	sadd.s32 s2, s15  }
0x12: {  	s13 =	sadd.s32 s31, s11;
	s11 =	sadd.s32 s7, s15;
	s15 =	simm.s32 $0x1  }
0x13: {  	s12 =	smax.u32 s12, $0x1;
	s13 =	sadd.s32 $0x4000, s13;
	s14 =	sshrl.u32 s14, $0x3  }
.LBB2_6:
0x14: {  	s28 =	sadd.s32 $0x27000, s28  }
0x15: {  	[hbm:s28], [sflag:s8] =	dma.local [spmem:s25], $0x100  }
0x16: {  	_ =	swait.ge [sflag:s15], $0x100  }
0x17: {  	[sflag:s15] =	ssyncset.done $0x0  }
0x18: {  	[sflag:s15] =	ssyncadd.s32 $0xFFFFFF00  }
.LBB2_7:
0x19: {  	s26 =	sadd.s32 $0x1, s26  }
0x1a: {  	p3 =	sne.s32 s26, s12  }
.Ltmp1:
0x1b: {  	_ = 	snop;
	(pc) =	sbr.rel @!p3 .LBB2_8-.Ltmp1, $1  }
0x1c: {  	_ =	sdelay $0x3  }
.LBB2_1:
0x1d: {  	[spmem:s14], [sflag:s8] =	dma.local [hbm:s5], $0x2780  }
0x1e: {  	_ =	swait.ge [sflag:s15], $0x2780  }
0x1f: {  	[sflag:s15] =	ssyncset.done $0x0  }
0x20: {  	[sflag:s15] =	ssyncadd.s32 $0xFFFFD880  }
0x21: {  	[tilespmem:s4], [sflag:$0x1] =	stream.linear.gather [hbm4b:s6+s4], $0x4000, $0x38;
	[tilespmem:$0x6B80] =	vst v63  }
0x22: {  	_ =	swait.ge [sflag:s15], $0x4000  }
0x23: {  	[sflag:s15] =	ssyncset.done $0x0  }
0x24: {  	[sflag:s15] =	ssyncadd.s32 $0xFFFFC000  }
0x25: {  	s28 =	sadd.s32 $0x0, s13;
	[bflag:$0x0] =	sbarrier.arrive $0xFFFF  }
0x26: {  	[tilespmem:s16], [sflag:$0x1] =	stream.linear.gather [hbm4b:s28+s4], $0x400, $0x38;
	[tilespmem:$0x6B80] =	vst v63  }
0x27: {  	_ =	swait.ge [sflag:s15], $0x400  }
0x28: {  	[sflag:s15] =	ssyncset.done $0x0  }
0x29: {  	[sflag:s15] =	ssyncadd.s32 $0xFFFFFC00  }
0x2a: {  	[spmem:s3] =	stream.indirect.scatter.add.f32 [tilespmem:s4], [sflag:$0x1], $0x10, s16, s17, $0xb8;
	[tilespmem:$0x6B80] =	vst v63  }
0x2b: {  	_ =	swait.ge [sflag:s15], $0x800  }
0x2c: {  	[sflag:s15] =	ssyncset.done $0x0  }
0x2d: {  	[sflag:s15] =	ssyncadd.s32 $0xFFFFF800  }
0x2e: {  	[spmem:s3] =	stream.indirect.scatter.add.f32 [tilespmem:s4], [sflag:$0x1], $0x10, s18, s17, $0xb8;
	[tilespmem:$0x6B80] =	vst v63  }
0x2f: {  	_ =	swait.ge [sflag:s15], $0x800  }
0x30: {  	[sflag:s15] =	ssyncset.done $0x0  }
0x31: {  	[sflag:s15] =	ssyncadd.s32 $0xFFFFF800  }
0x32: {  	[spmem:s3] =	stream.indirect.scatter.add.f32 [tilespmem:s4], [sflag:$0x1], $0x10, s19, s17, $0xb8;
	[tilespmem:$0x6B80] =	vst v63  }
0x33: {  	_ =	swait.ge [sflag:s15], $0x800  }
0x34: {  	[sflag:s15] =	ssyncset.done $0x0  }
0x35: {  	[sflag:s15] =	ssyncadd.s32 $0xFFFFF800  }
0x36: {  	[spmem:s3] =	stream.indirect.scatter.add.f32 [tilespmem:s4], [sflag:$0x1], $0x10, s20, s17, $0xb8;
	[tilespmem:$0x6B80] =	vst v63  }
0x37: {  	_ =	swait.ge [sflag:s15], $0x800  }
0x38: {  	[sflag:s15] =	ssyncset.done $0x0  }
0x39: {  	[sflag:s15] =	ssyncadd.s32 $0xFFFFF800  }
0x3a: {  	[spmem:s3] =	stream.indirect.scatter.add.f32 [tilespmem:s4], [sflag:$0x1], $0x10, s21, s17, $0xb8;
	[tilespmem:$0x6B80] =	vst v63  }
0x3b: {  	_ =	swait.ge [sflag:s15], $0x800  }
0x3c: {  	[sflag:s15] =	ssyncset.done $0x0  }
0x3d: {  	[sflag:s15] =	ssyncadd.s32 $0xFFFFF800  }
0x3e: {  	[spmem:s3] =	stream.indirect.scatter.add.f32 [tilespmem:s4], [sflag:$0x1], $0x10, s22, s17, $0xb8;
	[tilespmem:$0x6B80] =	vst v63  }
0x3f: {  	_ =	swait.ge [sflag:s15], $0x800  }
0x40: {  	[sflag:s15] =	ssyncset.done $0x0  }
0x41: {  	[sflag:s15] =	ssyncadd.s32 $0xFFFFF800  }
0x42: {  	[spmem:s3] =	stream.indirect.scatter.add.f32 [tilespmem:s4], [sflag:$0x1], $0x10, s23, s17, $0xb8;
	[tilespmem:$0x6B80] =	vst v63  }
0x43: {  	_ =	swait.ge [sflag:s15], $0x800  }
0x44: {  	[sflag:s15] =	ssyncset.done $0x0  }
0x45: {  	[sflag:s15] =	ssyncadd.s32 $0xFFFFF800  }
0x46: {  	[spmem:s3] =	stream.indirect.scatter.add.f32 [tilespmem:s4], [sflag:$0x1], $0x10, s24, s17, $0xb8;
	[tilespmem:$0x6B80] =	vst v63  }
0x47: {  	_ =	swait.ge [sflag:s15], $0x800  }
0x48: {  	s30 =	simm.s32 $0x100;
	s28 =	simm.s32 $0x80;
	[sflag:s15] =	ssyncset.done $0x0  }
.LBB2_2:
0x49: {  	s31 =	sadd.s32 s28, s13  }
0x4a: {  	[sflag:s15] =	ssyncadd.s32 $0xFFFFF800;
	s28 =	smov.u32 s30;
	s29 =	sadd.s32 $0x80, s30  }
0x4b: {  	[tilespmem:s16], [sflag:$0x1] =	stream.linear.gather [hbm4b:s31+s4], $0x400, $0x38;
	[tilespmem:$0x6B80] =	vst v63  }
0x4c: {  	p3 =	sne.s32 s30, $0x480;
	_ =	swait.ge [sflag:s15], $0x400  }
0x4d: {  	[sflag:s15] =	ssyncset.done $0x0  }
0x4e: {  	[sflag:s15] =	ssyncadd.s32 $0xFFFFFC00  }
0x4f: {  	[spmem:s3] =	stream.indirect.scatter.add.f32 [tilespmem:s4], [sflag:$0x1], $0x10, s16, s17, $0xb8;
	[tilespmem:$0x6B80] =	vst v63  }
0x50: {  	_ =	swait.ge [sflag:s15], $0x800  }
0x51: {  	[sflag:s15] =	ssyncset.done $0x0  }
0x52: {  	[sflag:s15] =	ssyncadd.s32 $0xFFFFF800  }
0x53: {  	[spmem:s3] =	stream.indirect.scatter.add.f32 [tilespmem:s4], [sflag:$0x1], $0x10, s18, s17, $0xb8;
	[tilespmem:$0x6B80] =	vst v63  }
0x54: {  	_ =	swait.ge [sflag:s15], $0x800  }
0x55: {  	[sflag:s15] =	ssyncset.done $0x0  }
0x56: {  	[sflag:s15] =	ssyncadd.s32 $0xFFFFF800  }
0x57: {  	[spmem:s3] =	stream.indirect.scatter.add.f32 [tilespmem:s4], [sflag:$0x1], $0x10, s19, s17, $0xb8;
	[tilespmem:$0x6B80] =	vst v63  }
0x58: {  	_ =	swait.ge [sflag:s15], $0x800  }
0x59: {  	[sflag:s15] =	ssyncset.done $0x0  }
0x5a: {  	[sflag:s15] =	ssyncadd.s32 $0xFFFFF800  }
0x5b: {  	[spmem:s3] =	stream.indirect.scatter.add.f32 [tilespmem:s4], [sflag:$0x1], $0x10, s20, s17, $0xb8;
	[tilespmem:$0x6B80] =	vst v63  }
0x5c: {  	_ =	swait.ge [sflag:s15], $0x800  }
0x5d: {  	[sflag:s15] =	ssyncset.done $0x0  }
0x5e: {  	[sflag:s15] =	ssyncadd.s32 $0xFFFFF800  }
0x5f: {  	[spmem:s3] =	stream.indirect.scatter.add.f32 [tilespmem:s4], [sflag:$0x1], $0x10, s21, s17, $0xb8;
	[tilespmem:$0x6B80] =	vst v63  }
0x60: {  	_ =	swait.ge [sflag:s15], $0x800  }
0x61: {  	[sflag:s15] =	ssyncset.done $0x0  }
0x62: {  	[sflag:s15] =	ssyncadd.s32 $0xFFFFF800  }
0x63: {  	[spmem:s3] =	stream.indirect.scatter.add.f32 [tilespmem:s4], [sflag:$0x1], $0x10, s22, s17, $0xb8;
	[tilespmem:$0x6B80] =	vst v63  }
0x64: {  	_ =	swait.ge [sflag:s15], $0x800  }
0x65: {  	[sflag:s15] =	ssyncset.done $0x0  }
0x66: {  	[sflag:s15] =	ssyncadd.s32 $0xFFFFF800  }
0x67: {  	[spmem:s3] =	stream.indirect.scatter.add.f32 [tilespmem:s4], [sflag:$0x1], $0x10, s23, s17, $0xb8;
	[tilespmem:$0x6B80] =	vst v63  }
0x68: {  	_ =	swait.ge [sflag:s15], $0x800  }
.Ltmp2:
0x69: {  	[sflag:s15] =	ssyncset.done $0x0;
	(pc) =	sbr.rel @p3 .LBB2_2-.Ltmp2, $4  }
0x6a: {  	[sflag:s15] =	ssyncadd.s32 $0xFFFFF800  }
0x6b: {  	[spmem:s3] =	stream.indirect.scatter.add.f32 [tilespmem:s4], [sflag:$0x1], $0x10, s24, s17, $0xb8;
	[tilespmem:$0x6B80] =	vst v63  }
0x6c: {  	_ =	swait.ge [sflag:s15], $0x800  }
0x6d: {  	s30 =	smov.u32 s29;
	[sflag:s15] =	ssyncset.done $0x0  }
0x6e: {  	s28 =	sadd.s32 s28, s13;
	[sflag:s15] =	ssyncadd.s32 $0xFFFFF800  }
0x6f: {  	[tilespmem:s16], [sflag:$0x1] =	stream.linear.gather [hbm4b:s28+s4], $0x400, $0x38;
	[tilespmem:$0x6B80] =	vst v63  }
0x70: {  	_ =	swait.ge [sflag:s15], $0x400  }
0x71: {  	[sflag:s15] =	ssyncset.done $0x0  }
0x72: {  	[sflag:s15] =	ssyncadd.s32 $0xFFFFFC00  }
0x73: {  	[spmem:s3] =	stream.indirect.scatter.add.f32 [tilespmem:s4], [sflag:$0x1], $0x10, s16, s17, $0xb8;
	[tilespmem:$0x6B80] =	vst v63  }
0x74: {  	_ =	swait.ge [sflag:s15], $0x800  }
0x75: {  	[sflag:s15] =	ssyncset.done $0x0  }
0x76: {  	[sflag:s15] =	ssyncadd.s32 $0xFFFFF800  }
0x77: {  	[spmem:s3] =	stream.indirect.scatter.add.f32 [tilespmem:s4], [sflag:$0x1], $0x10, s18, s17, $0xb8;
	[tilespmem:$0x6B80] =	vst v63  }
0x78: {  	_ =	swait.ge [sflag:s15], $0x800  }
0x79: {  	[sflag:s15] =	ssyncset.done $0x0  }
0x7a: {  	[sflag:s15] =	ssyncadd.s32 $0xFFFFF800  }
0x7b: {  	[spmem:s3] =	stream.indirect.scatter.add.f32 [tilespmem:s4], [sflag:$0x1], $0x10, s19, s17, $0xb8;
	[tilespmem:$0x6B80] =	vst v63  }
0x7c: {  	_ =	swait.ge [sflag:s15], $0x800  }
0x7d: {  	[sflag:s15] =	ssyncset.done $0x0  }
0x7e: {  	[sflag:s15] =	ssyncadd.s32 $0xFFFFF800  }
0x7f: {  	[spmem:s3] =	stream.indirect.scatter.add.f32 [tilespmem:s4], [sflag:$0x1], $0x10, s20, s17, $0xb8;
	[tilespmem:$0x6B80] =	vst v63  }
0x80: {  	_ =	swait.ge [sflag:s15], $0x800  }
0x81: {  	[sflag:s15] =	ssyncset.done $0x0  }
0x82: {  	[sflag:s15] =	ssyncadd.s32 $0xFFFFF800  }
0x83: {  	[spmem:s3] =	stream.indirect.scatter.add.f32 [tilespmem:s4], [sflag:$0x1], $0x10, s21, s17, $0xb8;
	[tilespmem:$0x6B80] =	vst v63  }
0x84: {  	_ =	swait.ge [sflag:s15], $0x800  }
0x85: {  	[sflag:s15] =	ssyncset.done $0x0  }
0x86: {  	[sflag:s15] =	ssyncadd.s32 $0xFFFFF800  }
0x87: {  	[spmem:s3] =	stream.indirect.scatter.add.f32 [tilespmem:s4], [sflag:$0x1], $0x10, s22, s17, $0xb8;
	[tilespmem:$0x6B80] =	vst v63  }
0x88: {  	_ =	swait.ge [sflag:s15], $0x800  }
0x89: {  	[sflag:s15] =	ssyncset.done $0x0  }
0x8a: {  	[sflag:s15] =	ssyncadd.s32 $0xFFFFF800  }
0x8b: {  	[spmem:s3] =	stream.indirect.scatter.add.f32 [tilespmem:s4], [sflag:$0x1], $0x10, s23, s17, $0xb8;
	[tilespmem:$0x6B80] =	vst v63  }
0x8c: {  	_ =	swait.ge [sflag:s15], $0x800  }
0x8d: {  	[sflag:s15] =	ssyncset.done $0x0  }
0x8e: {  	[sflag:s15] =	ssyncadd.s32 $0xFFFFF800  }
0x8f: {  	[spmem:s3] =	stream.indirect.scatter.add.f32 [tilespmem:s4], [sflag:$0x1], $0x10, s24, s17, $0xb8;
	[tilespmem:$0x6B80] =	vst v63  }
.Ltmp3:
0x90: {  	_ =	swait.ge [sflag:s15], $0x800;
	(pc) =	sbr.rel @!p0 .LBB2_4-.Ltmp3, $4  }
0x91: {  	[sflag:s15] =	ssyncset.done $0x0  }
0x92: {  	[sflag:s15] =	ssyncadd.s32 $0xFFFFF800  }
0x93: {  	[bflag:$0x0] =	sbarrier.arrive $0xFFFF  }
0x94: {  	s28 =	sshrl.u32 s9, $0x3  }
0x95: {  	[hbm:s11], [sflag:s8] =	dma.local [spmem:s28], $0x2700  }
.Ltmp4:
0x96: {  	_ = 	snop;
	(pc) =	sbr.rel @p1 .LBB2_7-.Ltmp4, $4  }
.Ltmp5:
0x97: {  	_ = 	snop;
	(pc) =	sbr.rel @!p1 .LBB2_6-.Ltmp5, $4  }
0x98: {  	_ =	swait.ge [sflag:s15], $0x2700  }
0x99: {  	[sflag:s15] =	ssyncset.done $0x0  }
0x9a: {  	s28 =	smov.u32 s7;
	[sflag:s15] =	ssyncadd.s32 $0xFFFFD900  }
0x9b: {  	_ = 	snop  }
.LBB2_4:
0x9c: {  	[hbm:s10], [sflag:s8] =	dma.local [spmem:s28], $0x2700  }
.Ltmp6:
0x9d: {  	_ = 	snop;
	(pc) =	sbr.rel @p2 .LBB2_6-.Ltmp6, $4  }
.Ltmp7:
0x9e: {  	_ = 	snop;
	(pc) =	sbr.rel @!p2 .LBB2_7-.Ltmp7, $4  }
0x9f: {  	_ =	swait.ge [sflag:s15], $0x2700  }
0xa0: {  	[sflag:s15] =	ssyncset.done $0x0  }
0xa1: {  	s28 =	smov.u32 s2;
	[sflag:s15] =	ssyncadd.s32 $0xFFFFD900  }
0xa2: {  	_ = 	snop  }
.LBB2_8:
0xa3: {  	_ =	sfence.sel $0x180000  }
0xa4: {  	[bflag:$0x0] =	sbarrier.arrive $0xFFFF  }
0xa5: {  	p0 =	sne.s32 s1, $0x0;
	_ =	strace $0x90000047  }
0xa6: {  	s0 =	sadd.s32 @!p0 $0x100000, s0;
	[bflag:$0x2] =	sbarrier.arrive $0xFFFF  }
0xa7: {  	[sflag:s0] =	ssyncadd.tile.s32 @!p0 $0x1;
	_ =	shalt  }
.Lfunc_end2:
_tile_overlayer_lowered:
.L_overlay_start_2:
0xa8: {  	(tag) =	ssettag $0x2  }
0xa9: {  	s0 =	rddreg [dreg:$0x0];
	s2 =	stileid.u32  }
0xaa: {  	s1 =	rddreg [dreg:$0x1];
	p0 =	sne.s32 s2, $0x0  }
0xab: {  	s3 =	rddreg [dreg:$0x2];
	[bflag:$0x3] =	sbarrier.arrive $0xFFFF;
	s2 =	simm.s32 @!p0 $0x1C01  }
0xac: {  	[timem:s3], [sflag:s2] =	dma.local @!p0 [hbm:s0], s1  }
0xad: {  	s0 =	simm.s32 @!p0 $0x1  }
0xae: {  	_ =	swait.ge @!p0 [sflag:s0], s1  }
0xaf: {  	s1 =	ssub.s32 @!p0 $0x0, s1;
	[sflag:s0] =	ssyncset.done @!p0 $0x0  }
0xb0: {  	[sflag:s0] =	ssyncadd.s32 @!p0 s1  }
0xb1: {  	[bflag:$0x3] =	sbarrier.arrive $0xFFFF  }
0xb2: {  	_ =	shalt  }

</sc_bundles>
